<compile_context>
chip_gen: v7x
topology: tpu7x:2x2x1
jax: 0.10.2.dev20260603
libtpu: 0.0.44.dev20260713+nightly
codegen_flags: <defaults>
</compile_context>

<pallas_src>
import functools

import jax
import jax.numpy as jnp
from jax import lax
from jax.experimental import pallas as pl
from jax.experimental.pallas import tpu as pltpu
from jax.experimental.pallas import tpu_sc as plsc

N_NODES_PAD = 100096
N_UPD = 2 * 6400000
NC, NS = 2, 16
NW = NC * NS
PER_W = N_UPD // NW
CHUNK = 8000
N_CHUNK = PER_W // CHUNK
SLICE = N_NODES_PAD // NS
NVREG = SLICE // 16


def _body(idx_hbm, val_hbm, out_hbm, idx_v, val_v, red_v, acc16_v, acc_sh):
    cid = lax.axis_index("c")
    sid = lax.axis_index("s")
    wid = sid * NC + cid

    def _zero(i, _):
        red_v[pl.ds(i * 16, 16)] = jnp.zeros((16,), jnp.float32)
        return 0

    lax.fori_loop(0, NVREG, _zero, 0)
    pltpu.sync_copy(red_v, acc_sh.at[pl.ds(sid * SLICE, SLICE)])
    plsc.subcore_barrier()

    base = wid * PER_W
    for k in range(N_CHUNK):
        off = base + k * CHUNK
        pltpu.sync_copy(idx_hbm.at[pl.ds(off, CHUNK)], idx_v)
        pltpu.sync_copy(val_hbm.at[pl.ds(off, CHUNK)], val_v)
        pltpu.sync_copy(val_v, acc_sh.at[idx_v], add=True)
    plsc.subcore_barrier()

    pltpu.sync_copy(acc_sh.at[pl.ds(sid * SLICE, SLICE)], red_v)

    def _red(j, a):
        return a + red_v[pl.ds(j * 16, 16)]

    acc16_v[...] = lax.fori_loop(0, NVREG, _red, jnp.zeros((16,), jnp.float32))
    pltpu.sync_copy(acc16_v, out_hbm.at[wid])


@jax.jit
def _run(idx, val):
    mesh = plsc.VectorSubcoreMesh(core_axis_name="c", subcore_axis_name="s")
    f = functools.partial(
        pl.kernel,
        mesh=mesh,
        out_type=jax.ShapeDtypeStruct((NW, 16), jnp.float32),
        scratch_types=[
            pltpu.VMEM((CHUNK,), jnp.int32),
            pltpu.VMEM((CHUNK,), jnp.float32),
            pltpu.VMEM((SLICE,), jnp.float32),
            pltpu.VMEM((16,), jnp.float32),
            pltpu.VMEM_SHARED((N_NODES_PAD,), jnp.float32),
        ],
    )(_body)
    return f(idx, val)


def kernel(pred, target, flow, c_flow):
    src = flow[:, 0].astype(jnp.int32)
    dst = flow[:, 1].astype(jnp.int32)
    vals = flow[:, 2]
    idx = jnp.concatenate([src, dst])
    val = jnp.concatenate([vals, -vals])
    partials = _run(idx, val)
    return jnp.sum(partials)

# --- scband reference (transcript-rebuilt; emitter-appended) ---
"""Pipeline reference for scband-combine-loss-87290915324262 (READ-ONLY COPY).

The authoritative reference and input builder live on the scoring server;
editing this copy changes nothing except your own understanding.
"""

import jax, jax.numpy as jnp
import numpy as np

N_NODES = 100000
N_EDGES = 6400000


def setup_inputs(seed: int = 0) -> dict:
    key = jax.random.key(seed)
    k1, k2, k3, k4, k5, k6 = jax.random.split(key, 6)
    pred = jax.random.normal(k1, (N_EDGES,), dtype=jnp.float32)
    target = jax.random.normal(k2, (N_EDGES,), dtype=jnp.float32)
    src = jax.random.randint(k3, (N_EDGES,), 0, N_NODES)
    dst = jax.random.randint(k4, (N_EDGES,), 0, N_NODES)
    vals = jax.random.normal(k5, (N_EDGES,), dtype=jnp.float32)
    flow = jnp.stack([src.astype(jnp.float32), dst.astype(jnp.float32), vals], axis=1)
    c_flow = jax.random.uniform(k6, (N_EDGES, 3), dtype=jnp.float32)
    return {"pred": pred, "target": target, "flow": flow, "c_flow": c_flow}


def reference(pred, target, flow, c_flow):
    # Mass_conservation_loss: for each flow row (src, dst, val):
    #   nodes[src] += val; nodes[dst] -= val; then sum over all node totals.
    # Vectorized as scatter-add over node ids (original torch code does this
    # with a python dict loop; math is identical).
    src = flow[:, 0].astype(jnp.int32)
    dst = flow[:, 1].astype(jnp.int32)
    vals = flow[:, 2]
    nodes = jnp.zeros((N_NODES,), dtype=jnp.float32)
    nodes = nodes.at[src].add(vals)
    nodes = nodes.at[dst].add(-vals)
    return jnp.sum(nodes)

if __name__ == "__main__":
    import jax
    _d = setup_inputs()
    print(jax.jit(kernel)(*tuple(_d.values())))

</pallas_src>

<mosaic_0001>
#map = affine_map<(d0, d1) -> (0)>
#map1 = affine_map<(d0, d1) -> (0, 0)>
module attributes {stable_mosaic.version = 14 : i64} {
  func.func @_body(%arg0: i32, %arg1: i32, %arg2: memref<12800000xi32, #tpu.memory_space<hbm>>, %arg3: memref<12800000xf32, #tpu.memory_space<hbm>>, %arg4: memref<32x16xf32, #tpu.memory_space<hbm>>, %arg5: memref<8000xi32, #tpu.memory_space<vmem>>, %arg6: memref<8000xf32, #tpu.memory_space<vmem>>, %arg7: memref<6256xf32, #tpu.memory_space<vmem>>, %arg8: memref<16xf32, #tpu.memory_space<vmem>>, %arg9: memref<100096xf32, #tpu.memory_space<vmem_shared>>) attributes {dimension_semantics = [#tpu.dimension_semantics<core_parallel>, #tpu.dimension_semantics<subcore_parallel>], iteration_bounds = array<i64: 2, 16>, scalar_prefetch = 0 : i64, scratch_operands = 5 : i64, tpu.core_type = #tpu.core_type<sc_vector_subcore>, window_params = [{transform_indices = #map}, {transform_indices = #map}, {transform_indices = #map1}]} {
    %mul3A = arith.constant 2 : i32
    %mul3A_0 = arith.muli %arg1, %mul3A : i32
    %add3A = arith.addi %mul3A_0, %arg0 : i32
    %scan3A = arith.constant 0 : i32
    %scan3A_1 = arith.constant 0 : i32
    %scan3A_2 = arith.constant 391 : i32
    %scan3A_3 = arith.addi %scan3A_1, %scan3A_2 : i32
    %scan3A_4 = arith.constant 1 : i32
    %scan3A_5 = scf.for %scan3A_124 = %scan3A_1 to %scan3A_3 step %scan3A_4 iter_args(%scan3A_125 = %scan3A) -> (i32)  : i32 {
      %broadcast_in_dim3A_126 = arith.constant 0.000000e+00 : f32
      %broadcast_in_dim3A_127 = vector.broadcast %broadcast_in_dim3A_126 : f32 to vector<16xf32>
      %mul3A_128 = arith.constant 16 : i32
      %mul3A_129 = arith.muli %scan3A_124, %mul3A_128 : i32
      %swap3A_130 = arith.index_cast %mul3A_129 : i32 to index
      %swap3A_131 = tpu.vector_load %arg7[%swap3A_130] {strides = array<i32>} : memref<6256xf32, #tpu.memory_space<vmem>>, vector<16xf32>,
      %swap3A_132 = vector.shape_cast %swap3A_131 : vector<16xf32> to vector<16xf32>
      %swap3A_133 = vector.shape_cast %broadcast_in_dim3A_127 : vector<16xf32> to vector<16xf32>
      tpu.vector_store %arg7[%swap3A_130], %swap3A_133 {strides = array<i32>} : memref<6256xf32, #tpu.memory_space<vmem>>, vector<16xf32>,
      %scan3A_134 = arith.constant 0 : i32
      scf.yield %scan3A_134 : i32
    }
    %scan3A_6 = arith.constant 391 : i32
    %mul3A_7 = arith.constant 6256 : i32
    %mul3A_8 = arith.muli %arg1, %mul3A_7 : i32
    "tpu.region"() ({
      %run_scoped3A = tpu.sem_alloc : memref<!tpu.dma_semaphore, #tpu.memory_space<semaphore_mem>>
      %dma_start3A = tpu.memref_slice %arg9[%mul3A_8] : memref<100096xf32, #tpu.memory_space<vmem_shared>> -> memref<6256xf32, #tpu.memory_space<vmem_shared>>
      %dma_start3A_124 = tpu.memref_slice %arg9[%mul3A_8] : memref<100096xf32, #tpu.memory_space<vmem_shared>> -> memref<6256xf32, #tpu.memory_space<vmem_shared>>
      tpu.enqueue_dma source(%arg7 : memref<6256xf32, #tpu.memory_space<vmem>>) target(%dma_start3A_124 : memref<6256xf32, #tpu.memory_space<vmem_shared>>) target_semaphore(%run_scoped3A : memref<!tpu.dma_semaphore, #tpu.memory_space<semaphore_mem>>)
      %dma_wait3A = tpu.memref_slice %arg9[%mul3A_8] : memref<100096xf32, #tpu.memory_space<vmem_shared>> -> memref<6256xf32, #tpu.memory_space<vmem_shared>>
      %dma_wait3A_125 = tpu.memref_slice %arg9[%mul3A_8] : memref<100096xf32, #tpu.memory_space<vmem_shared>> -> memref<6256xf32, #tpu.memory_space<vmem_shared>>
      tpu.wait_dma2 semaphore(%run_scoped3A : memref<!tpu.dma_semaphore, #tpu.memory_space<semaphore_mem>>) src(%arg7 : memref<6256xf32, #tpu.memory_space<vmem>>) dst(%dma_wait3A_125 : memref<6256xf32, #tpu.memory_space<vmem_shared>>)
      tpu.yield
    }) : () -> ()
    %barrier3A = arith.constant 0 : index
    tpu.barrier barrier_id(%barrier3A)
    %mul3A_9 = arith.constant 400000 : i32
    %mul3A_10 = arith.muli %add3A, %mul3A_9 : i32
    %add3A_11 = arith.constant 0 : i32
    %add3A_12 = arith.addi %mul3A_10, %add3A_11 : i32
    "tpu.region"() ({
      %run_scoped3A = tpu.sem_alloc : memref<!tpu.dma_semaphore, #tpu.memory_space<semaphore_mem>>
      %dma_start3A = tpu.memref_slice %arg2[%add3A_12] : memref<12800000xi32, #tpu.memory_space<hbm>> -> memref<8000xi32, #tpu.memory_space<hbm>>
      %dma_start3A_124 = tpu.memref_slice %arg2[%add3A_12] : memref<12800000xi32, #tpu.memory_space<hbm>> -> memref<8000xi32, #tpu.memory_space<hbm>>
      tpu.enqueue_dma source(%dma_start3A_124 : memref<8000xi32, #tpu.memory_space<hbm>>) target(%arg5 : memref<8000xi32, #tpu.memory_space<vmem>>) target_semaphore(%run_scoped3A : memref<!tpu.dma_semaphore, #tpu.memory_space<semaphore_mem>>)
      %dma_wait3A = tpu.memref_slice %arg2[%add3A_12] : memref<12800000xi32, #tpu.memory_space<hbm>> -> memref<8000xi32, #tpu.memory_space<hbm>>
      %dma_wait3A_125 = tpu.memref_slice %arg2[%add3A_12] : memref<12800000xi32, #tpu.memory_space<hbm>> -> memref<8000xi32, #tpu.memory_space<hbm>>
      tpu.wait_dma2 semaphore(%run_scoped3A : memref<!tpu.dma_semaphore, #tpu.memory_space<semaphore_mem>>) src(%dma_wait3A_125 : memref<8000xi32, #tpu.memory_space<hbm>>) dst(%arg5 : memref<8000xi32, #tpu.memory_space<vmem>>)
      tpu.yield
    }) : () -> ()
    "tpu.region"() ({
      %run_scoped3A = tpu.sem_alloc : memref<!tpu.dma_semaphore, #tpu.memory_space<semaphore_mem>>
      %dma_start3A = tpu.memref_slice %arg3[%add3A_12] : memref<12800000xf32, #tpu.memory_space<hbm>> -> memref<8000xf32, #tpu.memory_space<hbm>>
      %dma_start3A_124 = tpu.memref_slice %arg3[%add3A_12] : memref<12800000xf32, #tpu.memory_space<hbm>> -> memref<8000xf32, #tpu.memory_space<hbm>>
      tpu.enqueue_dma source(%dma_start3A_124 : memref<8000xf32, #tpu.memory_space<hbm>>) target(%arg6 : memref<8000xf32, #tpu.memory_space<vmem>>) target_semaphore(%run_scoped3A : memref<!tpu.dma_semaphore, #tpu.memory_space<semaphore_mem>>)
      %dma_wait3A = tpu.memref_slice %arg3[%add3A_12] : memref<12800000xf32, #tpu.memory_space<hbm>> -> memref<8000xf32, #tpu.memory_space<hbm>>
      %dma_wait3A_125 = tpu.memref_slice %arg3[%add3A_12] : memref<12800000xf32, #tpu.memory_space<hbm>> -> memref<8000xf32, #tpu.memory_space<hbm>>
      tpu.wait_dma2 semaphore(%run_scoped3A : memref<!tpu.dma_semaphore, #tpu.memory_space<semaphore_mem>>) src(%dma_wait3A_125 : memref<8000xf32, #tpu.memory_space<hbm>>) dst(%arg6 : memref<8000xf32, #tpu.memory_space<vmem>>)
      tpu.yield
    }) : () -> ()
    "tpu.region"() ({
      %run_scoped3A = tpu.sem_alloc : memref<!tpu.dma_semaphore, #tpu.memory_space<semaphore_mem>>
      %dma_start3A = arith.constant 0 : i32
      %dma_start3A_124 = tpu.memref_slice %arg9[%dma_start3A] : memref<100096xf32, #tpu.memory_space<vmem_shared>> -> memref<100096xf32, #tpu.memory_space<vmem_shared>>
      tpu.enqueue_indirect_dma source(%arg6 : memref<8000xf32, #tpu.memory_space<vmem>>) target(%dma_start3A_124 : memref<100096xf32, #tpu.memory_space<vmem_shared>>) offsets(%arg5 : memref<8000xi32, #tpu.memory_space<vmem>>) semaphore(%run_scoped3A : memref<!tpu.dma_semaphore, #tpu.memory_space<semaphore_mem>>) {add = true}
      %dma_wait3A = arith.constant 0 : i32
      %dma_wait3A_125 = tpu.memref_slice %arg9[%dma_wait3A] : memref<100096xf32, #tpu.memory_space<vmem_shared>> -> memref<100096xf32, #tpu.memory_space<vmem_shared>>
      tpu.wait_indirect_dma semaphore(%run_scoped3A : memref<!tpu.dma_semaphore, #tpu.memory_space<semaphore_mem>>) src(%arg6 : memref<8000xf32, #tpu.memory_space<vmem>>) dst(%dma_wait3A_125 : memref<100096xf32, #tpu.memory_space<vmem_shared>>)
      tpu.yield
    }) : () -> ()
    %add3A_13 = arith.constant 8000 : i32
    %add3A_14 = arith.addi %mul3A_10, %add3A_13 : i32
    "tpu.region"() ({
      %run_scoped3A = tpu.sem_alloc : memref<!tpu.dma_semaphore, #tpu.memory_space<semaphore_mem>>
      %dma_start3A = tpu.memref_slice %arg2[%add3A_14] : memref<12800000xi32, #tpu.memory_space<hbm>> -> memref<8000xi32, #tpu.memory_space<hbm>>
      %dma_start3A_124 = tpu.memref_slice %arg2[%add3A_14] : memref<12800000xi32, #tpu.memory_space<hbm>> -> memref<8000xi32, #tpu.memory_space<hbm>>
      tpu.enqueue_dma source(%dma_start3A_124 : memref<8000xi32, #tpu.memory_space<hbm>>) target(%arg5 : memref<8000xi32, #tpu.memory_space<vmem>>) target_semaphore(%run_scoped3A : memref<!tpu.dma_semaphore, #tpu.memory_space<semaphore_mem>>)
      %dma_wait3A = tpu.memref_slice %arg2[%add3A_14] : memref<12800000xi32, #tpu.memory_space<hbm>> -> memref<8000xi32, #tpu.memory_space<hbm>>
      %dma_wait3A_125 = tpu.memref_slice %arg2[%add3A_14] : memref<12800000xi32, #tpu.memory_space<hbm>> -> memref<8000xi32, #tpu.memory_space<hbm>>
      tpu.wait_dma2 semaphore(%run_scoped3A : memref<!tpu.dma_semaphore, #tpu.memory_space<semaphore_mem>>) src(%dma_wait3A_125 : memref<8000xi32, #tpu.memory_space<hbm>>) dst(%arg5 : memref<8000xi32, #tpu.memory_space<vmem>>)
      tpu.yield
    }) : () -> ()
    "tpu.region"() ({
      %run_scoped3A = tpu.sem_alloc : memref<!tpu.dma_semaphore, #tpu.memory_space<semaphore_mem>>
      %dma_start3A = tpu.memref_slice %arg3[%add3A_14] : memref<12800000xf32, #tpu.memory_space<hbm>> -> memref<8000xf32, #tpu.memory_space<hbm>>
      %dma_start3A_124 = tpu.memref_slice %arg3[%add3A_14] : memref<12800000xf32, #tpu.memory_space<hbm>> -> memref<8000xf32, #tpu.memory_space<hbm>>
      tpu.enqueue_dma source(%dma_start3A_124 : memref<8000xf32, #tpu.memory_space<hbm>>) target(%arg6 : memref<8000xf32, #tpu.memory_space<vmem>>) target_semaphore(%run_scoped3A : memref<!tpu.dma_semaphore, #tpu.memory_space<semaphore_mem>>)
      %dma_wait3A = tpu.memref_slice %arg3[%add3A_14] : memref<12800000xf32, #tpu.memory_space<hbm>> -> memref<8000xf32, #tpu.memory_space<hbm>>
      %dma_wait3A_125 = tpu.memref_slice %arg3[%add3A_14] : memref<12800000xf32, #tpu.memory_space<hbm>> -> memref<8000xf32, #tpu.memory_space<hbm>>
      tpu.wait_dma2 semaphore(%run_scoped3A : memref<!tpu.dma_semaphore, #tpu.memory_space<semaphore_mem>>) src(%dma_wait3A_125 : memref<8000xf32, #tpu.memory_space<hbm>>) dst(%arg6 : memref<8000xf32, #tpu.memory_space<vmem>>)
      tpu.yield
    }) : () -> ()
    "tpu.region"() ({
      %run_scoped3A = tpu.sem_alloc : memref<!tpu.dma_semaphore, #tpu.memory_space<semaphore_mem>>
      %dma_start3A = arith.constant 0 : i32
      %dma_start3A_124 = tpu.memref_slice %arg9[%dma_start3A] : memref<100096xf32, #tpu.memory_space<vmem_shared>> -> memref<100096xf32, #tpu.memory_space<vmem_shared>>
      tpu.enqueue_indirect_dma source(%arg6 : memref<8000xf32, #tpu.memory_space<vmem>>) target(%dma_start3A_124 : memref<100096xf32, #tpu.memory_space<vmem_shared>>) offsets(%arg5 : memref<8000xi32, #tpu.memory_space<vmem>>) semaphore(%run_scoped3A : memref<!tpu.dma_semaphore, #tpu.memory_space<semaphore_mem>>) {add = true}
      %dma_wait3A = arith.constant 0 : i32
      %dma_wait3A_125 = tpu.memref_slice %arg9[%dma_wait3A] : memref<100096xf32, #tpu.memory_space<vmem_shared>> -> memref<100096xf32, #tpu.memory_space<vmem_shared>>
      tpu.wait_indirect_dma semaphore(%run_scoped3A : memref<!tpu.dma_semaphore, #tpu.memory_space<semaphore_mem>>) src(%arg6 : memref<8000xf32, #tpu.memory_space<vmem>>) dst(%dma_wait3A_125 : memref<100096xf32, #tpu.memory_space<vmem_shared>>)
      tpu.yield
    }) : () -> ()
    %add3A_15 = arith.constant 16000 : i32
    %add3A_16 = arith.addi %mul3A_10, %add3A_15 : i32
    "tpu.region"() ({
      %run_scoped3A = tpu.sem_alloc : memref<!tpu.dma_semaphore, #tpu.memory_space<semaphore_mem>>
      %dma_start3A = tpu.memref_slice %arg2[%add3A_16] : memref<12800000xi32, #tpu.memory_space<hbm>> -> memref<8000xi32, #tpu.memory_space<hbm>>
      %dma_start3A_124 = tpu.memref_slice %arg2[%add3A_16] : memref<12800000xi32, #tpu.memory_space<hbm>> -> memref<8000xi32, #tpu.memory_space<hbm>>
      tpu.enqueue_dma source(%dma_start3A_124 : memref<8000xi32, #tpu.memory_space<hbm>>) target(%arg5 : memref<8000xi32, #tpu.memory_space<vmem>>) target_semaphore(%run_scoped3A : memref<!tpu.dma_semaphore, #tpu.memory_space<semaphore_mem>>)
      %dma_wait3A = tpu.memref_slice %arg2[%add3A_16] : memref<12800000xi32, #tpu.memory_space<hbm>> -> memref<8000xi32, #tpu.memory_space<hbm>>
      %dma_wait3A_125 = tpu.memref_slice %arg2[%add3A_16] : memref<12800000xi32, #tpu.memory_space<hbm>> -> memref<8000xi32, #tpu.memory_space<hbm>>
      tpu.wait_dma2 semaphore(%run_scoped3A : memref<!tpu.dma_semaphore, #tpu.memory_space<semaphore_mem>>) src(%dma_wait3A_125 : memref<8000xi32, #tpu.memory_space<hbm>>) dst(%arg5 : memref<8000xi32, #tpu.memory_space<vmem>>)
      tpu.yield
    }) : () -> ()
    "tpu.region"() ({
      %run_scoped3A = tpu.sem_alloc : memref<!tpu.dma_semaphore, #tpu.memory_space<semaphore_mem>>
      %dma_start3A = tpu.memref_slice %arg3[%add3A_16] : memref<12800000xf32, #tpu.memory_space<hbm>> -> memref<8000xf32, #tpu.memory_space<hbm>>
      %dma_start3A_124 = tpu.memref_slice %arg3[%add3A_16] : memref<12800000xf32, #tpu.memory_space<hbm>> -> memref<8000xf32, #tpu.memory_space<hbm>>
      tpu.enqueue_dma source(%dma_start3A_124 : memref<8000xf32, #tpu.memory_space<hbm>>) target(%arg6 : memref<8000xf32, #tpu.memory_space<vmem>>) target_semaphore(%run_scoped3A : memref<!tpu.dma_semaphore, #tpu.memory_space<semaphore_mem>>)
      %dma_wait3A = tpu.memref_slice %arg3[%add3A_16] : memref<12800000xf32, #tpu.memory_space<hbm>> -> memref<8000xf32, #tpu.memory_space<hbm>>
      %dma_wait3A_125 = tpu.memref_slice %arg3[%add3A_16] : memref<12800000xf32, #tpu.memory_space<hbm>> -> memref<8000xf32, #tpu.memory_space<hbm>>
      tpu.wait_dma2 semaphore(%run_scoped3A : memref<!tpu.dma_semaphore, #tpu.memory_space<semaphore_mem>>) src(%dma_wait3A_125 : memref<8000xf32, #tpu.memory_space<hbm>>) dst(%arg6 : memref<8000xf32, #tpu.memory_space<vmem>>)
      tpu.yield
    }) : () -> ()
    "tpu.region"() ({
      %run_scoped3A = tpu.sem_alloc : memref<!tpu.dma_semaphore, #tpu.memory_space<semaphore_mem>>
      %dma_start3A = arith.constant 0 : i32
      %dma_start3A_124 = tpu.memref_slice %arg9[%dma_start3A] : memref<100096xf32, #tpu.memory_space<vmem_shared>> -> memref<100096xf32, #tpu.memory_space<vmem_shared>>
      tpu.enqueue_indirect_dma source(%arg6 : memref<8000xf32, #tpu.memory_space<vmem>>) target(%dma_start3A_124 : memref<100096xf32, #tpu.memory_space<vmem_shared>>) offsets(%arg5 : memref<8000xi32, #tpu.memory_space<vmem>>) semaphore(%run_scoped3A : memref<!tpu.dma_semaphore, #tpu.memory_space<semaphore_mem>>) {add = true}
      %dma_wait3A = arith.constant 0 : i32
      %dma_wait3A_125 = tpu.memref_slice %arg9[%dma_wait3A] : memref<100096xf32, #tpu.memory_space<vmem_shared>> -> memref<100096xf32, #tpu.memory_space<vmem_shared>>
      tpu.wait_indirect_dma semaphore(%run_scoped3A : memref<!tpu.dma_semaphore, #tpu.memory_space<semaphore_mem>>) src(%arg6 : memref<8000xf32, #tpu.memory_space<vmem>>) dst(%dma_wait3A_125 : memref<100096xf32, #tpu.memory_space<vmem_shared>>)
      tpu.yield
    }) : () -> ()
    %add3A_17 = arith.constant 24000 : i32
    %add3A_18 = arith.addi %mul3A_10, %add3A_17 : i32
    "tpu.region"() ({
      %run_scoped3A = tpu.sem_alloc : memref<!tpu.dma_semaphore, #tpu.memory_space<semaphore_mem>>
      %dma_start3A = tpu.memref_slice %arg2[%add3A_18] : memref<12800000xi32, #tpu.memory_space<hbm>> -> memref<8000xi32, #tpu.memory_space<hbm>>
      %dma_start3A_124 = tpu.memref_slice %arg2[%add3A_18] : memref<12800000xi32, #tpu.memory_space<hbm>> -> memref<8000xi32, #tpu.memory_space<hbm>>
      tpu.enqueue_dma source(%dma_start3A_124 : memref<8000xi32, #tpu.memory_space<hbm>>) target(%arg5 : memref<8000xi32, #tpu.memory_space<vmem>>) target_semaphore(%run_scoped3A : memref<!tpu.dma_semaphore, #tpu.memory_space<semaphore_mem>>)
      %dma_wait3A = tpu.memref_slice %arg2[%add3A_18] : memref<12800000xi32, #tpu.memory_space<hbm>> -> memref<8000xi32, #tpu.memory_space<hbm>>
      %dma_wait3A_125 = tpu.memref_slice %arg2[%add3A_18] : memref<12800000xi32, #tpu.memory_space<hbm>> -> memref<8000xi32, #tpu.memory_space<hbm>>
      tpu.wait_dma2 semaphore(%run_scoped3A : memref<!tpu.dma_semaphore, #tpu.memory_space<semaphore_mem>>) src(%dma_wait3A_125 : memref<8000xi32, #tpu.memory_space<hbm>>) dst(%arg5 : memref<8000xi32, #tpu.memory_space<vmem>>)
      tpu.yield
    }) : () -> ()
    "tpu.region"() ({
      %run_scoped3A = tpu.sem_alloc : memref<!tpu.dma_semaphore, #tpu.memory_space<semaphore_mem>>
      %dma_start3A = tpu.memref_slice %arg3[%add3A_18] : memref<12800000xf32, #tpu.memory_space<hbm>> -> memref<8000xf32, #tpu.memory_space<hbm>>
      %dma_start3A_124 = tpu.memref_slice %arg3[%add3A_18] : memref<12800000xf32, #tpu.memory_space<hbm>> -> memref<8000xf32, #tpu.memory_space<hbm>>
      tpu.enqueue_dma source(%dma_start3A_124 : memref<8000xf32, #tpu.memory_space<hbm>>) target(%arg6 : memref<8000xf32, #tpu.memory_space<vmem>>) target_semaphore(%run_scoped3A : memref<!tpu.dma_semaphore, #tpu.memory_space<semaphore_mem>>)
      %dma_wait3A = tpu.memref_slice %arg3[%add3A_18] : memref<12800000xf32, #tpu.memory_space<hbm>> -> memref<8000xf32, #tpu.memory_space<hbm>>
      %dma_wait3A_125 = tpu.memref_slice %arg3[%add3A_18] : memref<12800000xf32, #tpu.memory_space<hbm>> -> memref<8000xf32, #tpu.memory_space<hbm>>
      tpu.wait_dma2 semaphore(%run_scoped3A : memref<!tpu.dma_semaphore, #tpu.memory_space<semaphore_mem>>) src(%dma_wait3A_125 : memref<8000xf32, #tpu.memory_space<hbm>>) dst(%arg6 : memref<8000xf32, #tpu.memory_space<vmem>>)
      tpu.yield
    }) : () -> ()
    "tpu.region"() ({
      %run_scoped3A = tpu.sem_alloc : memref<!tpu.dma_semaphore, #tpu.memory_space<semaphore_mem>>
      %dma_start3A = arith.constant 0 : i32
      %dma_start3A_124 = tpu.memref_slice %arg9[%dma_start3A] : memref<100096xf32, #tpu.memory_space<vmem_shared>> -> memref<100096xf32, #tpu.memory_space<vmem_shared>>
      tpu.enqueue_indirect_dma source(%arg6 : memref<8000xf32, #tpu.memory_space<vmem>>) target(%dma_start3A_124 : memref<100096xf32, #tpu.memory_space<vmem_shared>>) offsets(%arg5 : memref<8000xi32, #tpu.memory_space<vmem>>) semaphore(%run_scoped3A : memref<!tpu.dma_semaphore, #tpu.memory_space<semaphore_mem>>) {add = true}
      %dma_wait3A = arith.constant 0 : i32
      %dma_wait3A_125 = tpu.memref_slice %arg9[%dma_wait3A] : memref<100096xf32, #tpu.memory_space<vmem_shared>> -> memref<100096xf32, #tpu.memory_space<vmem_shared>>
      tpu.wait_indirect_dma semaphore(%run_scoped3A : memref<!tpu.dma_semaphore, #tpu.memory_space<semaphore_mem>>) src(%arg6 : memref<8000xf32, #tpu.memory_space<vmem>>) dst(%dma_wait3A_125 : memref<100096xf32, #tpu.memory_space<vmem_shared>>)
      tpu.yield
    }) : () -> ()
    %add3A_19 = arith.constant 32000 : i32
    %add3A_20 = arith.addi %mul3A_10, %add3A_19 : i32
    "tpu.region"() ({
      %run_scoped3A = tpu.sem_alloc : memref<!tpu.dma_semaphore, #tpu.memory_space<semaphore_mem>>
      %dma_start3A = tpu.memref_slice %arg2[%add3A_20] : memref<12800000xi32, #tpu.memory_space<hbm>> -> memref<8000xi32, #tpu.memory_space<hbm>>
      %dma_start3A_124 = tpu.memref_slice %arg2[%add3A_20] : memref<12800000xi32, #tpu.memory_space<hbm>> -> memref<8000xi32, #tpu.memory_space<hbm>>
      tpu.enqueue_dma source(%dma_start3A_124 : memref<8000xi32, #tpu.memory_space<hbm>>) target(%arg5 : memref<8000xi32, #tpu.memory_space<vmem>>) target_semaphore(%run_scoped3A : memref<!tpu.dma_semaphore, #tpu.memory_space<semaphore_mem>>)
      %dma_wait3A = tpu.memref_slice %arg2[%add3A_20] : memref<12800000xi32, #tpu.memory_space<hbm>> -> memref<8000xi32, #tpu.memory_space<hbm>>
      %dma_wait3A_125 = tpu.memref_slice %arg2[%add3A_20] : memref<12800000xi32, #tpu.memory_space<hbm>> -> memref<8000xi32, #tpu.memory_space<hbm>>
      tpu.wait_dma2 semaphore(%run_scoped3A : memref<!tpu.dma_semaphore, #tpu.memory_space<semaphore_mem>>) src(%dma_wait3A_125 : memref<8000xi32, #tpu.memory_space<hbm>>) dst(%arg5 : memref<8000xi32, #tpu.memory_space<vmem>>)
      tpu.yield
    }) : () -> ()
    "tpu.region"() ({
      %run_scoped3A = tpu.sem_alloc : memref<!tpu.dma_semaphore, #tpu.memory_space<semaphore_mem>>
      %dma_start3A = tpu.memref_slice %arg3[%add3A_20] : memref<12800000xf32, #tpu.memory_space<hbm>> -> memref<8000xf32, #tpu.memory_space<hbm>>
      %dma_start3A_124 = tpu.memref_slice %arg3[%add3A_20] : memref<12800000xf32, #tpu.memory_space<hbm>> -> memref<8000xf32, #tpu.memory_space<hbm>>
      tpu.enqueue_dma source(%dma_start3A_124 : memref<8000xf32, #tpu.memory_space<hbm>>) target(%arg6 : memref<8000xf32, #tpu.memory_space<vmem>>) target_semaphore(%run_scoped3A : memref<!tpu.dma_semaphore, #tpu.memory_space<semaphore_mem>>)
      %dma_wait3A = tpu.memref_slice %arg3[%add3A_20] : memref<12800000xf32, #tpu.memory_space<hbm>> -> memref<8000xf32, #tpu.memory_space<hbm>>
      %dma_wait3A_125 = tpu.memref_slice %arg3[%add3A_20] : memref<12800000xf32, #tpu.memory_space<hbm>> -> memref<8000xf32, #tpu.memory_space<hbm>>
      tpu.wait_dma2 semaphore(%run_scoped3A : memref<!tpu.dma_semaphore, #tpu.memory_space<semaphore_mem>>) src(%dma_wait3A_125 : memref<8000xf32, #tpu.memory_space<hbm>>) dst(%arg6 : memref<8000xf32, #tpu.memory_space<vmem>>)
      tpu.yield
    }) : () -> ()
    "tpu.region"() ({
      %run_scoped3A = tpu.sem_alloc : memref<!tpu.dma_semaphore, #tpu.memory_space<semaphore_mem>>
      %dma_start3A = arith.constant 0 : i32
      %dma_start3A_124 = tpu.memref_slice %arg9[%dma_start3A] : memref<100096xf32, #tpu.memory_space<vmem_shared>> -> memref<100096xf32, #tpu.memory_space<vmem_shared>>
      tpu.enqueue_indirect_dma source(%arg6 : memref<8000xf32, #tpu.memory_space<vmem>>) target(%dma_start3A_124 : memref<100096xf32, #tpu.memory_space<vmem_shared>>) offsets(%arg5 : memref<8000xi32, #tpu.memory_space<vmem>>) semaphore(%run_scoped3A : memref<!tpu.dma_semaphore, #tpu.memory_space<semaphore_mem>>) {add = true}
      %dma_wait3A = arith.constant 0 : i32
      %dma_wait3A_125 = tpu.memref_slice %arg9[%dma_wait3A] : memref<100096xf32, #tpu.memory_space<vmem_shared>> -> memref<100096xf32, #tpu.memory_space<vmem_shared>>
      tpu.wait_indirect_dma semaphore(%run_scoped3A : memref<!tpu.dma_semaphore, #tpu.memory_space<semaphore_mem>>) src(%arg6 : memref<8000xf32, #tpu.memory_space<vmem>>) dst(%dma_wait3A_125 : memref<100096xf32, #tpu.memory_space<vmem_shared>>)
      tpu.yield
    }) : () -> ()
    %add3A_21 = arith.constant 40000 : i32
    %add3A_22 = arith.addi %mul3A_10, %add3A_21 : i32
    "tpu.region"() ({
      %run_scoped3A = tpu.sem_alloc : memref<!tpu.dma_semaphore, #tpu.memory_space<semaphore_mem>>
      %dma_start3A = tpu.memref_slice %arg2[%add3A_22] : memref<12800000xi32, #tpu.memory_space<hbm>> -> memref<8000xi32, #tpu.memory_space<hbm>>
      %dma_start3A_124 = tpu.memref_slice %arg2[%add3A_22] : memref<12800000xi32, #tpu.memory_space<hbm>> -> memref<8000xi32, #tpu.memory_space<hbm>>
      tpu.enqueue_dma source(%dma_start3A_124 : memref<8000xi32, #tpu.memory_space<hbm>>) target(%arg5 : memref<8000xi32, #tpu.memory_space<vmem>>) target_semaphore(%run_scoped3A : memref<!tpu.dma_semaphore, #tpu.memory_space<semaphore_mem>>)
      %dma_wait3A = tpu.memref_slice %arg2[%add3A_22] : memref<12800000xi32, #tpu.memory_space<hbm>> -> memref<8000xi32, #tpu.memory_space<hbm>>
      %dma_wait3A_125 = tpu.memref_slice %arg2[%add3A_22] : memref<12800000xi32, #tpu.memory_space<hbm>> -> memref<8000xi32, #tpu.memory_space<hbm>>
      tpu.wait_dma2 semaphore(%run_scoped3A : memref<!tpu.dma_semaphore, #tpu.memory_space<semaphore_mem>>) src(%dma_wait3A_125 : memref<8000xi32, #tpu.memory_space<hbm>>) dst(%arg5 : memref<8000xi32, #tpu.memory_space<vmem>>)
      tpu.yield
    }) : () -> ()
    "tpu.region"() ({
      %run_scoped3A = tpu.sem_alloc : memref<!tpu.dma_semaphore, #tpu.memory_space<semaphore_mem>>
      %dma_start3A = tpu.memref_slice %arg3[%add3A_22] : memref<12800000xf32, #tpu.memory_space<hbm>> -> memref<8000xf32, #tpu.memory_space<hbm>>
      %dma_start3A_124 = tpu.memref_slice %arg3[%add3A_22] : memref<12800000xf32, #tpu.memory_space<hbm>> -> memref<8000xf32, #tpu.memory_space<hbm>>
      tpu.enqueue_dma source(%dma_start3A_124 : memref<8000xf32, #tpu.memory_space<hbm>>) target(%arg6 : memref<8000xf32, #tpu.memory_space<vmem>>) target_semaphore(%run_scoped3A : memref<!tpu.dma_semaphore, #tpu.memory_space<semaphore_mem>>)
      %dma_wait3A = tpu.memref_slice %arg3[%add3A_22] : memref<12800000xf32, #tpu.memory_space<hbm>> -> memref<8000xf32, #tpu.memory_space<hbm>>
      %dma_wait3A_125 = tpu.memref_slice %arg3[%add3A_22] : memref<12800000xf32, #tpu.memory_space<hbm>> -> memref<8000xf32, #tpu.memory_space<hbm>>
      tpu.wait_dma2 semaphore(%run_scoped3A : memref<!tpu.dma_semaphore, #tpu.memory_space<semaphore_mem>>) src(%dma_wait3A_125 : memref<8000xf32, #tpu.memory_space<hbm>>) dst(%arg6 : memref<8000xf32, #tpu.memory_space<vmem>>)
      tpu.yield
    }) : () -> ()
    "tpu.region"() ({
      %run_scoped3A = tpu.sem_alloc : memref<!tpu.dma_semaphore, #tpu.memory_space<semaphore_mem>>
      %dma_start3A = arith.constant 0 : i32
      %dma_start3A_124 = tpu.memref_slice %arg9[%dma_start3A] : memref<100096xf32, #tpu.memory_space<vmem_shared>> -> memref<100096xf32, #tpu.memory_space<vmem_shared>>
      tpu.enqueue_indirect_dma source(%arg6 : memref<8000xf32, #tpu.memory_space<vmem>>) target(%dma_start3A_124 : memref<100096xf32, #tpu.memory_space<vmem_shared>>) offsets(%arg5 : memref<8000xi32, #tpu.memory_space<vmem>>) semaphore(%run_scoped3A : memref<!tpu.dma_semaphore, #tpu.memory_space<semaphore_mem>>) {add = true}
      %dma_wait3A = arith.constant 0 : i32
      %dma_wait3A_125 = tpu.memref_slice %arg9[%dma_wait3A] : memref<100096xf32, #tpu.memory_space<vmem_shared>> -> memref<100096xf32, #tpu.memory_space<vmem_shared>>
      tpu.wait_indirect_dma semaphore(%run_scoped3A : memref<!tpu.dma_semaphore, #tpu.memory_space<semaphore_mem>>) src(%arg6 : memref<8000xf32, #tpu.memory_space<vmem>>) dst(%dma_wait3A_125 : memref<100096xf32, #tpu.memory_space<vmem_shared>>)
      tpu.yield
    }) : () -> ()
    %add3A_23 = arith.constant 48000 : i32
    %add3A_24 = arith.addi %mul3A_10, %add3A_23 : i32
    "tpu.region"() ({
      %run_scoped3A = tpu.sem_alloc : memref<!tpu.dma_semaphore, #tpu.memory_space<semaphore_mem>>
      %dma_start3A = tpu.memref_slice %arg2[%add3A_24] : memref<12800000xi32, #tpu.memory_space<hbm>> -> memref<8000xi32, #tpu.memory_space<hbm>>
      %dma_start3A_124 = tpu.memref_slice %arg2[%add3A_24] : memref<12800000xi32, #tpu.memory_space<hbm>> -> memref<8000xi32, #tpu.memory_space<hbm>>
      tpu.enqueue_dma source(%dma_start3A_124 : memref<8000xi32, #tpu.memory_space<hbm>>) target(%arg5 : memref<8000xi32, #tpu.memory_space<vmem>>) target_semaphore(%run_scoped3A : memref<!tpu.dma_semaphore, #tpu.memory_space<semaphore_mem>>)
      %dma_wait3A = tpu.memref_slice %arg2[%add3A_24] : memref<12800000xi32, #tpu.memory_space<hbm>> -> memref<8000xi32, #tpu.memory_space<hbm>>
      %dma_wait3A_125 = tpu.memref_slice %arg2[%add3A_24] : memref<12800000xi32, #tpu.memory_space<hbm>> -> memref<8000xi32, #tpu.memory_space<hbm>>
      tpu.wait_dma2 semaphore(%run_scoped3A : memref<!tpu.dma_semaphore, #tpu.memory_space<semaphore_mem>>) src(%dma_wait3A_125 : memref<8000xi32, #tpu.memory_space<hbm>>) dst(%arg5 : memref<8000xi32, #tpu.memory_space<vmem>>)
      tpu.yield
    }) : () -> ()
    "tpu.region"() ({
      %run_scoped3A = tpu.sem_alloc : memref<!tpu.dma_semaphore, #tpu.memory_space<semaphore_mem>>
      %dma_start3A = tpu.memref_slice %arg3[%add3A_24] : memref<12800000xf32, #tpu.memory_space<hbm>> -> memref<8000xf32, #tpu.memory_space<hbm>>
      %dma_start3A_124 = tpu.memref_slice %arg3[%add3A_24] : memref<12800000xf32, #tpu.memory_space<hbm>> -> memref<8000xf32, #tpu.memory_space<hbm>>
      tpu.enqueue_dma source(%dma_start3A_124 : memref<8000xf32, #tpu.memory_space<hbm>>) target(%arg6 : memref<8000xf32, #tpu.memory_space<vmem>>) target_semaphore(%run_scoped3A : memref<!tpu.dma_semaphore, #tpu.memory_space<semaphore_mem>>)
      %dma_wait3A = tpu.memref_slice %arg3[%add3A_24] : memref<12800000xf32, #tpu.memory_space<hbm>> -> memref<8000xf32, #tpu.memory_space<hbm>>
      %dma_wait3A_125 = tpu.memref_slice %arg3[%add3A_24] : memref<12800000xf32, #tpu.memory_space<hbm>> -> memref<8000xf32, #tpu.memory_space<hbm>>
      tpu.wait_dma2 semaphore(%run_scoped3A : memref<!tpu.dma_semaphore, #tpu.memory_space<semaphore_mem>>) src(%dma_wait3A_125 : memref<8000xf32, #tpu.memory_space<hbm>>) dst(%arg6 : memref<8000xf32, #tpu.memory_space<vmem>>)
      tpu.yield
    }) : () -> ()
    "tpu.region"() ({
      %run_scoped3A = tpu.sem_alloc : memref<!tpu.dma_semaphore, #tpu.memory_space<semaphore_mem>>
      %dma_start3A = arith.constant 0 : i32
      %dma_start3A_124 = tpu.memref_slice %arg9[%dma_start3A] : memref<100096xf32, #tpu.memory_space<vmem_shared>> -> memref<100096xf32, #tpu.memory_space<vmem_shared>>
      tpu.enqueue_indirect_dma source(%arg6 : memref<8000xf32, #tpu.memory_space<vmem>>) target(%dma_start3A_124 : memref<100096xf32, #tpu.memory_space<vmem_shared>>) offsets(%arg5 : memref<8000xi32, #tpu.memory_space<vmem>>) semaphore(%run_scoped3A : memref<!tpu.dma_semaphore, #tpu.memory_space<semaphore_mem>>) {add = true}
      %dma_wait3A = arith.constant 0 : i32
      %dma_wait3A_125 = tpu.memref_slice %arg9[%dma_wait3A] : memref<100096xf32, #tpu.memory_space<vmem_shared>> -> memref<100096xf32, #tpu.memory_space<vmem_shared>>
      tpu.wait_indirect_dma semaphore(%run_scoped3A : memref<!tpu.dma_semaphore, #tpu.memory_space<semaphore_mem>>) src(%arg6 : memref<8000xf32, #tpu.memory_space<vmem>>) dst(%dma_wait3A_125 : memref<100096xf32, #tpu.memory_space<vmem_shared>>)
      tpu.yield
    }) : () -> ()
    %add3A_25 = arith.constant 56000 : i32
    %add3A_26 = arith.addi %mul3A_10, %add3A_25 : i32
    "tpu.region"() ({
      %run_scoped3A = tpu.sem_alloc : memref<!tpu.dma_semaphore, #tpu.memory_space<semaphore_mem>>
      %dma_start3A = tpu.memref_slice %arg2[%add3A_26] : memref<12800000xi32, #tpu.memory_space<hbm>> -> memref<8000xi32, #tpu.memory_space<hbm>>
      %dma_start3A_124 = tpu.memref_slice %arg2[%add3A_26] : memref<12800000xi32, #tpu.memory_space<hbm>> -> memref<8000xi32, #tpu.memory_space<hbm>>
      tpu.enqueue_dma source(%dma_start3A_124 : memref<8000xi32, #tpu.memory_space<hbm>>) target(%arg5 : memref<8000xi32, #tpu.memory_space<vmem>>) target_semaphore(%run_scoped3A : memref<!tpu.dma_semaphore, #tpu.memory_space<semaphore_mem>>)
      %dma_wait3A = tpu.memref_slice %arg2[%add3A_26] : memref<12800000xi32, #tpu.memory_space<hbm>> -> memref<8000xi32, #tpu.memory_space<hbm>>
      %dma_wait3A_125 = tpu.memref_slice %arg2[%add3A_26] : memref<12800000xi32, #tpu.memory_space<hbm>> -> memref<8000xi32, #tpu.memory_space<hbm>>
      tpu.wait_dma2 semaphore(%run_scoped3A : memref<!tpu.dma_semaphore, #tpu.memory_space<semaphore_mem>>) src(%dma_wait3A_125 : memref<8000xi32, #tpu.memory_space<hbm>>) dst(%arg5 : memref<8000xi32, #tpu.memory_space<vmem>>)
      tpu.yield
    }) : () -> ()
    "tpu.region"() ({
      %run_scoped3A = tpu.sem_alloc : memref<!tpu.dma_semaphore, #tpu.memory_space<semaphore_mem>>
      %dma_start3A = tpu.memref_slice %arg3[%add3A_26] : memref<12800000xf32, #tpu.memory_space<hbm>> -> memref<8000xf32, #tpu.memory_space<hbm>>
      %dma_start3A_124 = tpu.memref_slice %arg3[%add3A_26] : memref<12800000xf32, #tpu.memory_space<hbm>> -> memref<8000xf32, #tpu.memory_space<hbm>>
      tpu.enqueue_dma source(%dma_start3A_124 : memref<8000xf32, #tpu.memory_space<hbm>>) target(%arg6 : memref<8000xf32, #tpu.memory_space<vmem>>) target_semaphore(%run_scoped3A : memref<!tpu.dma_semaphore, #tpu.memory_space<semaphore_mem>>)
      %dma_wait3A = tpu.memref_slice %arg3[%add3A_26] : memref<12800000xf32, #tpu.memory_space<hbm>> -> memref<8000xf32, #tpu.memory_space<hbm>>
      %dma_wait3A_125 = tpu.memref_slice %arg3[%add3A_26] : memref<12800000xf32, #tpu.memory_space<hbm>> -> memref<8000xf32, #tpu.memory_space<hbm>>
      tpu.wait_dma2 semaphore(%run_scoped3A : memref<!tpu.dma_semaphore, #tpu.memory_space<semaphore_mem>>) src(%dma_wait3A_125 : memref<8000xf32, #tpu.memory_space<hbm>>) dst(%arg6 : memref<8000xf32, #tpu.memory_space<vmem>>)
      tpu.yield
    }) : () -> ()
    "tpu.region"() ({
      %run_scoped3A = tpu.sem_alloc : memref<!tpu.dma_semaphore, #tpu.memory_space<semaphore_mem>>
      %dma_start3A = arith.constant 0 : i32
      %dma_start3A_124 = tpu.memref_slice %arg9[%dma_start3A] : memref<100096xf32, #tpu.memory_space<vmem_shared>> -> memref<100096xf32, #tpu.memory_space<vmem_shared>>
      tpu.enqueue_indirect_dma source(%arg6 : memref<8000xf32, #tpu.memory_space<vmem>>) target(%dma_start3A_124 : memref<100096xf32, #tpu.memory_space<vmem_shared>>) offsets(%arg5 : memref<8000xi32, #tpu.memory_space<vmem>>) semaphore(%run_scoped3A : memref<!tpu.dma_semaphore, #tpu.memory_space<semaphore_mem>>) {add = true}
      %dma_wait3A = arith.constant 0 : i32
      %dma_wait3A_125 = tpu.memref_slice %arg9[%dma_wait3A] : memref<100096xf32, #tpu.memory_space<vmem_shared>> -> memref<100096xf32, #tpu.memory_space<vmem_shared>>
      tpu.wait_indirect_dma semaphore(%run_scoped3A : memref<!tpu.dma_semaphore, #tpu.memory_space<semaphore_mem>>) src(%arg6 : memref<8000xf32, #tpu.memory_space<vmem>>) dst(%dma_wait3A_125 : memref<100096xf32, #tpu.memory_space<vmem_shared>>)
      tpu.yield
    }) : () -> ()
    %add3A_27 = arith.constant 64000 : i32
    %add3A_28 = arith.addi %mul3A_10, %add3A_27 : i32
    "tpu.region"() ({
      %run_scoped3A = tpu.sem_alloc : memref<!tpu.dma_semaphore, #tpu.memory_space<semaphore_mem>>
      %dma_start3A = tpu.memref_slice %arg2[%add3A_28] : memref<12800000xi32, #tpu.memory_space<hbm>> -> memref<8000xi32, #tpu.memory_space<hbm>>
      %dma_start3A_124 = tpu.memref_slice %arg2[%add3A_28] : memref<12800000xi32, #tpu.memory_space<hbm>> -> memref<8000xi32, #tpu.memory_space<hbm>>
      tpu.enqueue_dma source(%dma_start3A_124 : memref<8000xi32, #tpu.memory_space<hbm>>) target(%arg5 : memref<8000xi32, #tpu.memory_space<vmem>>) target_semaphore(%run_scoped3A : memref<!tpu.dma_semaphore, #tpu.memory_space<semaphore_mem>>)
      %dma_wait3A = tpu.memref_slice %arg2[%add3A_28] : memref<12800000xi32, #tpu.memory_space<hbm>> -> memref<8000xi32, #tpu.memory_space<hbm>>
      %dma_wait3A_125 = tpu.memref_slice %arg2[%add3A_28] : memref<12800000xi32, #tpu.memory_space<hbm>> -> memref<8000xi32, #tpu.memory_space<hbm>>
      tpu.wait_dma2 semaphore(%run_scoped3A : memref<!tpu.dma_semaphore, #tpu.memory_space<semaphore_mem>>) src(%dma_wait3A_125 : memref<8000xi32, #tpu.memory_space<hbm>>) dst(%arg5 : memref<8000xi32, #tpu.memory_space<vmem>>)
      tpu.yield
    }) : () -> ()
    "tpu.region"() ({
      %run_scoped3A = tpu.sem_alloc : memref<!tpu.dma_semaphore, #tpu.memory_space<semaphore_mem>>
      %dma_start3A = tpu.memref_slice %arg3[%add3A_28] : memref<12800000xf32, #tpu.memory_space<hbm>> -> memref<8000xf32, #tpu.memory_space<hbm>>
      %dma_start3A_124 = tpu.memref_slice %arg3[%add3A_28] : memref<12800000xf32, #tpu.memory_space<hbm>> -> memref<8000xf32, #tpu.memory_space<hbm>>
      tpu.enqueue_dma source(%dma_start3A_124 : memref<8000xf32, #tpu.memory_space<hbm>>) target(%arg6 : memref<8000xf32, #tpu.memory_space<vmem>>) target_semaphore(%run_scoped3A : memref<!tpu.dma_semaphore, #tpu.memory_space<semaphore_mem>>)
      %dma_wait3A = tpu.memref_slice %arg3[%add3A_28] : memref<12800000xf32, #tpu.memory_space<hbm>> -> memref<8000xf32, #tpu.memory_space<hbm>>
      %dma_wait3A_125 = tpu.memref_slice %arg3[%add3A_28] : memref<12800000xf32, #tpu.memory_space<hbm>> -> memref<8000xf32, #tpu.memory_space<hbm>>
      tpu.wait_dma2 semaphore(%run_scoped3A : memref<!tpu.dma_semaphore, #tpu.memory_space<semaphore_mem>>) src(%dma_wait3A_125 : memref<8000xf32, #tpu.memory_space<hbm>>) dst(%arg6 : memref<8000xf32, #tpu.memory_space<vmem>>)
      tpu.yield
    }) : () -> ()
    "tpu.region"() ({
      %run_scoped3A = tpu.sem_alloc : memref<!tpu.dma_semaphore, #tpu.memory_space<semaphore_mem>>
      %dma_start3A = arith.constant 0 : i32
      %dma_start3A_124 = tpu.memref_slice %arg9[%dma_start3A] : memref<100096xf32, #tpu.memory_space<vmem_shared>> -> memref<100096xf32, #tpu.memory_space<vmem_shared>>
      tpu.enqueue_indirect_dma source(%arg6 : memref<8000xf32, #tpu.memory_space<vmem>>) target(%dma_start3A_124 : memref<100096xf32, #tpu.memory_space<vmem_shared>>) offsets(%arg5 : memref<8000xi32, #tpu.memory_space<vmem>>) semaphore(%run_scoped3A : memref<!tpu.dma_semaphore, #tpu.memory_space<semaphore_mem>>) {add = true}
      %dma_wait3A = arith.constant 0 : i32
      %dma_wait3A_125 = tpu.memref_slice %arg9[%dma_wait3A] : memref<100096xf32, #tpu.memory_space<vmem_shared>> -> memref<100096xf32, #tpu.memory_space<vmem_shared>>
      tpu.wait_indirect_dma semaphore(%run_scoped3A : memref<!tpu.dma_semaphore, #tpu.memory_space<semaphore_mem>>) src(%arg6 : memref<8000xf32, #tpu.memory_space<vmem>>) dst(%dma_wait3A_125 : memref<100096xf32, #tpu.memory_space<vmem_shared>>)
      tpu.yield
    }) : () -> ()
    %add3A_29 = arith.constant 72000 : i32
    %add3A_30 = arith.addi %mul3A_10, %add3A_29 : i32
    "tpu.region"() ({
      %run_scoped3A = tpu.sem_alloc : memref<!tpu.dma_semaphore, #tpu.memory_space<semaphore_mem>>
      %dma_start3A = tpu.memref_slice %arg2[%add3A_30] : memref<12800000xi32, #tpu.memory_space<hbm>> -> memref<8000xi32, #tpu.memory_space<hbm>>
      %dma_start3A_124 = tpu.memref_slice %arg2[%add3A_30] : memref<12800000xi32, #tpu.memory_space<hbm>> -> memref<8000xi32, #tpu.memory_space<hbm>>
      tpu.enqueue_dma source(%dma_start3A_124 : memref<8000xi32, #tpu.memory_space<hbm>>) target(%arg5 : memref<8000xi32, #tpu.memory_space<vmem>>) target_semaphore(%run_scoped3A : memref<!tpu.dma_semaphore, #tpu.memory_space<semaphore_mem>>)
      %dma_wait3A = tpu.memref_slice %arg2[%add3A_30] : memref<12800000xi32, #tpu.memory_space<hbm>> -> memref<8000xi32, #tpu.memory_space<hbm>>
      %dma_wait3A_125 = tpu.memref_slice %arg2[%add3A_30] : memref<12800000xi32, #tpu.memory_space<hbm>> -> memref<8000xi32, #tpu.memory_space<hbm>>
      tpu.wait_dma2 semaphore(%run_scoped3A : memref<!tpu.dma_semaphore, #tpu.memory_space<semaphore_mem>>) src(%dma_wait3A_125 : memref<8000xi32, #tpu.memory_space<hbm>>) dst(%arg5 : memref<8000xi32, #tpu.memory_space<vmem>>)
      tpu.yield
    }) : () -> ()
    "tpu.region"() ({
      %run_scoped3A = tpu.sem_alloc : memref<!tpu.dma_semaphore, #tpu.memory_space<semaphore_mem>>
      %dma_start3A = tpu.memref_slice %arg3[%add3A_30] : memref<12800000xf32, #tpu.memory_space<hbm>> -> memref<8000xf32, #tpu.memory_space<hbm>>
      %dma_start3A_124 = tpu.memref_slice %arg3[%add3A_30] : memref<12800000xf32, #tpu.memory_space<hbm>> -> memref<8000xf32, #tpu.memory_space<hbm>>
      tpu.enqueue_dma source(%dma_start3A_124 : memref<8000xf32, #tpu.memory_space<hbm>>) target(%arg6 : memref<8000xf32, #tpu.memory_space<vmem>>) target_semaphore(%run_scoped3A : memref<!tpu.dma_semaphore, #tpu.memory_space<semaphore_mem>>)
      %dma_wait3A = tpu.memref_slice %arg3[%add3A_30] : memref<12800000xf32, #tpu.memory_space<hbm>> -> memref<8000xf32, #tpu.memory_space<hbm>>
      %dma_wait3A_125 = tpu.memref_slice %arg3[%add3A_30] : memref<12800000xf32, #tpu.memory_space<hbm>> -> memref<8000xf32, #tpu.memory_space<hbm>>
      tpu.wait_dma2 semaphore(%run_scoped3A : memref<!tpu.dma_semaphore, #tpu.memory_space<semaphore_mem>>) src(%dma_wait3A_125 : memref<8000xf32, #tpu.memory_space<hbm>>) dst(%arg6 : memref<8000xf32, #tpu.memory_space<vmem>>)
      tpu.yield
    }) : () -> ()
    "tpu.region"() ({
      %run_scoped3A = tpu.sem_alloc : memref<!tpu.dma_semaphore, #tpu.memory_space<semaphore_mem>>
      %dma_start3A = arith.constant 0 : i32
      %dma_start3A_124 = tpu.memref_slice %arg9[%dma_start3A] : memref<100096xf32, #tpu.memory_space<vmem_shared>> -> memref<100096xf32, #tpu.memory_space<vmem_shared>>
      tpu.enqueue_indirect_dma source(%arg6 : memref<8000xf32, #tpu.memory_space<vmem>>) target(%dma_start3A_124 : memref<100096xf32, #tpu.memory_space<vmem_shared>>) offsets(%arg5 : memref<8000xi32, #tpu.memory_space<vmem>>) semaphore(%run_scoped3A : memref<!tpu.dma_semaphore, #tpu.memory_space<semaphore_mem>>) {add = true}
      %dma_wait3A = arith.constant 0 : i32
      %dma_wait3A_125 = tpu.memref_slice %arg9[%dma_wait3A] : memref<100096xf32, #tpu.memory_space<vmem_shared>> -> memref<100096xf32, #tpu.memory_space<vmem_shared>>
      tpu.wait_indirect_dma semaphore(%run_scoped3A : memref<!tpu.dma_semaphore, #tpu.memory_space<semaphore_mem>>) src(%arg6 : memref<8000xf32, #tpu.memory_space<vmem>>) dst(%dma_wait3A_125 : memref<100096xf32, #tpu.memory_space<vmem_shared>>)
      tpu.yield
    }) : () -> ()
    %add3A_31 = arith.constant 80000 : i32
    %add3A_32 = arith.addi %mul3A_10, %add3A_31 : i32
    "tpu.region"() ({
      %run_scoped3A = tpu.sem_alloc : memref<!tpu.dma_semaphore, #tpu.memory_space<semaphore_mem>>
      %dma_start3A = tpu.memref_slice %arg2[%add3A_32] : memref<12800000xi32, #tpu.memory_space<hbm>> -> memref<8000xi32, #tpu.memory_space<hbm>>
      %dma_start3A_124 = tpu.memref_slice %arg2[%add3A_32] : memref<12800000xi32, #tpu.memory_space<hbm>> -> memref<8000xi32, #tpu.memory_space<hbm>>
      tpu.enqueue_dma source(%dma_start3A_124 : memref<8000xi32, #tpu.memory_space<hbm>>) target(%arg5 : memref<8000xi32, #tpu.memory_space<vmem>>) target_semaphore(%run_scoped3A : memref<!tpu.dma_semaphore, #tpu.memory_space<semaphore_mem>>)
      %dma_wait3A = tpu.memref_slice %arg2[%add3A_32] : memref<12800000xi32, #tpu.memory_space<hbm>> -> memref<8000xi32, #tpu.memory_space<hbm>>
      %dma_wait3A_125 = tpu.memref_slice %arg2[%add3A_32] : memref<12800000xi32, #tpu.memory_space<hbm>> -> memref<8000xi32, #tpu.memory_space<hbm>>
      tpu.wait_dma2 semaphore(%run_scoped3A : memref<!tpu.dma_semaphore, #tpu.memory_space<semaphore_mem>>) src(%dma_wait3A_125 : memref<8000xi32, #tpu.memory_space<hbm>>) dst(%arg5 : memref<8000xi32, #tpu.memory_space<vmem>>)
      tpu.yield
    }) : () -> ()
    "tpu.region"() ({
      %run_scoped3A = tpu.sem_alloc : memref<!tpu.dma_semaphore, #tpu.memory_space<semaphore_mem>>
      %dma_start3A = tpu.memref_slice %arg3[%add3A_32] : memref<12800000xf32, #tpu.memory_space<hbm>> -> memref<8000xf32, #tpu.memory_space<hbm>>
      %dma_start3A_124 = tpu.memref_slice %arg3[%add3A_32] : memref<12800000xf32, #tpu.memory_space<hbm>> -> memref<8000xf32, #tpu.memory_space<hbm>>
      tpu.enqueue_dma source(%dma_start3A_124 : memref<8000xf32, #tpu.memory_space<hbm>>) target(%arg6 : memref<8000xf32, #tpu.memory_space<vmem>>) target_semaphore(%run_scoped3A : memref<!tpu.dma_semaphore, #tpu.memory_space<semaphore_mem>>)
      %dma_wait3A = tpu.memref_slice %arg3[%add3A_32] : memref<12800000xf32, #tpu.memory_space<hbm>> -> memref<8000xf32, #tpu.memory_space<hbm>>
      %dma_wait3A_125 = tpu.memref_slice %arg3[%add3A_32] : memref<12800000xf32, #tpu.memory_space<hbm>> -> memref<8000xf32, #tpu.memory_space<hbm>>
      tpu.wait_dma2 semaphore(%run_scoped3A : memref<!tpu.dma_semaphore, #tpu.memory_space<semaphore_mem>>) src(%dma_wait3A_125 : memref<8000xf32, #tpu.memory_space<hbm>>) dst(%arg6 : memref<8000xf32, #tpu.memory_space<vmem>>)
      tpu.yield
    }) : () -> ()
    "tpu.region"() ({
      %run_scoped3A = tpu.sem_alloc : memref<!tpu.dma_semaphore, #tpu.memory_space<semaphore_mem>>
      %dma_start3A = arith.constant 0 : i32
      %dma_start3A_124 = tpu.memref_slice %arg9[%dma_start3A] : memref<100096xf32, #tpu.memory_space<vmem_shared>> -> memref<100096xf32, #tpu.memory_space<vmem_shared>>
      tpu.enqueue_indirect_dma source(%arg6 : memref<8000xf32, #tpu.memory_space<vmem>>) target(%dma_start3A_124 : memref<100096xf32, #tpu.memory_space<vmem_shared>>) offsets(%arg5 : memref<8000xi32, #tpu.memory_space<vmem>>) semaphore(%run_scoped3A : memref<!tpu.dma_semaphore, #tpu.memory_space<semaphore_mem>>) {add = true}
      %dma_wait3A = arith.constant 0 : i32
      %dma_wait3A_125 = tpu.memref_slice %arg9[%dma_wait3A] : memref<100096xf32, #tpu.memory_space<vmem_shared>> -> memref<100096xf32, #tpu.memory_space<vmem_shared>>
      tpu.wait_indirect_dma semaphore(%run_scoped3A : memref<!tpu.dma_semaphore, #tpu.memory_space<semaphore_mem>>) src(%arg6 : memref<8000xf32, #tpu.memory_space<vmem>>) dst(%dma_wait3A_125 : memref<100096xf32, #tpu.memory_space<vmem_shared>>)
      tpu.yield
    }) : () -> ()
    %add3A_33 = arith.constant 88000 : i32
    %add3A_34 = arith.addi %mul3A_10, %add3A_33 : i32
    "tpu.region"() ({
      %run_scoped3A = tpu.sem_alloc : memref<!tpu.dma_semaphore, #tpu.memory_space<semaphore_mem>>
      %dma_start3A = tpu.memref_slice %arg2[%add3A_34] : memref<12800000xi32, #tpu.memory_space<hbm>> -> memref<8000xi32, #tpu.memory_space<hbm>>
      %dma_start3A_124 = tpu.memref_slice %arg2[%add3A_34] : memref<12800000xi32, #tpu.memory_space<hbm>> -> memref<8000xi32, #tpu.memory_space<hbm>>
      tpu.enqueue_dma source(%dma_start3A_124 : memref<8000xi32, #tpu.memory_space<hbm>>) target(%arg5 : memref<8000xi32, #tpu.memory_space<vmem>>) target_semaphore(%run_scoped3A : memref<!tpu.dma_semaphore, #tpu.memory_space<semaphore_mem>>)
      %dma_wait3A = tpu.memref_slice %arg2[%add3A_34] : memref<12800000xi32, #tpu.memory_space<hbm>> -> memref<8000xi32, #tpu.memory_space<hbm>>
      %dma_wait3A_125 = tpu.memref_slice %arg2[%add3A_34] : memref<12800000xi32, #tpu.memory_space<hbm>> -> memref<8000xi32, #tpu.memory_space<hbm>>
      tpu.wait_dma2 semaphore(%run_scoped3A : memref<!tpu.dma_semaphore, #tpu.memory_space<semaphore_mem>>) src(%dma_wait3A_125 : memref<8000xi32, #tpu.memory_space<hbm>>) dst(%arg5 : memref<8000xi32, #tpu.memory_space<vmem>>)
      tpu.yield
    }) : () -> ()
    "tpu.region"() ({
      %run_scoped3A = tpu.sem_alloc : memref<!tpu.dma_semaphore, #tpu.memory_space<semaphore_mem>>
      %dma_start3A = tpu.memref_slice %arg3[%add3A_34] : memref<12800000xf32, #tpu.memory_space<hbm>> -> memref<8000xf32, #tpu.memory_space<hbm>>
      %dma_start3A_124 = tpu.memref_slice %arg3[%add3A_34] : memref<12800000xf32, #tpu.memory_space<hbm>> -> memref<8000xf32, #tpu.memory_space<hbm>>
      tpu.enqueue_dma source(%dma_start3A_124 : memref<8000xf32, #tpu.memory_space<hbm>>) target(%arg6 : memref<8000xf32, #tpu.memory_space<vmem>>) target_semaphore(%run_scoped3A : memref<!tpu.dma_semaphore, #tpu.memory_space<semaphore_mem>>)
      %dma_wait3A = tpu.memref_slice %arg3[%add3A_34] : memref<12800000xf32, #tpu.memory_space<hbm>> -> memref<8000xf32, #tpu.memory_space<hbm>>
      %dma_wait3A_125 = tpu.memref_slice %arg3[%add3A_34] : memref<12800000xf32, #tpu.memory_space<hbm>> -> memref<8000xf32, #tpu.memory_space<hbm>>
      tpu.wait_dma2 semaphore(%run_scoped3A : memref<!tpu.dma_semaphore, #tpu.memory_space<semaphore_mem>>) src(%dma_wait3A_125 : memref<8000xf32, #tpu.memory_space<hbm>>) dst(%arg6 : memref<8000xf32, #tpu.memory_space<vmem>>)
      tpu.yield
    }) : () -> ()
    "tpu.region"() ({
      %run_scoped3A = tpu.sem_alloc : memref<!tpu.dma_semaphore, #tpu.memory_space<semaphore_mem>>
      %dma_start3A = arith.constant 0 : i32
      %dma_start3A_124 = tpu.memref_slice %arg9[%dma_start3A] : memref<100096xf32, #tpu.memory_space<vmem_shared>> -> memref<100096xf32, #tpu.memory_space<vmem_shared>>
      tpu.enqueue_indirect_dma source(%arg6 : memref<8000xf32, #tpu.memory_space<vmem>>) target(%dma_start3A_124 : memref<100096xf32, #tpu.memory_space<vmem_shared>>) offsets(%arg5 : memref<8000xi32, #tpu.memory_space<vmem>>) semaphore(%run_scoped3A : memref<!tpu.dma_semaphore, #tpu.memory_space<semaphore_mem>>) {add = true}
      %dma_wait3A = arith.constant 0 : i32
      %dma_wait3A_125 = tpu.memref_slice %arg9[%dma_wait3A] : memref<100096xf32, #tpu.memory_space<vmem_shared>> -> memref<100096xf32, #tpu.memory_space<vmem_shared>>
      tpu.wait_indirect_dma semaphore(%run_scoped3A : memref<!tpu.dma_semaphore, #tpu.memory_space<semaphore_mem>>) src(%arg6 : memref<8000xf32, #tpu.memory_space<vmem>>) dst(%dma_wait3A_125 : memref<100096xf32, #tpu.memory_space<vmem_shared>>)
      tpu.yield
    }) : () -> ()
    %add3A_35 = arith.constant 96000 : i32
    %add3A_36 = arith.addi %mul3A_10, %add3A_35 : i32
    "tpu.region"() ({
      %run_scoped3A = tpu.sem_alloc : memref<!tpu.dma_semaphore, #tpu.memory_space<semaphore_mem>>
      %dma_start3A = tpu.memref_slice %arg2[%add3A_36] : memref<12800000xi32, #tpu.memory_space<hbm>> -> memref<8000xi32, #tpu.memory_space<hbm>>
      %dma_start3A_124 = tpu.memref_slice %arg2[%add3A_36] : memref<12800000xi32, #tpu.memory_space<hbm>> -> memref<8000xi32, #tpu.memory_space<hbm>>
      tpu.enqueue_dma source(%dma_start3A_124 : memref<8000xi32, #tpu.memory_space<hbm>>) target(%arg5 : memref<8000xi32, #tpu.memory_space<vmem>>) target_semaphore(%run_scoped3A : memref<!tpu.dma_semaphore, #tpu.memory_space<semaphore_mem>>)
      %dma_wait3A = tpu.memref_slice %arg2[%add3A_36] : memref<12800000xi32, #tpu.memory_space<hbm>> -> memref<8000xi32, #tpu.memory_space<hbm>>
      %dma_wait3A_125 = tpu.memref_slice %arg2[%add3A_36] : memref<12800000xi32, #tpu.memory_space<hbm>> -> memref<8000xi32, #tpu.memory_space<hbm>>
      tpu.wait_dma2 semaphore(%run_scoped3A : memref<!tpu.dma_semaphore, #tpu.memory_space<semaphore_mem>>) src(%dma_wait3A_125 : memref<8000xi32, #tpu.memory_space<hbm>>) dst(%arg5 : memref<8000xi32, #tpu.memory_space<vmem>>)
      tpu.yield
    }) : () -> ()
    "tpu.region"() ({
      %run_scoped3A = tpu.sem_alloc : memref<!tpu.dma_semaphore, #tpu.memory_space<semaphore_mem>>
      %dma_start3A = tpu.memref_slice %arg3[%add3A_36] : memref<12800000xf32, #tpu.memory_space<hbm>> -> memref<8000xf32, #tpu.memory_space<hbm>>
      %dma_start3A_124 = tpu.memref_slice %arg3[%add3A_36] : memref<12800000xf32, #tpu.memory_space<hbm>> -> memref<8000xf32, #tpu.memory_space<hbm>>
      tpu.enqueue_dma source(%dma_start3A_124 : memref<8000xf32, #tpu.memory_space<hbm>>) target(%arg6 : memref<8000xf32, #tpu.memory_space<vmem>>) target_semaphore(%run_scoped3A : memref<!tpu.dma_semaphore, #tpu.memory_space<semaphore_mem>>)
      %dma_wait3A = tpu.memref_slice %arg3[%add3A_36] : memref<12800000xf32, #tpu.memory_space<hbm>> -> memref<8000xf32, #tpu.memory_space<hbm>>
      %dma_wait3A_125 = tpu.memref_slice %arg3[%add3A_36] : memref<12800000xf32, #tpu.memory_space<hbm>> -> memref<8000xf32, #tpu.memory_space<hbm>>
      tpu.wait_dma2 semaphore(%run_scoped3A : memref<!tpu.dma_semaphore, #tpu.memory_space<semaphore_mem>>) src(%dma_wait3A_125 : memref<8000xf32, #tpu.memory_space<hbm>>) dst(%arg6 : memref<8000xf32, #tpu.memory_space<vmem>>)
      tpu.yield
    }) : () -> ()
    "tpu.region"() ({
      %run_scoped3A = tpu.sem_alloc : memref<!tpu.dma_semaphore, #tpu.memory_space<semaphore_mem>>
      %dma_start3A = arith.constant 0 : i32
      %dma_start3A_124 = tpu.memref_slice %arg9[%dma_start3A] : memref<100096xf32, #tpu.memory_space<vmem_shared>> -> memref<100096xf32, #tpu.memory_space<vmem_shared>>
      tpu.enqueue_indirect_dma source(%arg6 : memref<8000xf32, #tpu.memory_space<vmem>>) target(%dma_start3A_124 : memref<100096xf32, #tpu.memory_space<vmem_shared>>) offsets(%arg5 : memref<8000xi32, #tpu.memory_space<vmem>>) semaphore(%run_scoped3A : memref<!tpu.dma_semaphore, #tpu.memory_space<semaphore_mem>>) {add = true}
      %dma_wait3A = arith.constant 0 : i32
      %dma_wait3A_125 = tpu.memref_slice %arg9[%dma_wait3A] : memref<100096xf32, #tpu.memory_space<vmem_shared>> -> memref<100096xf32, #tpu.memory_space<vmem_shared>>
      tpu.wait_indirect_dma semaphore(%run_scoped3A : memref<!tpu.dma_semaphore, #tpu.memory_space<semaphore_mem>>) src(%arg6 : memref<8000xf32, #tpu.memory_space<vmem>>) dst(%dma_wait3A_125 : memref<100096xf32, #tpu.memory_space<vmem_shared>>)
      tpu.yield
    }) : () -> ()
    %add3A_37 = arith.constant 104000 : i32
    %add3A_38 = arith.addi %mul3A_10, %add3A_37 : i32
    "tpu.region"() ({
      %run_scoped3A = tpu.sem_alloc : memref<!tpu.dma_semaphore, #tpu.memory_space<semaphore_mem>>
      %dma_start3A = tpu.memref_slice %arg2[%add3A_38] : memref<12800000xi32, #tpu.memory_space<hbm>> -> memref<8000xi32, #tpu.memory_space<hbm>>
      %dma_start3A_124 = tpu.memref_slice %arg2[%add3A_38] : memref<12800000xi32, #tpu.memory_space<hbm>> -> memref<8000xi32, #tpu.memory_space<hbm>>
      tpu.enqueue_dma source(%dma_start3A_124 : memref<8000xi32, #tpu.memory_space<hbm>>) target(%arg5 : memref<8000xi32, #tpu.memory_space<vmem>>) target_semaphore(%run_scoped3A : memref<!tpu.dma_semaphore, #tpu.memory_space<semaphore_mem>>)
      %dma_wait3A = tpu.memref_slice %arg2[%add3A_38] : memref<12800000xi32, #tpu.memory_space<hbm>> -> memref<8000xi32, #tpu.memory_space<hbm>>
      %dma_wait3A_125 = tpu.memref_slice %arg2[%add3A_38] : memref<12800000xi32, #tpu.memory_space<hbm>> -> memref<8000xi32, #tpu.memory_space<hbm>>
      tpu.wait_dma2 semaphore(%run_scoped3A : memref<!tpu.dma_semaphore, #tpu.memory_space<semaphore_mem>>) src(%dma_wait3A_125 : memref<8000xi32, #tpu.memory_space<hbm>>) dst(%arg5 : memref<8000xi32, #tpu.memory_space<vmem>>)
      tpu.yield
    }) : () -> ()
    "tpu.region"() ({
      %run_scoped3A = tpu.sem_alloc : memref<!tpu.dma_semaphore, #tpu.memory_space<semaphore_mem>>
      %dma_start3A = tpu.memref_slice %arg3[%add3A_38] : memref<12800000xf32, #tpu.memory_space<hbm>> -> memref<8000xf32, #tpu.memory_space<hbm>>
      %dma_start3A_124 = tpu.memref_slice %arg3[%add3A_38] : memref<12800000xf32, #tpu.memory_space<hbm>> -> memref<8000xf32, #tpu.memory_space<hbm>>
      tpu.enqueue_dma source(%dma_start3A_124 : memref<8000xf32, #tpu.memory_space<hbm>>) target(%arg6 : memref<8000xf32, #tpu.memory_space<vmem>>) target_semaphore(%run_scoped3A : memref<!tpu.dma_semaphore, #tpu.memory_space<semaphore_mem>>)
      %dma_wait3A = tpu.memref_slice %arg3[%add3A_38] : memref<12800000xf32, #tpu.memory_space<hbm>> -> memref<8000xf32, #tpu.memory_space<hbm>>
      %dma_wait3A_125 = tpu.memref_slice %arg3[%add3A_38] : memref<12800000xf32, #tpu.memory_space<hbm>> -> memref<8000xf32, #tpu.memory_space<hbm>>
      tpu.wait_dma2 semaphore(%run_scoped3A : memref<!tpu.dma_semaphore, #tpu.memory_space<semaphore_mem>>) src(%dma_wait3A_125 : memref<8000xf32, #tpu.memory_space<hbm>>) dst(%arg6 : memref<8000xf32, #tpu.memory_space<vmem>>)
      tpu.yield
    }) : () -> ()
    "tpu.region"() ({
      %run_scoped3A = tpu.sem_alloc : memref<!tpu.dma_semaphore, #tpu.memory_space<semaphore_mem>>
      %dma_start3A = arith.constant 0 : i32
      %dma_start3A_124 = tpu.memref_slice %arg9[%dma_start3A] : memref<100096xf32, #tpu.memory_space<vmem_shared>> -> memref<100096xf32, #tpu.memory_space<vmem_shared>>
      tpu.enqueue_indirect_dma source(%arg6 : memref<8000xf32, #tpu.memory_space<vmem>>) target(%dma_start3A_124 : memref<100096xf32, #tpu.memory_space<vmem_shared>>) offsets(%arg5 : memref<8000xi32, #tpu.memory_space<vmem>>) semaphore(%run_scoped3A : memref<!tpu.dma_semaphore, #tpu.memory_space<semaphore_mem>>) {add = true}
      %dma_wait3A = arith.constant 0 : i32
      %dma_wait3A_125 = tpu.memref_slice %arg9[%dma_wait3A] : memref<100096xf32, #tpu.memory_space<vmem_shared>> -> memref<100096xf32, #tpu.memory_space<vmem_shared>>
      tpu.wait_indirect_dma semaphore(%run_scoped3A : memref<!tpu.dma_semaphore, #tpu.memory_space<semaphore_mem>>) src(%arg6 : memref<8000xf32, #tpu.memory_space<vmem>>) dst(%dma_wait3A_125 : memref<100096xf32, #tpu.memory_space<vmem_shared>>)
      tpu.yield
    }) : () -> ()
    %add3A_39 = arith.constant 112000 : i32
    %add3A_40 = arith.addi %mul3A_10, %add3A_39 : i32
    "tpu.region"() ({
      %run_scoped3A = tpu.sem_alloc : memref<!tpu.dma_semaphore, #tpu.memory_space<semaphore_mem>>
      %dma_start3A = tpu.memref_slice %arg2[%add3A_40] : memref<12800000xi32, #tpu.memory_space<hbm>> -> memref<8000xi32, #tpu.memory_space<hbm>>
      %dma_start3A_124 = tpu.memref_slice %arg2[%add3A_40] : memref<12800000xi32, #tpu.memory_space<hbm>> -> memref<8000xi32, #tpu.memory_space<hbm>>
      tpu.enqueue_dma source(%dma_start3A_124 : memref<8000xi32, #tpu.memory_space<hbm>>) target(%arg5 : memref<8000xi32, #tpu.memory_space<vmem>>) target_semaphore(%run_scoped3A : memref<!tpu.dma_semaphore, #tpu.memory_space<semaphore_mem>>)
      %dma_wait3A = tpu.memref_slice %arg2[%add3A_40] : memref<12800000xi32, #tpu.memory_space<hbm>> -> memref<8000xi32, #tpu.memory_space<hbm>>
      %dma_wait3A_125 = tpu.memref_slice %arg2[%add3A_40] : memref<12800000xi32, #tpu.memory_space<hbm>> -> memref<8000xi32, #tpu.memory_space<hbm>>
      tpu.wait_dma2 semaphore(%run_scoped3A : memref<!tpu.dma_semaphore, #tpu.memory_space<semaphore_mem>>) src(%dma_wait3A_125 : memref<8000xi32, #tpu.memory_space<hbm>>) dst(%arg5 : memref<8000xi32, #tpu.memory_space<vmem>>)
      tpu.yield
    }) : () -> ()
    "tpu.region"() ({
      %run_scoped3A = tpu.sem_alloc : memref<!tpu.dma_semaphore, #tpu.memory_space<semaphore_mem>>
      %dma_start3A = tpu.memref_slice %arg3[%add3A_40] : memref<12800000xf32, #tpu.memory_space<hbm>> -> memref<8000xf32, #tpu.memory_space<hbm>>
      %dma_start3A_124 = tpu.memref_slice %arg3[%add3A_40] : memref<12800000xf32, #tpu.memory_space<hbm>> -> memref<8000xf32, #tpu.memory_space<hbm>>
      tpu.enqueue_dma source(%dma_start3A_124 : memref<8000xf32, #tpu.memory_space<hbm>>) target(%arg6 : memref<8000xf32, #tpu.memory_space<vmem>>) target_semaphore(%run_scoped3A : memref<!tpu.dma_semaphore, #tpu.memory_space<semaphore_mem>>)
      %dma_wait3A = tpu.memref_slice %arg3[%add3A_40] : memref<12800000xf32, #tpu.memory_space<hbm>> -> memref<8000xf32, #tpu.memory_space<hbm>>
      %dma_wait3A_125 = tpu.memref_slice %arg3[%add3A_40] : memref<12800000xf32, #tpu.memory_space<hbm>> -> memref<8000xf32, #tpu.memory_space<hbm>>
      tpu.wait_dma2 semaphore(%run_scoped3A : memref<!tpu.dma_semaphore, #tpu.memory_space<semaphore_mem>>) src(%dma_wait3A_125 : memref<8000xf32, #tpu.memory_space<hbm>>) dst(%arg6 : memref<8000xf32, #tpu.memory_space<vmem>>)
      tpu.yield
    }) : () -> ()
    "tpu.region"() ({
      %run_scoped3A = tpu.sem_alloc : memref<!tpu.dma_semaphore, #tpu.memory_space<semaphore_mem>>
      %dma_start3A = arith.constant 0 : i32
      %dma_start3A_124 = tpu.memref_slice %arg9[%dma_start3A] : memref<100096xf32, #tpu.memory_space<vmem_shared>> -> memref<100096xf32, #tpu.memory_space<vmem_shared>>
      tpu.enqueue_indirect_dma source(%arg6 : memref<8000xf32, #tpu.memory_space<vmem>>) target(%dma_start3A_124 : memref<100096xf32, #tpu.memory_space<vmem_shared>>) offsets(%arg5 : memref<8000xi32, #tpu.memory_space<vmem>>) semaphore(%run_scoped3A : memref<!tpu.dma_semaphore, #tpu.memory_space<semaphore_mem>>) {add = true}
      %dma_wait3A = arith.constant 0 : i32
      %dma_wait3A_125 = tpu.memref_slice %arg9[%dma_wait3A] : memref<100096xf32, #tpu.memory_space<vmem_shared>> -> memref<100096xf32, #tpu.memory_space<vmem_shared>>
      tpu.wait_indirect_dma semaphore(%run_scoped3A : memref<!tpu.dma_semaphore, #tpu.memory_space<semaphore_mem>>) src(%arg6 : memref<8000xf32, #tpu.memory_space<vmem>>) dst(%dma_wait3A_125 : memref<100096xf32, #tpu.memory_space<vmem_shared>>)
      tpu.yield
    }) : () -> ()
    %add3A_41 = arith.constant 120000 : i32
    %add3A_42 = arith.addi %mul3A_10, %add3A_41 : i32
    "tpu.region"() ({
      %run_scoped3A = tpu.sem_alloc : memref<!tpu.dma_semaphore, #tpu.memory_space<semaphore_mem>>
      %dma_start3A = tpu.memref_slice %arg2[%add3A_42] : memref<12800000xi32, #tpu.memory_space<hbm>> -> memref<8000xi32, #tpu.memory_space<hbm>>
      %dma_start3A_124 = tpu.memref_slice %arg2[%add3A_42] : memref<12800000xi32, #tpu.memory_space<hbm>> -> memref<8000xi32, #tpu.memory_space<hbm>>
      tpu.enqueue_dma source(%dma_start3A_124 : memref<8000xi32, #tpu.memory_space<hbm>>) target(%arg5 : memref<8000xi32, #tpu.memory_space<vmem>>) target_semaphore(%run_scoped3A : memref<!tpu.dma_semaphore, #tpu.memory_space<semaphore_mem>>)
      %dma_wait3A = tpu.memref_slice %arg2[%add3A_42] : memref<12800000xi32, #tpu.memory_space<hbm>> -> memref<8000xi32, #tpu.memory_space<hbm>>
      %dma_wait3A_125 = tpu.memref_slice %arg2[%add3A_42] : memref<12800000xi32, #tpu.memory_space<hbm>> -> memref<8000xi32, #tpu.memory_space<hbm>>
      tpu.wait_dma2 semaphore(%run_scoped3A : memref<!tpu.dma_semaphore, #tpu.memory_space<semaphore_mem>>) src(%dma_wait3A_125 : memref<8000xi32, #tpu.memory_space<hbm>>) dst(%arg5 : memref<8000xi32, #tpu.memory_space<vmem>>)
      tpu.yield
    }) : () -> ()
    "tpu.region"() ({
      %run_scoped3A = tpu.sem_alloc : memref<!tpu.dma_semaphore, #tpu.memory_space<semaphore_mem>>
      %dma_start3A = tpu.memref_slice %arg3[%add3A_42] : memref<12800000xf32, #tpu.memory_space<hbm>> -> memref<8000xf32, #tpu.memory_space<hbm>>
      %dma_start3A_124 = tpu.memref_slice %arg3[%add3A_42] : memref<12800000xf32, #tpu.memory_space<hbm>> -> memref<8000xf32, #tpu.memory_space<hbm>>
      tpu.enqueue_dma source(%dma_start3A_124 : memref<8000xf32, #tpu.memory_space<hbm>>) target(%arg6 : memref<8000xf32, #tpu.memory_space<vmem>>) target_semaphore(%run_scoped3A : memref<!tpu.dma_semaphore, #tpu.memory_space<semaphore_mem>>)
      %dma_wait3A = tpu.memref_slice %arg3[%add3A_42] : memref<12800000xf32, #tpu.memory_space<hbm>> -> memref<8000xf32, #tpu.memory_space<hbm>>
      %dma_wait3A_125 = tpu.memref_slice %arg3[%add3A_42] : memref<12800000xf32, #tpu.memory_space<hbm>> -> memref<8000xf32, #tpu.memory_space<hbm>>
      tpu.wait_dma2 semaphore(%run_scoped3A : memref<!tpu.dma_semaphore, #tpu.memory_space<semaphore_mem>>) src(%dma_wait3A_125 : memref<8000xf32, #tpu.memory_space<hbm>>) dst(%arg6 : memref<8000xf32, #tpu.memory_space<vmem>>)
      tpu.yield
    }) : () -> ()
    "tpu.region"() ({
      %run_scoped3A = tpu.sem_alloc : memref<!tpu.dma_semaphore, #tpu.memory_space<semaphore_mem>>
      %dma_start3A = arith.constant 0 : i32
      %dma_start3A_124 = tpu.memref_slice %arg9[%dma_start3A] : memref<100096xf32, #tpu.memory_space<vmem_shared>> -> memref<100096xf32, #tpu.memory_space<vmem_shared>>
      tpu.enqueue_indirect_dma source(%arg6 : memref<8000xf32, #tpu.memory_space<vmem>>) target(%dma_start3A_124 : memref<100096xf32, #tpu.memory_space<vmem_shared>>) offsets(%arg5 : memref<8000xi32, #tpu.memory_space<vmem>>) semaphore(%run_scoped3A : memref<!tpu.dma_semaphore, #tpu.memory_space<semaphore_mem>>) {add = true}
      %dma_wait3A = arith.constant 0 : i32
      %dma_wait3A_125 = tpu.memref_slice %arg9[%dma_wait3A] : memref<100096xf32, #tpu.memory_space<vmem_shared>> -> memref<100096xf32, #tpu.memory_space<vmem_shared>>
      tpu.wait_indirect_dma semaphore(%run_scoped3A : memref<!tpu.dma_semaphore, #tpu.memory_space<semaphore_mem>>) src(%arg6 : memref<8000xf32, #tpu.memory_space<vmem>>) dst(%dma_wait3A_125 : memref<100096xf32, #tpu.memory_space<vmem_shared>>)
      tpu.yield
    }) : () -> ()
    %add3A_43 = arith.constant 128000 : i32
    %add3A_44 = arith.addi %mul3A_10, %add3A_43 : i32
    "tpu.region"() ({
      %run_scoped3A = tpu.sem_alloc : memref<!tpu.dma_semaphore, #tpu.memory_space<semaphore_mem>>
      %dma_start3A = tpu.memref_slice %arg2[%add3A_44] : memref<12800000xi32, #tpu.memory_space<hbm>> -> memref<8000xi32, #tpu.memory_space<hbm>>
      %dma_start3A_124 = tpu.memref_slice %arg2[%add3A_44] : memref<12800000xi32, #tpu.memory_space<hbm>> -> memref<8000xi32, #tpu.memory_space<hbm>>
      tpu.enqueue_dma source(%dma_start3A_124 : memref<8000xi32, #tpu.memory_space<hbm>>) target(%arg5 : memref<8000xi32, #tpu.memory_space<vmem>>) target_semaphore(%run_scoped3A : memref<!tpu.dma_semaphore, #tpu.memory_space<semaphore_mem>>)
      %dma_wait3A = tpu.memref_slice %arg2[%add3A_44] : memref<12800000xi32, #tpu.memory_space<hbm>> -> memref<8000xi32, #tpu.memory_space<hbm>>
      %dma_wait3A_125 = tpu.memref_slice %arg2[%add3A_44] : memref<12800000xi32, #tpu.memory_space<hbm>> -> memref<8000xi32, #tpu.memory_space<hbm>>
      tpu.wait_dma2 semaphore(%run_scoped3A : memref<!tpu.dma_semaphore, #tpu.memory_space<semaphore_mem>>) src(%dma_wait3A_125 : memref<8000xi32, #tpu.memory_space<hbm>>) dst(%arg5 : memref<8000xi32, #tpu.memory_space<vmem>>)
      tpu.yield
    }) : () -> ()
    "tpu.region"() ({
      %run_scoped3A = tpu.sem_alloc : memref<!tpu.dma_semaphore, #tpu.memory_space<semaphore_mem>>
      %dma_start3A = tpu.memref_slice %arg3[%add3A_44] : memref<12800000xf32, #tpu.memory_space<hbm>> -> memref<8000xf32, #tpu.memory_space<hbm>>
      %dma_start3A_124 = tpu.memref_slice %arg3[%add3A_44] : memref<12800000xf32, #tpu.memory_space<hbm>> -> memref<8000xf32, #tpu.memory_space<hbm>>
      tpu.enqueue_dma source(%dma_start3A_124 : memref<8000xf32, #tpu.memory_space<hbm>>) target(%arg6 : memref<8000xf32, #tpu.memory_space<vmem>>) target_semaphore(%run_scoped3A : memref<!tpu.dma_semaphore, #tpu.memory_space<semaphore_mem>>)
      %dma_wait3A = tpu.memref_slice %arg3[%add3A_44] : memref<12800000xf32, #tpu.memory_space<hbm>> -> memref<8000xf32, #tpu.memory_space<hbm>>
      %dma_wait3A_125 = tpu.memref_slice %arg3[%add3A_44] : memref<12800000xf32, #tpu.memory_space<hbm>> -> memref<8000xf32, #tpu.memory_space<hbm>>
      tpu.wait_dma2 semaphore(%run_scoped3A : memref<!tpu.dma_semaphore, #tpu.memory_space<semaphore_mem>>) src(%dma_wait3A_125 : memref<8000xf32, #tpu.memory_space<hbm>>) dst(%arg6 : memref<8000xf32, #tpu.memory_space<vmem>>)
      tpu.yield
    }) : () -> ()
    "tpu.region"() ({
      %run_scoped3A = tpu.sem_alloc : memref<!tpu.dma_semaphore, #tpu.memory_space<semaphore_mem>>
      %dma_start3A = arith.constant 0 : i32
      %dma_start3A_124 = tpu.memref_slice %arg9[%dma_start3A] : memref<100096xf32, #tpu.memory_space<vmem_shared>> -> memref<100096xf32, #tpu.memory_space<vmem_shared>>
      tpu.enqueue_indirect_dma source(%arg6 : memref<8000xf32, #tpu.memory_space<vmem>>) target(%dma_start3A_124 : memref<100096xf32, #tpu.memory_space<vmem_shared>>) offsets(%arg5 : memref<8000xi32, #tpu.memory_space<vmem>>) semaphore(%run_scoped3A : memref<!tpu.dma_semaphore, #tpu.memory_space<semaphore_mem>>) {add = true}
      %dma_wait3A = arith.constant 0 : i32
      %dma_wait3A_125 = tpu.memref_slice %arg9[%dma_wait3A] : memref<100096xf32, #tpu.memory_space<vmem_shared>> -> memref<100096xf32, #tpu.memory_space<vmem_shared>>
      tpu.wait_indirect_dma semaphore(%run_scoped3A : memref<!tpu.dma_semaphore, #tpu.memory_space<semaphore_mem>>) src(%arg6 : memref<8000xf32, #tpu.memory_space<vmem>>) dst(%dma_wait3A_125 : memref<100096xf32, #tpu.memory_space<vmem_shared>>)
      tpu.yield
    }) : () -> ()
    %add3A_45 = arith.constant 136000 : i32
    %add3A_46 = arith.addi %mul3A_10, %add3A_45 : i32
    "tpu.region"() ({
      %run_scoped3A = tpu.sem_alloc : memref<!tpu.dma_semaphore, #tpu.memory_space<semaphore_mem>>
      %dma_start3A = tpu.memref_slice %arg2[%add3A_46] : memref<12800000xi32, #tpu.memory_space<hbm>> -> memref<8000xi32, #tpu.memory_space<hbm>>
      %dma_start3A_124 = tpu.memref_slice %arg2[%add3A_46] : memref<12800000xi32, #tpu.memory_space<hbm>> -> memref<8000xi32, #tpu.memory_space<hbm>>
      tpu.enqueue_dma source(%dma_start3A_124 : memref<8000xi32, #tpu.memory_space<hbm>>) target(%arg5 : memref<8000xi32, #tpu.memory_space<vmem>>) target_semaphore(%run_scoped3A : memref<!tpu.dma_semaphore, #tpu.memory_space<semaphore_mem>>)
      %dma_wait3A = tpu.memref_slice %arg2[%add3A_46] : memref<12800000xi32, #tpu.memory_space<hbm>> -> memref<8000xi32, #tpu.memory_space<hbm>>
      %dma_wait3A_125 = tpu.memref_slice %arg2[%add3A_46] : memref<12800000xi32, #tpu.memory_space<hbm>> -> memref<8000xi32, #tpu.memory_space<hbm>>
      tpu.wait_dma2 semaphore(%run_scoped3A : memref<!tpu.dma_semaphore, #tpu.memory_space<semaphore_mem>>) src(%dma_wait3A_125 : memref<8000xi32, #tpu.memory_space<hbm>>) dst(%arg5 : memref<8000xi32, #tpu.memory_space<vmem>>)
      tpu.yield
    }) : () -> ()
    "tpu.region"() ({
      %run_scoped3A = tpu.sem_alloc : memref<!tpu.dma_semaphore, #tpu.memory_space<semaphore_mem>>
      %dma_start3A = tpu.memref_slice %arg3[%add3A_46] : memref<12800000xf32, #tpu.memory_space<hbm>> -> memref<8000xf32, #tpu.memory_space<hbm>>
      %dma_start3A_124 = tpu.memref_slice %arg3[%add3A_46] : memref<12800000xf32, #tpu.memory_space<hbm>> -> memref<8000xf32, #tpu.memory_space<hbm>>
      tpu.enqueue_dma source(%dma_start3A_124 : memref<8000xf32, #tpu.memory_space<hbm>>) target(%arg6 : memref<8000xf32, #tpu.memory_space<vmem>>) target_semaphore(%run_scoped3A : memref<!tpu.dma_semaphore, #tpu.memory_space<semaphore_mem>>)
      %dma_wait3A = tpu.memref_slice %arg3[%add3A_46] : memref<12800000xf32, #tpu.memory_space<hbm>> -> memref<8000xf32, #tpu.memory_space<hbm>>
      %dma_wait3A_125 = tpu.memref_slice %arg3[%add3A_46] : memref<12800000xf32, #tpu.memory_space<hbm>> -> memref<8000xf32, #tpu.memory_space<hbm>>
      tpu.wait_dma2 semaphore(%run_scoped3A : memref<!tpu.dma_semaphore, #tpu.memory_space<semaphore_mem>>) src(%dma_wait3A_125 : memref<8000xf32, #tpu.memory_space<hbm>>) dst(%arg6 : memref<8000xf32, #tpu.memory_space<vmem>>)
      tpu.yield
    }) : () -> ()
    "tpu.region"() ({
      %run_scoped3A = tpu.sem_alloc : memref<!tpu.dma_semaphore, #tpu.memory_space<semaphore_mem>>
      %dma_start3A = arith.constant 0 : i32
      %dma_start3A_124 = tpu.memref_slice %arg9[%dma_start3A] : memref<100096xf32, #tpu.memory_space<vmem_shared>> -> memref<100096xf32, #tpu.memory_space<vmem_shared>>
      tpu.enqueue_indirect_dma source(%arg6 : memref<8000xf32, #tpu.memory_space<vmem>>) target(%dma_start3A_124 : memref<100096xf32, #tpu.memory_space<vmem_shared>>) offsets(%arg5 : memref<8000xi32, #tpu.memory_space<vmem>>) semaphore(%run_scoped3A : memref<!tpu.dma_semaphore, #tpu.memory_space<semaphore_mem>>) {add = true}
      %dma_wait3A = arith.constant 0 : i32
      %dma_wait3A_125 = tpu.memref_slice %arg9[%dma_wait3A] : memref<100096xf32, #tpu.memory_space<vmem_shared>> -> memref<100096xf32, #tpu.memory_space<vmem_shared>>
      tpu.wait_indirect_dma semaphore(%run_scoped3A : memref<!tpu.dma_semaphore, #tpu.memory_space<semaphore_mem>>) src(%arg6 : memref<8000xf32, #tpu.memory_space<vmem>>) dst(%dma_wait3A_125 : memref<100096xf32, #tpu.memory_space<vmem_shared>>)
      tpu.yield
    }) : () -> ()
    %add3A_47 = arith.constant 144000 : i32
    %add3A_48 = arith.addi %mul3A_10, %add3A_47 : i32
    "tpu.region"() ({
      %run_scoped3A = tpu.sem_alloc : memref<!tpu.dma_semaphore, #tpu.memory_space<semaphore_mem>>
      %dma_start3A = tpu.memref_slice %arg2[%add3A_48] : memref<12800000xi32, #tpu.memory_space<hbm>> -> memref<8000xi32, #tpu.memory_space<hbm>>
      %dma_start3A_124 = tpu.memref_slice %arg2[%add3A_48] : memref<12800000xi32, #tpu.memory_space<hbm>> -> memref<8000xi32, #tpu.memory_space<hbm>>
      tpu.enqueue_dma source(%dma_start3A_124 : memref<8000xi32, #tpu.memory_space<hbm>>) target(%arg5 : memref<8000xi32, #tpu.memory_space<vmem>>) target_semaphore(%run_scoped3A : memref<!tpu.dma_semaphore, #tpu.memory_space<semaphore_mem>>)
      %dma_wait3A = tpu.memref_slice %arg2[%add3A_48] : memref<12800000xi32, #tpu.memory_space<hbm>> -> memref<8000xi32, #tpu.memory_space<hbm>>
      %dma_wait3A_125 = tpu.memref_slice %arg2[%add3A_48] : memref<12800000xi32, #tpu.memory_space<hbm>> -> memref<8000xi32, #tpu.memory_space<hbm>>
      tpu.wait_dma2 semaphore(%run_scoped3A : memref<!tpu.dma_semaphore, #tpu.memory_space<semaphore_mem>>) src(%dma_wait3A_125 : memref<8000xi32, #tpu.memory_space<hbm>>) dst(%arg5 : memref<8000xi32, #tpu.memory_space<vmem>>)
      tpu.yield
    }) : () -> ()
    "tpu.region"() ({
      %run_scoped3A = tpu.sem_alloc : memref<!tpu.dma_semaphore, #tpu.memory_space<semaphore_mem>>
      %dma_start3A = tpu.memref_slice %arg3[%add3A_48] : memref<12800000xf32, #tpu.memory_space<hbm>> -> memref<8000xf32, #tpu.memory_space<hbm>>
      %dma_start3A_124 = tpu.memref_slice %arg3[%add3A_48] : memref<12800000xf32, #tpu.memory_space<hbm>> -> memref<8000xf32, #tpu.memory_space<hbm>>
      tpu.enqueue_dma source(%dma_start3A_124 : memref<8000xf32, #tpu.memory_space<hbm>>) target(%arg6 : memref<8000xf32, #tpu.memory_space<vmem>>) target_semaphore(%run_scoped3A : memref<!tpu.dma_semaphore, #tpu.memory_space<semaphore_mem>>)
      %dma_wait3A = tpu.memref_slice %arg3[%add3A_48] : memref<12800000xf32, #tpu.memory_space<hbm>> -> memref<8000xf32, #tpu.memory_space<hbm>>
      %dma_wait3A_125 = tpu.memref_slice %arg3[%add3A_48] : memref<12800000xf32, #tpu.memory_space<hbm>> -> memref<8000xf32, #tpu.memory_space<hbm>>
      tpu.wait_dma2 semaphore(%run_scoped3A : memref<!tpu.dma_semaphore, #tpu.memory_space<semaphore_mem>>) src(%dma_wait3A_125 : memref<8000xf32, #tpu.memory_space<hbm>>) dst(%arg6 : memref<8000xf32, #tpu.memory_space<vmem>>)
      tpu.yield
    }) : () -> ()
    "tpu.region"() ({
      %run_scoped3A = tpu.sem_alloc : memref<!tpu.dma_semaphore, #tpu.memory_space<semaphore_mem>>
      %dma_start3A = arith.constant 0 : i32
      %dma_start3A_124 = tpu.memref_slice %arg9[%dma_start3A] : memref<100096xf32, #tpu.memory_space<vmem_shared>> -> memref<100096xf32, #tpu.memory_space<vmem_shared>>
      tpu.enqueue_indirect_dma source(%arg6 : memref<8000xf32, #tpu.memory_space<vmem>>) target(%dma_start3A_124 : memref<100096xf32, #tpu.memory_space<vmem_shared>>) offsets(%arg5 : memref<8000xi32, #tpu.memory_space<vmem>>) semaphore(%run_scoped3A : memref<!tpu.dma_semaphore, #tpu.memory_space<semaphore_mem>>) {add = true}
      %dma_wait3A = arith.constant 0 : i32
      %dma_wait3A_125 = tpu.memref_slice %arg9[%dma_wait3A] : memref<100096xf32, #tpu.memory_space<vmem_shared>> -> memref<100096xf32, #tpu.memory_space<vmem_shared>>
      tpu.wait_indirect_dma semaphore(%run_scoped3A : memref<!tpu.dma_semaphore, #tpu.memory_space<semaphore_mem>>) src(%arg6 : memref<8000xf32, #tpu.memory_space<vmem>>) dst(%dma_wait3A_125 : memref<100096xf32, #tpu.memory_space<vmem_shared>>)
      tpu.yield
    }) : () -> ()
    %add3A_49 = arith.constant 152000 : i32
    %add3A_50 = arith.addi %mul3A_10, %add3A_49 : i32
    "tpu.region"() ({
      %run_scoped3A = tpu.sem_alloc : memref<!tpu.dma_semaphore, #tpu.memory_space<semaphore_mem>>
      %dma_start3A = tpu.memref_slice %arg2[%add3A_50] : memref<12800000xi32, #tpu.memory_space<hbm>> -> memref<8000xi32, #tpu.memory_space<hbm>>
      %dma_start3A_124 = tpu.memref_slice %arg2[%add3A_50] : memref<12800000xi32, #tpu.memory_space<hbm>> -> memref<8000xi32, #tpu.memory_space<hbm>>
      tpu.enqueue_dma source(%dma_start3A_124 : memref<8000xi32, #tpu.memory_space<hbm>>) target(%arg5 : memref<8000xi32, #tpu.memory_space<vmem>>) target_semaphore(%run_scoped3A : memref<!tpu.dma_semaphore, #tpu.memory_space<semaphore_mem>>)
      %dma_wait3A = tpu.memref_slice %arg2[%add3A_50] : memref<12800000xi32, #tpu.memory_space<hbm>> -> memref<8000xi32, #tpu.memory_space<hbm>>
      %dma_wait3A_125 = tpu.memref_slice %arg2[%add3A_50] : memref<12800000xi32, #tpu.memory_space<hbm>> -> memref<8000xi32, #tpu.memory_space<hbm>>
      tpu.wait_dma2 semaphore(%run_scoped3A : memref<!tpu.dma_semaphore, #tpu.memory_space<semaphore_mem>>) src(%dma_wait3A_125 : memref<8000xi32, #tpu.memory_space<hbm>>) dst(%arg5 : memref<8000xi32, #tpu.memory_space<vmem>>)
      tpu.yield
    }) : () -> ()
    "tpu.region"() ({
      %run_scoped3A = tpu.sem_alloc : memref<!tpu.dma_semaphore, #tpu.memory_space<semaphore_mem>>
      %dma_start3A = tpu.memref_slice %arg3[%add3A_50] : memref<12800000xf32, #tpu.memory_space<hbm>> -> memref<8000xf32, #tpu.memory_space<hbm>>
      %dma_start3A_124 = tpu.memref_slice %arg3[%add3A_50] : memref<12800000xf32, #tpu.memory_space<hbm>> -> memref<8000xf32, #tpu.memory_space<hbm>>
      tpu.enqueue_dma source(%dma_start3A_124 : memref<8000xf32, #tpu.memory_space<hbm>>) target(%arg6 : memref<8000xf32, #tpu.memory_space<vmem>>) target_semaphore(%run_scoped3A : memref<!tpu.dma_semaphore, #tpu.memory_space<semaphore_mem>>)
      %dma_wait3A = tpu.memref_slice %arg3[%add3A_50] : memref<12800000xf32, #tpu.memory_space<hbm>> -> memref<8000xf32, #tpu.memory_space<hbm>>
      %dma_wait3A_125 = tpu.memref_slice %arg3[%add3A_50] : memref<12800000xf32, #tpu.memory_space<hbm>> -> memref<8000xf32, #tpu.memory_space<hbm>>
      tpu.wait_dma2 semaphore(%run_scoped3A : memref<!tpu.dma_semaphore, #tpu.memory_space<semaphore_mem>>) src(%dma_wait3A_125 : memref<8000xf32, #tpu.memory_space<hbm>>) dst(%arg6 : memref<8000xf32, #tpu.memory_space<vmem>>)
      tpu.yield
    }) : () -> ()
    "tpu.region"() ({
      %run_scoped3A = tpu.sem_alloc : memref<!tpu.dma_semaphore, #tpu.memory_space<semaphore_mem>>
      %dma_start3A = arith.constant 0 : i32
      %dma_start3A_124 = tpu.memref_slice %arg9[%dma_start3A] : memref<100096xf32, #tpu.memory_space<vmem_shared>> -> memref<100096xf32, #tpu.memory_space<vmem_shared>>
      tpu.enqueue_indirect_dma source(%arg6 : memref<8000xf32, #tpu.memory_space<vmem>>) target(%dma_start3A_124 : memref<100096xf32, #tpu.memory_space<vmem_shared>>) offsets(%arg5 : memref<8000xi32, #tpu.memory_space<vmem>>) semaphore(%run_scoped3A : memref<!tpu.dma_semaphore, #tpu.memory_space<semaphore_mem>>) {add = true}
      %dma_wait3A = arith.constant 0 : i32
      %dma_wait3A_125 = tpu.memref_slice %arg9[%dma_wait3A] : memref<100096xf32, #tpu.memory_space<vmem_shared>> -> memref<100096xf32, #tpu.memory_space<vmem_shared>>
      tpu.wait_indirect_dma semaphore(%run_scoped3A : memref<!tpu.dma_semaphore, #tpu.memory_space<semaphore_mem>>) src(%arg6 : memref<8000xf32, #tpu.memory_space<vmem>>) dst(%dma_wait3A_125 : memref<100096xf32, #tpu.memory_space<vmem_shared>>)
      tpu.yield
    }) : () -> ()
    %add3A_51 = arith.constant 160000 : i32
    %add3A_52 = arith.addi %mul3A_10, %add3A_51 : i32
    "tpu.region"() ({
      %run_scoped3A = tpu.sem_alloc : memref<!tpu.dma_semaphore, #tpu.memory_space<semaphore_mem>>
      %dma_start3A = tpu.memref_slice %arg2[%add3A_52] : memref<12800000xi32, #tpu.memory_space<hbm>> -> memref<8000xi32, #tpu.memory_space<hbm>>
      %dma_start3A_124 = tpu.memref_slice %arg2[%add3A_52] : memref<12800000xi32, #tpu.memory_space<hbm>> -> memref<8000xi32, #tpu.memory_space<hbm>>
      tpu.enqueue_dma source(%dma_start3A_124 : memref<8000xi32, #tpu.memory_space<hbm>>) target(%arg5 : memref<8000xi32, #tpu.memory_space<vmem>>) target_semaphore(%run_scoped3A : memref<!tpu.dma_semaphore, #tpu.memory_space<semaphore_mem>>)
      %dma_wait3A = tpu.memref_slice %arg2[%add3A_52] : memref<12800000xi32, #tpu.memory_space<hbm>> -> memref<8000xi32, #tpu.memory_space<hbm>>
      %dma_wait3A_125 = tpu.memref_slice %arg2[%add3A_52] : memref<12800000xi32, #tpu.memory_space<hbm>> -> memref<8000xi32, #tpu.memory_space<hbm>>
      tpu.wait_dma2 semaphore(%run_scoped3A : memref<!tpu.dma_semaphore, #tpu.memory_space<semaphore_mem>>) src(%dma_wait3A_125 : memref<8000xi32, #tpu.memory_space<hbm>>) dst(%arg5 : memref<8000xi32, #tpu.memory_space<vmem>>)
      tpu.yield
    }) : () -> ()
    "tpu.region"() ({
      %run_scoped3A = tpu.sem_alloc : memref<!tpu.dma_semaphore, #tpu.memory_space<semaphore_mem>>
      %dma_start3A = tpu.memref_slice %arg3[%add3A_52] : memref<12800000xf32, #tpu.memory_space<hbm>> -> memref<8000xf32, #tpu.memory_space<hbm>>
      %dma_start3A_124 = tpu.memref_slice %arg3[%add3A_52] : memref<12800000xf32, #tpu.memory_space<hbm>> -> memref<8000xf32, #tpu.memory_space<hbm>>
      tpu.enqueue_dma source(%dma_start3A_124 : memref<8000xf32, #tpu.memory_space<hbm>>) target(%arg6 : memref<8000xf32, #tpu.memory_space<vmem>>) target_semaphore(%run_scoped3A : memref<!tpu.dma_semaphore, #tpu.memory_space<semaphore_mem>>)
      %dma_wait3A = tpu.memref_slice %arg3[%add3A_52] : memref<12800000xf32, #tpu.memory_space<hbm>> -> memref<8000xf32, #tpu.memory_space<hbm>>
      %dma_wait3A_125 = tpu.memref_slice %arg3[%add3A_52] : memref<12800000xf32, #tpu.memory_space<hbm>> -> memref<8000xf32, #tpu.memory_space<hbm>>
      tpu.wait_dma2 semaphore(%run_scoped3A : memref<!tpu.dma_semaphore, #tpu.memory_space<semaphore_mem>>) src(%dma_wait3A_125 : memref<8000xf32, #tpu.memory_space<hbm>>) dst(%arg6 : memref<8000xf32, #tpu.memory_space<vmem>>)
      tpu.yield
    }) : () -> ()
    "tpu.region"() ({
      %run_scoped3A = tpu.sem_alloc : memref<!tpu.dma_semaphore, #tpu.memory_space<semaphore_mem>>
      %dma_start3A = arith.constant 0 : i32
      %dma_start3A_124 = tpu.memref_slice %arg9[%dma_start3A] : memref<100096xf32, #tpu.memory_space<vmem_shared>> -> memref<100096xf32, #tpu.memory_space<vmem_shared>>
      tpu.enqueue_indirect_dma source(%arg6 : memref<8000xf32, #tpu.memory_space<vmem>>) target(%dma_start3A_124 : memref<100096xf32, #tpu.memory_space<vmem_shared>>) offsets(%arg5 : memref<8000xi32, #tpu.memory_space<vmem>>) semaphore(%run_scoped3A : memref<!tpu.dma_semaphore, #tpu.memory_space<semaphore_mem>>) {add = true}
      %dma_wait3A = arith.constant 0 : i32
      %dma_wait3A_125 = tpu.memref_slice %arg9[%dma_wait3A] : memref<100096xf32, #tpu.memory_space<vmem_shared>> -> memref<100096xf32, #tpu.memory_space<vmem_shared>>
      tpu.wait_indirect_dma semaphore(%run_scoped3A : memref<!tpu.dma_semaphore, #tpu.memory_space<semaphore_mem>>) src(%arg6 : memref<8000xf32, #tpu.memory_space<vmem>>) dst(%dma_wait3A_125 : memref<100096xf32, #tpu.memory_space<vmem_shared>>)
      tpu.yield
    }) : () -> ()
    %add3A_53 = arith.constant 168000 : i32
    %add3A_54 = arith.addi %mul3A_10, %add3A_53 : i32
    "tpu.region"() ({
      %run_scoped3A = tpu.sem_alloc : memref<!tpu.dma_semaphore, #tpu.memory_space<semaphore_mem>>
      %dma_start3A = tpu.memref_slice %arg2[%add3A_54] : memref<12800000xi32, #tpu.memory_space<hbm>> -> memref<8000xi32, #tpu.memory_space<hbm>>
      %dma_start3A_124 = tpu.memref_slice %arg2[%add3A_54] : memref<12800000xi32, #tpu.memory_space<hbm>> -> memref<8000xi32, #tpu.memory_space<hbm>>
      tpu.enqueue_dma source(%dma_start3A_124 : memref<8000xi32, #tpu.memory_space<hbm>>) target(%arg5 : memref<8000xi32, #tpu.memory_space<vmem>>) target_semaphore(%run_scoped3A : memref<!tpu.dma_semaphore, #tpu.memory_space<semaphore_mem>>)
      %dma_wait3A = tpu.memref_slice %arg2[%add3A_54] : memref<12800000xi32, #tpu.memory_space<hbm>> -> memref<8000xi32, #tpu.memory_space<hbm>>
      %dma_wait3A_125 = tpu.memref_slice %arg2[%add3A_54] : memref<12800000xi32, #tpu.memory_space<hbm>> -> memref<8000xi32, #tpu.memory_space<hbm>>
      tpu.wait_dma2 semaphore(%run_scoped3A : memref<!tpu.dma_semaphore, #tpu.memory_space<semaphore_mem>>) src(%dma_wait3A_125 : memref<8000xi32, #tpu.memory_space<hbm>>) dst(%arg5 : memref<8000xi32, #tpu.memory_space<vmem>>)
      tpu.yield
    }) : () -> ()
    "tpu.region"() ({
      %run_scoped3A = tpu.sem_alloc : memref<!tpu.dma_semaphore, #tpu.memory_space<semaphore_mem>>
      %dma_start3A = tpu.memref_slice %arg3[%add3A_54] : memref<12800000xf32, #tpu.memory_space<hbm>> -> memref<8000xf32, #tpu.memory_space<hbm>>
      %dma_start3A_124 = tpu.memref_slice %arg3[%add3A_54] : memref<12800000xf32, #tpu.memory_space<hbm>> -> memref<8000xf32, #tpu.memory_space<hbm>>
      tpu.enqueue_dma source(%dma_start3A_124 : memref<8000xf32, #tpu.memory_space<hbm>>) target(%arg6 : memref<8000xf32, #tpu.memory_space<vmem>>) target_semaphore(%run_scoped3A : memref<!tpu.dma_semaphore, #tpu.memory_space<semaphore_mem>>)
      %dma_wait3A = tpu.memref_slice %arg3[%add3A_54] : memref<12800000xf32, #tpu.memory_space<hbm>> -> memref<8000xf32, #tpu.memory_space<hbm>>
      %dma_wait3A_125 = tpu.memref_slice %arg3[%add3A_54] : memref<12800000xf32, #tpu.memory_space<hbm>> -> memref<8000xf32, #tpu.memory_space<hbm>>
      tpu.wait_dma2 semaphore(%run_scoped3A : memref<!tpu.dma_semaphore, #tpu.memory_space<semaphore_mem>>) src(%dma_wait3A_125 : memref<8000xf32, #tpu.memory_space<hbm>>) dst(%arg6 : memref<8000xf32, #tpu.memory_space<vmem>>)
      tpu.yield
    }) : () -> ()
    "tpu.region"() ({
      %run_scoped3A = tpu.sem_alloc : memref<!tpu.dma_semaphore, #tpu.memory_space<semaphore_mem>>
      %dma_start3A = arith.constant 0 : i32
      %dma_start3A_124 = tpu.memref_slice %arg9[%dma_start3A] : memref<100096xf32, #tpu.memory_space<vmem_shared>> -> memref<100096xf32, #tpu.memory_space<vmem_shared>>
      tpu.enqueue_indirect_dma source(%arg6 : memref<8000xf32, #tpu.memory_space<vmem>>) target(%dma_start3A_124 : memref<100096xf32, #tpu.memory_space<vmem_shared>>) offsets(%arg5 : memref<8000xi32, #tpu.memory_space<vmem>>) semaphore(%run_scoped3A : memref<!tpu.dma_semaphore, #tpu.memory_space<semaphore_mem>>) {add = true}
      %dma_wait3A = arith.constant 0 : i32
      %dma_wait3A_125 = tpu.memref_slice %arg9[%dma_wait3A] : memref<100096xf32, #tpu.memory_space<vmem_shared>> -> memref<100096xf32, #tpu.memory_space<vmem_shared>>
      tpu.wait_indirect_dma semaphore(%run_scoped3A : memref<!tpu.dma_semaphore, #tpu.memory_space<semaphore_mem>>) src(%arg6 : memref<8000xf32, #tpu.memory_space<vmem>>) dst(%dma_wait3A_125 : memref<100096xf32, #tpu.memory_space<vmem_shared>>)
      tpu.yield
    }) : () -> ()
    %add3A_55 = arith.constant 176000 : i32
    %add3A_56 = arith.addi %mul3A_10, %add3A_55 : i32
    "tpu.region"() ({
      %run_scoped3A = tpu.sem_alloc : memref<!tpu.dma_semaphore, #tpu.memory_space<semaphore_mem>>
      %dma_start3A = tpu.memref_slice %arg2[%add3A_56] : memref<12800000xi32, #tpu.memory_space<hbm>> -> memref<8000xi32, #tpu.memory_space<hbm>>
      %dma_start3A_124 = tpu.memref_slice %arg2[%add3A_56] : memref<12800000xi32, #tpu.memory_space<hbm>> -> memref<8000xi32, #tpu.memory_space<hbm>>
      tpu.enqueue_dma source(%dma_start3A_124 : memref<8000xi32, #tpu.memory_space<hbm>>) target(%arg5 : memref<8000xi32, #tpu.memory_space<vmem>>) target_semaphore(%run_scoped3A : memref<!tpu.dma_semaphore, #tpu.memory_space<semaphore_mem>>)
      %dma_wait3A = tpu.memref_slice %arg2[%add3A_56] : memref<12800000xi32, #tpu.memory_space<hbm>> -> memref<8000xi32, #tpu.memory_space<hbm>>
      %dma_wait3A_125 = tpu.memref_slice %arg2[%add3A_56] : memref<12800000xi32, #tpu.memory_space<hbm>> -> memref<8000xi32, #tpu.memory_space<hbm>>
      tpu.wait_dma2 semaphore(%run_scoped3A : memref<!tpu.dma_semaphore, #tpu.memory_space<semaphore_mem>>) src(%dma_wait3A_125 : memref<8000xi32, #tpu.memory_space<hbm>>) dst(%arg5 : memref<8000xi32, #tpu.memory_space<vmem>>)
      tpu.yield
    }) : () -> ()
    "tpu.region"() ({
      %run_scoped3A = tpu.sem_alloc : memref<!tpu.dma_semaphore, #tpu.memory_space<semaphore_mem>>
      %dma_start3A = tpu.memref_slice %arg3[%add3A_56] : memref<12800000xf32, #tpu.memory_space<hbm>> -> memref<8000xf32, #tpu.memory_space<hbm>>
      %dma_start3A_124 = tpu.memref_slice %arg3[%add3A_56] : memref<12800000xf32, #tpu.memory_space<hbm>> -> memref<8000xf32, #tpu.memory_space<hbm>>
      tpu.enqueue_dma source(%dma_start3A_124 : memref<8000xf32, #tpu.memory_space<hbm>>) target(%arg6 : memref<8000xf32, #tpu.memory_space<vmem>>) target_semaphore(%run_scoped3A : memref<!tpu.dma_semaphore, #tpu.memory_space<semaphore_mem>>)
      %dma_wait3A = tpu.memref_slice %arg3[%add3A_56] : memref<12800000xf32, #tpu.memory_space<hbm>> -> memref<8000xf32, #tpu.memory_space<hbm>>
      %dma_wait3A_125 = tpu.memref_slice %arg3[%add3A_56] : memref<12800000xf32, #tpu.memory_space<hbm>> -> memref<8000xf32, #tpu.memory_space<hbm>>
      tpu.wait_dma2 semaphore(%run_scoped3A : memref<!tpu.dma_semaphore, #tpu.memory_space<semaphore_mem>>) src(%dma_wait3A_125 : memref<8000xf32, #tpu.memory_space<hbm>>) dst(%arg6 : memref<8000xf32, #tpu.memory_space<vmem>>)
      tpu.yield
    }) : () -> ()
    "tpu.region"() ({
      %run_scoped3A = tpu.sem_alloc : memref<!tpu.dma_semaphore, #tpu.memory_space<semaphore_mem>>
      %dma_start3A = arith.constant 0 : i32
      %dma_start3A_124 = tpu.memref_slice %arg9[%dma_start3A] : memref<100096xf32, #tpu.memory_space<vmem_shared>> -> memref<100096xf32, #tpu.memory_space<vmem_shared>>
      tpu.enqueue_indirect_dma source(%arg6 : memref<8000xf32, #tpu.memory_space<vmem>>) target(%dma_start3A_124 : memref<100096xf32, #tpu.memory_space<vmem_shared>>) offsets(%arg5 : memref<8000xi32, #tpu.memory_space<vmem>>) semaphore(%run_scoped3A : memref<!tpu.dma_semaphore, #tpu.memory_space<semaphore_mem>>) {add = true}
      %dma_wait3A = arith.constant 0 : i32
      %dma_wait3A_125 = tpu.memref_slice %arg9[%dma_wait3A] : memref<100096xf32, #tpu.memory_space<vmem_shared>> -> memref<100096xf32, #tpu.memory_space<vmem_shared>>
      tpu.wait_indirect_dma semaphore(%run_scoped3A : memref<!tpu.dma_semaphore, #tpu.memory_space<semaphore_mem>>) src(%arg6 : memref<8000xf32, #tpu.memory_space<vmem>>) dst(%dma_wait3A_125 : memref<100096xf32, #tpu.memory_space<vmem_shared>>)
      tpu.yield
    }) : () -> ()
    %add3A_57 = arith.constant 184000 : i32
    %add3A_58 = arith.addi %mul3A_10, %add3A_57 : i32
    "tpu.region"() ({
      %run_scoped3A = tpu.sem_alloc : memref<!tpu.dma_semaphore, #tpu.memory_space<semaphore_mem>>
      %dma_start3A = tpu.memref_slice %arg2[%add3A_58] : memref<12800000xi32, #tpu.memory_space<hbm>> -> memref<8000xi32, #tpu.memory_space<hbm>>
      %dma_start3A_124 = tpu.memref_slice %arg2[%add3A_58] : memref<12800000xi32, #tpu.memory_space<hbm>> -> memref<8000xi32, #tpu.memory_space<hbm>>
      tpu.enqueue_dma source(%dma_start3A_124 : memref<8000xi32, #tpu.memory_space<hbm>>) target(%arg5 : memref<8000xi32, #tpu.memory_space<vmem>>) target_semaphore(%run_scoped3A : memref<!tpu.dma_semaphore, #tpu.memory_space<semaphore_mem>>)
      %dma_wait3A = tpu.memref_slice %arg2[%add3A_58] : memref<12800000xi32, #tpu.memory_space<hbm>> -> memref<8000xi32, #tpu.memory_space<hbm>>
      %dma_wait3A_125 = tpu.memref_slice %arg2[%add3A_58] : memref<12800000xi32, #tpu.memory_space<hbm>> -> memref<8000xi32, #tpu.memory_space<hbm>>
      tpu.wait_dma2 semaphore(%run_scoped3A : memref<!tpu.dma_semaphore, #tpu.memory_space<semaphore_mem>>) src(%dma_wait3A_125 : memref<8000xi32, #tpu.memory_space<hbm>>) dst(%arg5 : memref<8000xi32, #tpu.memory_space<vmem>>)
      tpu.yield
    }) : () -> ()
    "tpu.region"() ({
      %run_scoped3A = tpu.sem_alloc : memref<!tpu.dma_semaphore, #tpu.memory_space<semaphore_mem>>
      %dma_start3A = tpu.memref_slice %arg3[%add3A_58] : memref<12800000xf32, #tpu.memory_space<hbm>> -> memref<8000xf32, #tpu.memory_space<hbm>>
      %dma_start3A_124 = tpu.memref_slice %arg3[%add3A_58] : memref<12800000xf32, #tpu.memory_space<hbm>> -> memref<8000xf32, #tpu.memory_space<hbm>>
      tpu.enqueue_dma source(%dma_start3A_124 : memref<8000xf32, #tpu.memory_space<hbm>>) target(%arg6 : memref<8000xf32, #tpu.memory_space<vmem>>) target_semaphore(%run_scoped3A : memref<!tpu.dma_semaphore, #tpu.memory_space<semaphore_mem>>)
      %dma_wait3A = tpu.memref_slice %arg3[%add3A_58] : memref<12800000xf32, #tpu.memory_space<hbm>> -> memref<8000xf32, #tpu.memory_space<hbm>>
      %dma_wait3A_125 = tpu.memref_slice %arg3[%add3A_58] : memref<12800000xf32, #tpu.memory_space<hbm>> -> memref<8000xf32, #tpu.memory_space<hbm>>
      tpu.wait_dma2 semaphore(%run_scoped3A : memref<!tpu.dma_semaphore, #tpu.memory_space<semaphore_mem>>) src(%dma_wait3A_125 : memref<8000xf32, #tpu.memory_space<hbm>>) dst(%arg6 : memref<8000xf32, #tpu.memory_space<vmem>>)
      tpu.yield
    }) : () -> ()
    "tpu.region"() ({
      %run_scoped3A = tpu.sem_alloc : memref<!tpu.dma_semaphore, #tpu.memory_space<semaphore_mem>>
      %dma_start3A = arith.constant 0 : i32
      %dma_start3A_124 = tpu.memref_slice %arg9[%dma_start3A] : memref<100096xf32, #tpu.memory_space<vmem_shared>> -> memref<100096xf32, #tpu.memory_space<vmem_shared>>
      tpu.enqueue_indirect_dma source(%arg6 : memref<8000xf32, #tpu.memory_space<vmem>>) target(%dma_start3A_124 : memref<100096xf32, #tpu.memory_space<vmem_shared>>) offsets(%arg5 : memref<8000xi32, #tpu.memory_space<vmem>>) semaphore(%run_scoped3A : memref<!tpu.dma_semaphore, #tpu.memory_space<semaphore_mem>>) {add = true}
      %dma_wait3A = arith.constant 0 : i32
      %dma_wait3A_125 = tpu.memref_slice %arg9[%dma_wait3A] : memref<100096xf32, #tpu.memory_space<vmem_shared>> -> memref<100096xf32, #tpu.memory_space<vmem_shared>>
      tpu.wait_indirect_dma semaphore(%run_scoped3A : memref<!tpu.dma_semaphore, #tpu.memory_space<semaphore_mem>>) src(%arg6 : memref<8000xf32, #tpu.memory_space<vmem>>) dst(%dma_wait3A_125 : memref<100096xf32, #tpu.memory_space<vmem_shared>>)
      tpu.yield
    }) : () -> ()
    %add3A_59 = arith.constant 192000 : i32
    %add3A_60 = arith.addi %mul3A_10, %add3A_59 : i32
    "tpu.region"() ({
      %run_scoped3A = tpu.sem_alloc : memref<!tpu.dma_semaphore, #tpu.memory_space<semaphore_mem>>
      %dma_start3A = tpu.memref_slice %arg2[%add3A_60] : memref<12800000xi32, #tpu.memory_space<hbm>> -> memref<8000xi32, #tpu.memory_space<hbm>>
      %dma_start3A_124 = tpu.memref_slice %arg2[%add3A_60] : memref<12800000xi32, #tpu.memory_space<hbm>> -> memref<8000xi32, #tpu.memory_space<hbm>>
      tpu.enqueue_dma source(%dma_start3A_124 : memref<8000xi32, #tpu.memory_space<hbm>>) target(%arg5 : memref<8000xi32, #tpu.memory_space<vmem>>) target_semaphore(%run_scoped3A : memref<!tpu.dma_semaphore, #tpu.memory_space<semaphore_mem>>)
      %dma_wait3A = tpu.memref_slice %arg2[%add3A_60] : memref<12800000xi32, #tpu.memory_space<hbm>> -> memref<8000xi32, #tpu.memory_space<hbm>>
      %dma_wait3A_125 = tpu.memref_slice %arg2[%add3A_60] : memref<12800000xi32, #tpu.memory_space<hbm>> -> memref<8000xi32, #tpu.memory_space<hbm>>
      tpu.wait_dma2 semaphore(%run_scoped3A : memref<!tpu.dma_semaphore, #tpu.memory_space<semaphore_mem>>) src(%dma_wait3A_125 : memref<8000xi32, #tpu.memory_space<hbm>>) dst(%arg5 : memref<8000xi32, #tpu.memory_space<vmem>>)
      tpu.yield
    }) : () -> ()
    "tpu.region"() ({
      %run_scoped3A = tpu.sem_alloc : memref<!tpu.dma_semaphore, #tpu.memory_space<semaphore_mem>>
      %dma_start3A = tpu.memref_slice %arg3[%add3A_60] : memref<12800000xf32, #tpu.memory_space<hbm>> -> memref<8000xf32, #tpu.memory_space<hbm>>
      %dma_start3A_124 = tpu.memref_slice %arg3[%add3A_60] : memref<12800000xf32, #tpu.memory_space<hbm>> -> memref<8000xf32, #tpu.memory_space<hbm>>
      tpu.enqueue_dma source(%dma_start3A_124 : memref<8000xf32, #tpu.memory_space<hbm>>) target(%arg6 : memref<8000xf32, #tpu.memory_space<vmem>>) target_semaphore(%run_scoped3A : memref<!tpu.dma_semaphore, #tpu.memory_space<semaphore_mem>>)
      %dma_wait3A = tpu.memref_slice %arg3[%add3A_60] : memref<12800000xf32, #tpu.memory_space<hbm>> -> memref<8000xf32, #tpu.memory_space<hbm>>
      %dma_wait3A_125 = tpu.memref_slice %arg3[%add3A_60] : memref<12800000xf32, #tpu.memory_space<hbm>> -> memref<8000xf32, #tpu.memory_space<hbm>>
      tpu.wait_dma2 semaphore(%run_scoped3A : memref<!tpu.dma_semaphore, #tpu.memory_space<semaphore_mem>>) src(%dma_wait3A_125 : memref<8000xf32, #tpu.memory_space<hbm>>) dst(%arg6 : memref<8000xf32, #tpu.memory_space<vmem>>)
      tpu.yield
    }) : () -> ()
    "tpu.region"() ({
      %run_scoped3A = tpu.sem_alloc : memref<!tpu.dma_semaphore, #tpu.memory_space<semaphore_mem>>
      %dma_start3A = arith.constant 0 : i32
      %dma_start3A_124 = tpu.memref_slice %arg9[%dma_start3A] : memref<100096xf32, #tpu.memory_space<vmem_shared>> -> memref<100096xf32, #tpu.memory_space<vmem_shared>>
      tpu.enqueue_indirect_dma source(%arg6 : memref<8000xf32, #tpu.memory_space<vmem>>) target(%dma_start3A_124 : memref<100096xf32, #tpu.memory_space<vmem_shared>>) offsets(%arg5 : memref<8000xi32, #tpu.memory_space<vmem>>) semaphore(%run_scoped3A : memref<!tpu.dma_semaphore, #tpu.memory_space<semaphore_mem>>) {add = true}
      %dma_wait3A = arith.constant 0 : i32
      %dma_wait3A_125 = tpu.memref_slice %arg9[%dma_wait3A] : memref<100096xf32, #tpu.memory_space<vmem_shared>> -> memref<100096xf32, #tpu.memory_space<vmem_shared>>
      tpu.wait_indirect_dma semaphore(%run_scoped3A : memref<!tpu.dma_semaphore, #tpu.memory_space<semaphore_mem>>) src(%arg6 : memref<8000xf32, #tpu.memory_space<vmem>>) dst(%dma_wait3A_125 : memref<100096xf32, #tpu.memory_space<vmem_shared>>)
      tpu.yield
    }) : () -> ()
    %add3A_61 = arith.constant 200000 : i32
    %add3A_62 = arith.addi %mul3A_10, %add3A_61 : i32
    "tpu.region"() ({
      %run_scoped3A = tpu.sem_alloc : memref<!tpu.dma_semaphore, #tpu.memory_space<semaphore_mem>>
      %dma_start3A = tpu.memref_slice %arg2[%add3A_62] : memref<12800000xi32, #tpu.memory_space<hbm>> -> memref<8000xi32, #tpu.memory_space<hbm>>
      %dma_start3A_124 = tpu.memref_slice %arg2[%add3A_62] : memref<12800000xi32, #tpu.memory_space<hbm>> -> memref<8000xi32, #tpu.memory_space<hbm>>
      tpu.enqueue_dma source(%dma_start3A_124 : memref<8000xi32, #tpu.memory_space<hbm>>) target(%arg5 : memref<8000xi32, #tpu.memory_space<vmem>>) target_semaphore(%run_scoped3A : memref<!tpu.dma_semaphore, #tpu.memory_space<semaphore_mem>>)
      %dma_wait3A = tpu.memref_slice %arg2[%add3A_62] : memref<12800000xi32, #tpu.memory_space<hbm>> -> memref<8000xi32, #tpu.memory_space<hbm>>
      %dma_wait3A_125 = tpu.memref_slice %arg2[%add3A_62] : memref<12800000xi32, #tpu.memory_space<hbm>> -> memref<8000xi32, #tpu.memory_space<hbm>>
      tpu.wait_dma2 semaphore(%run_scoped3A : memref<!tpu.dma_semaphore, #tpu.memory_space<semaphore_mem>>) src(%dma_wait3A_125 : memref<8000xi32, #tpu.memory_space<hbm>>) dst(%arg5 : memref<8000xi32, #tpu.memory_space<vmem>>)
      tpu.yield
    }) : () -> ()
    "tpu.region"() ({
      %run_scoped3A = tpu.sem_alloc : memref<!tpu.dma_semaphore, #tpu.memory_space<semaphore_mem>>
      %dma_start3A = tpu.memref_slice %arg3[%add3A_62] : memref<12800000xf32, #tpu.memory_space<hbm>> -> memref<8000xf32, #tpu.memory_space<hbm>>
      %dma_start3A_124 = tpu.memref_slice %arg3[%add3A_62] : memref<12800000xf32, #tpu.memory_space<hbm>> -> memref<8000xf32, #tpu.memory_space<hbm>>
      tpu.enqueue_dma source(%dma_start3A_124 : memref<8000xf32, #tpu.memory_space<hbm>>) target(%arg6 : memref<8000xf32, #tpu.memory_space<vmem>>) target_semaphore(%run_scoped3A : memref<!tpu.dma_semaphore, #tpu.memory_space<semaphore_mem>>)
      %dma_wait3A = tpu.memref_slice %arg3[%add3A_62] : memref<12800000xf32, #tpu.memory_space<hbm>> -> memref<8000xf32, #tpu.memory_space<hbm>>
      %dma_wait3A_125 = tpu.memref_slice %arg3[%add3A_62] : memref<12800000xf32, #tpu.memory_space<hbm>> -> memref<8000xf32, #tpu.memory_space<hbm>>
      tpu.wait_dma2 semaphore(%run_scoped3A : memref<!tpu.dma_semaphore, #tpu.memory_space<semaphore_mem>>) src(%dma_wait3A_125 : memref<8000xf32, #tpu.memory_space<hbm>>) dst(%arg6 : memref<8000xf32, #tpu.memory_space<vmem>>)
      tpu.yield
    }) : () -> ()
    "tpu.region"() ({
      %run_scoped3A = tpu.sem_alloc : memref<!tpu.dma_semaphore, #tpu.memory_space<semaphore_mem>>
      %dma_start3A = arith.constant 0 : i32
      %dma_start3A_124 = tpu.memref_slice %arg9[%dma_start3A] : memref<100096xf32, #tpu.memory_space<vmem_shared>> -> memref<100096xf32, #tpu.memory_space<vmem_shared>>
      tpu.enqueue_indirect_dma source(%arg6 : memref<8000xf32, #tpu.memory_space<vmem>>) target(%dma_start3A_124 : memref<100096xf32, #tpu.memory_space<vmem_shared>>) offsets(%arg5 : memref<8000xi32, #tpu.memory_space<vmem>>) semaphore(%run_scoped3A : memref<!tpu.dma_semaphore, #tpu.memory_space<semaphore_mem>>) {add = true}
      %dma_wait3A = arith.constant 0 : i32
      %dma_wait3A_125 = tpu.memref_slice %arg9[%dma_wait3A] : memref<100096xf32, #tpu.memory_space<vmem_shared>> -> memref<100096xf32, #tpu.memory_space<vmem_shared>>
      tpu.wait_indirect_dma semaphore(%run_scoped3A : memref<!tpu.dma_semaphore, #tpu.memory_space<semaphore_mem>>) src(%arg6 : memref<8000xf32, #tpu.memory_space<vmem>>) dst(%dma_wait3A_125 : memref<100096xf32, #tpu.memory_space<vmem_shared>>)
      tpu.yield
    }) : () -> ()
    %add3A_63 = arith.constant 208000 : i32
    %add3A_64 = arith.addi %mul3A_10, %add3A_63 : i32
    "tpu.region"() ({
      %run_scoped3A = tpu.sem_alloc : memref<!tpu.dma_semaphore, #tpu.memory_space<semaphore_mem>>
      %dma_start3A = tpu.memref_slice %arg2[%add3A_64] : memref<12800000xi32, #tpu.memory_space<hbm>> -> memref<8000xi32, #tpu.memory_space<hbm>>
      %dma_start3A_124 = tpu.memref_slice %arg2[%add3A_64] : memref<12800000xi32, #tpu.memory_space<hbm>> -> memref<8000xi32, #tpu.memory_space<hbm>>
      tpu.enqueue_dma source(%dma_start3A_124 : memref<8000xi32, #tpu.memory_space<hbm>>) target(%arg5 : memref<8000xi32, #tpu.memory_space<vmem>>) target_semaphore(%run_scoped3A : memref<!tpu.dma_semaphore, #tpu.memory_space<semaphore_mem>>)
      %dma_wait3A = tpu.memref_slice %arg2[%add3A_64] : memref<12800000xi32, #tpu.memory_space<hbm>> -> memref<8000xi32, #tpu.memory_space<hbm>>
      %dma_wait3A_125 = tpu.memref_slice %arg2[%add3A_64] : memref<12800000xi32, #tpu.memory_space<hbm>> -> memref<8000xi32, #tpu.memory_space<hbm>>
      tpu.wait_dma2 semaphore(%run_scoped3A : memref<!tpu.dma_semaphore, #tpu.memory_space<semaphore_mem>>) src(%dma_wait3A_125 : memref<8000xi32, #tpu.memory_space<hbm>>) dst(%arg5 : memref<8000xi32, #tpu.memory_space<vmem>>)
      tpu.yield
    }) : () -> ()
    "tpu.region"() ({
      %run_scoped3A = tpu.sem_alloc : memref<!tpu.dma_semaphore, #tpu.memory_space<semaphore_mem>>
      %dma_start3A = tpu.memref_slice %arg3[%add3A_64] : memref<12800000xf32, #tpu.memory_space<hbm>> -> memref<8000xf32, #tpu.memory_space<hbm>>
      %dma_start3A_124 = tpu.memref_slice %arg3[%add3A_64] : memref<12800000xf32, #tpu.memory_space<hbm>> -> memref<8000xf32, #tpu.memory_space<hbm>>
      tpu.enqueue_dma source(%dma_start3A_124 : memref<8000xf32, #tpu.memory_space<hbm>>) target(%arg6 : memref<8000xf32, #tpu.memory_space<vmem>>) target_semaphore(%run_scoped3A : memref<!tpu.dma_semaphore, #tpu.memory_space<semaphore_mem>>)
      %dma_wait3A = tpu.memref_slice %arg3[%add3A_64] : memref<12800000xf32, #tpu.memory_space<hbm>> -> memref<8000xf32, #tpu.memory_space<hbm>>
      %dma_wait3A_125 = tpu.memref_slice %arg3[%add3A_64] : memref<12800000xf32, #tpu.memory_space<hbm>> -> memref<8000xf32, #tpu.memory_space<hbm>>
      tpu.wait_dma2 semaphore(%run_scoped3A : memref<!tpu.dma_semaphore, #tpu.memory_space<semaphore_mem>>) src(%dma_wait3A_125 : memref<8000xf32, #tpu.memory_space<hbm>>) dst(%arg6 : memref<8000xf32, #tpu.memory_space<vmem>>)
      tpu.yield
    }) : () -> ()
    "tpu.region"() ({
      %run_scoped3A = tpu.sem_alloc : memref<!tpu.dma_semaphore, #tpu.memory_space<semaphore_mem>>
      %dma_start3A = arith.constant 0 : i32
      %dma_start3A_124 = tpu.memref_slice %arg9[%dma_start3A] : memref<100096xf32, #tpu.memory_space<vmem_shared>> -> memref<100096xf32, #tpu.memory_space<vmem_shared>>
      tpu.enqueue_indirect_dma source(%arg6 : memref<8000xf32, #tpu.memory_space<vmem>>) target(%dma_start3A_124 : memref<100096xf32, #tpu.memory_space<vmem_shared>>) offsets(%arg5 : memref<8000xi32, #tpu.memory_space<vmem>>) semaphore(%run_scoped3A : memref<!tpu.dma_semaphore, #tpu.memory_space<semaphore_mem>>) {add = true}
      %dma_wait3A = arith.constant 0 : i32
      %dma_wait3A_125 = tpu.memref_slice %arg9[%dma_wait3A] : memref<100096xf32, #tpu.memory_space<vmem_shared>> -> memref<100096xf32, #tpu.memory_space<vmem_shared>>
      tpu.wait_indirect_dma semaphore(%run_scoped3A : memref<!tpu.dma_semaphore, #tpu.memory_space<semaphore_mem>>) src(%arg6 : memref<8000xf32, #tpu.memory_space<vmem>>) dst(%dma_wait3A_125 : memref<100096xf32, #tpu.memory_space<vmem_shared>>)
      tpu.yield
    }) : () -> ()
    %add3A_65 = arith.constant 216000 : i32
    %add3A_66 = arith.addi %mul3A_10, %add3A_65 : i32
    "tpu.region"() ({
      %run_scoped3A = tpu.sem_alloc : memref<!tpu.dma_semaphore, #tpu.memory_space<semaphore_mem>>
      %dma_start3A = tpu.memref_slice %arg2[%add3A_66] : memref<12800000xi32, #tpu.memory_space<hbm>> -> memref<8000xi32, #tpu.memory_space<hbm>>
      %dma_start3A_124 = tpu.memref_slice %arg2[%add3A_66] : memref<12800000xi32, #tpu.memory_space<hbm>> -> memref<8000xi32, #tpu.memory_space<hbm>>
      tpu.enqueue_dma source(%dma_start3A_124 : memref<8000xi32, #tpu.memory_space<hbm>>) target(%arg5 : memref<8000xi32, #tpu.memory_space<vmem>>) target_semaphore(%run_scoped3A : memref<!tpu.dma_semaphore, #tpu.memory_space<semaphore_mem>>)
      %dma_wait3A = tpu.memref_slice %arg2[%add3A_66] : memref<12800000xi32, #tpu.memory_space<hbm>> -> memref<8000xi32, #tpu.memory_space<hbm>>
      %dma_wait3A_125 = tpu.memref_slice %arg2[%add3A_66] : memref<12800000xi32, #tpu.memory_space<hbm>> -> memref<8000xi32, #tpu.memory_space<hbm>>
      tpu.wait_dma2 semaphore(%run_scoped3A : memref<!tpu.dma_semaphore, #tpu.memory_space<semaphore_mem>>) src(%dma_wait3A_125 : memref<8000xi32, #tpu.memory_space<hbm>>) dst(%arg5 : memref<8000xi32, #tpu.memory_space<vmem>>)
      tpu.yield
    }) : () -> ()
    "tpu.region"() ({
      %run_scoped3A = tpu.sem_alloc : memref<!tpu.dma_semaphore, #tpu.memory_space<semaphore_mem>>
      %dma_start3A = tpu.memref_slice %arg3[%add3A_66] : memref<12800000xf32, #tpu.memory_space<hbm>> -> memref<8000xf32, #tpu.memory_space<hbm>>
      %dma_start3A_124 = tpu.memref_slice %arg3[%add3A_66] : memref<12800000xf32, #tpu.memory_space<hbm>> -> memref<8000xf32, #tpu.memory_space<hbm>>
      tpu.enqueue_dma source(%dma_start3A_124 : memref<8000xf32, #tpu.memory_space<hbm>>) target(%arg6 : memref<8000xf32, #tpu.memory_space<vmem>>) target_semaphore(%run_scoped3A : memref<!tpu.dma_semaphore, #tpu.memory_space<semaphore_mem>>)
      %dma_wait3A = tpu.memref_slice %arg3[%add3A_66] : memref<12800000xf32, #tpu.memory_space<hbm>> -> memref<8000xf32, #tpu.memory_space<hbm>>
      %dma_wait3A_125 = tpu.memref_slice %arg3[%add3A_66] : memref<12800000xf32, #tpu.memory_space<hbm>> -> memref<8000xf32, #tpu.memory_space<hbm>>
      tpu.wait_dma2 semaphore(%run_scoped3A : memref<!tpu.dma_semaphore, #tpu.memory_space<semaphore_mem>>) src(%dma_wait3A_125 : memref<8000xf32, #tpu.memory_space<hbm>>) dst(%arg6 : memref<8000xf32, #tpu.memory_space<vmem>>)
      tpu.yield
    }) : () -> ()
    "tpu.region"() ({
      %run_scoped3A = tpu.sem_alloc : memref<!tpu.dma_semaphore, #tpu.memory_space<semaphore_mem>>
      %dma_start3A = arith.constant 0 : i32
      %dma_start3A_124 = tpu.memref_slice %arg9[%dma_start3A] : memref<100096xf32, #tpu.memory_space<vmem_shared>> -> memref<100096xf32, #tpu.memory_space<vmem_shared>>
      tpu.enqueue_indirect_dma source(%arg6 : memref<8000xf32, #tpu.memory_space<vmem>>) target(%dma_start3A_124 : memref<100096xf32, #tpu.memory_space<vmem_shared>>) offsets(%arg5 : memref<8000xi32, #tpu.memory_space<vmem>>) semaphore(%run_scoped3A : memref<!tpu.dma_semaphore, #tpu.memory_space<semaphore_mem>>) {add = true}
      %dma_wait3A = arith.constant 0 : i32
      %dma_wait3A_125 = tpu.memref_slice %arg9[%dma_wait3A] : memref<100096xf32, #tpu.memory_space<vmem_shared>> -> memref<100096xf32, #tpu.memory_space<vmem_shared>>
      tpu.wait_indirect_dma semaphore(%run_scoped3A : memref<!tpu.dma_semaphore, #tpu.memory_space<semaphore_mem>>) src(%arg6 : memref<8000xf32, #tpu.memory_space<vmem>>) dst(%dma_wait3A_125 : memref<100096xf32, #tpu.memory_space<vmem_shared>>)
      tpu.yield
    }) : () -> ()
    %add3A_67 = arith.constant 224000 : i32
    %add3A_68 = arith.addi %mul3A_10, %add3A_67 : i32
    "tpu.region"() ({
      %run_scoped3A = tpu.sem_alloc : memref<!tpu.dma_semaphore, #tpu.memory_space<semaphore_mem>>
      %dma_start3A = tpu.memref_slice %arg2[%add3A_68] : memref<12800000xi32, #tpu.memory_space<hbm>> -> memref<8000xi32, #tpu.memory_space<hbm>>
      %dma_start3A_124 = tpu.memref_slice %arg2[%add3A_68] : memref<12800000xi32, #tpu.memory_space<hbm>> -> memref<8000xi32, #tpu.memory_space<hbm>>
      tpu.enqueue_dma source(%dma_start3A_124 : memref<8000xi32, #tpu.memory_space<hbm>>) target(%arg5 : memref<8000xi32, #tpu.memory_space<vmem>>) target_semaphore(%run_scoped3A : memref<!tpu.dma_semaphore, #tpu.memory_space<semaphore_mem>>)
      %dma_wait3A = tpu.memref_slice %arg2[%add3A_68] : memref<12800000xi32, #tpu.memory_space<hbm>> -> memref<8000xi32, #tpu.memory_space<hbm>>
      %dma_wait3A_125 = tpu.memref_slice %arg2[%add3A_68] : memref<12800000xi32, #tpu.memory_space<hbm>> -> memref<8000xi32, #tpu.memory_space<hbm>>
      tpu.wait_dma2 semaphore(%run_scoped3A : memref<!tpu.dma_semaphore, #tpu.memory_space<semaphore_mem>>) src(%dma_wait3A_125 : memref<8000xi32, #tpu.memory_space<hbm>>) dst(%arg5 : memref<8000xi32, #tpu.memory_space<vmem>>)
      tpu.yield
    }) : () -> ()
    "tpu.region"() ({
      %run_scoped3A = tpu.sem_alloc : memref<!tpu.dma_semaphore, #tpu.memory_space<semaphore_mem>>
      %dma_start3A = tpu.memref_slice %arg3[%add3A_68] : memref<12800000xf32, #tpu.memory_space<hbm>> -> memref<8000xf32, #tpu.memory_space<hbm>>
      %dma_start3A_124 = tpu.memref_slice %arg3[%add3A_68] : memref<12800000xf32, #tpu.memory_space<hbm>> -> memref<8000xf32, #tpu.memory_space<hbm>>
      tpu.enqueue_dma source(%dma_start3A_124 : memref<8000xf32, #tpu.memory_space<hbm>>) target(%arg6 : memref<8000xf32, #tpu.memory_space<vmem>>) target_semaphore(%run_scoped3A : memref<!tpu.dma_semaphore, #tpu.memory_space<semaphore_mem>>)
      %dma_wait3A = tpu.memref_slice %arg3[%add3A_68] : memref<12800000xf32, #tpu.memory_space<hbm>> -> memref<8000xf32, #tpu.memory_space<hbm>>
      %dma_wait3A_125 = tpu.memref_slice %arg3[%add3A_68] : memref<12800000xf32, #tpu.memory_space<hbm>> -> memref<8000xf32, #tpu.memory_space<hbm>>
      tpu.wait_dma2 semaphore(%run_scoped3A : memref<!tpu.dma_semaphore, #tpu.memory_space<semaphore_mem>>) src(%dma_wait3A_125 : memref<8000xf32, #tpu.memory_space<hbm>>) dst(%arg6 : memref<8000xf32, #tpu.memory_space<vmem>>)
      tpu.yield
    }) : () -> ()
    "tpu.region"() ({
      %run_scoped3A = tpu.sem_alloc : memref<!tpu.dma_semaphore, #tpu.memory_space<semaphore_mem>>
      %dma_start3A = arith.constant 0 : i32
      %dma_start3A_124 = tpu.memref_slice %arg9[%dma_start3A] : memref<100096xf32, #tpu.memory_space<vmem_shared>> -> memref<100096xf32, #tpu.memory_space<vmem_shared>>
      tpu.enqueue_indirect_dma source(%arg6 : memref<8000xf32, #tpu.memory_space<vmem>>) target(%dma_start3A_124 : memref<100096xf32, #tpu.memory_space<vmem_shared>>) offsets(%arg5 : memref<8000xi32, #tpu.memory_space<vmem>>) semaphore(%run_scoped3A : memref<!tpu.dma_semaphore, #tpu.memory_space<semaphore_mem>>) {add = true}
      %dma_wait3A = arith.constant 0 : i32
      %dma_wait3A_125 = tpu.memref_slice %arg9[%dma_wait3A] : memref<100096xf32, #tpu.memory_space<vmem_shared>> -> memref<100096xf32, #tpu.memory_space<vmem_shared>>
      tpu.wait_indirect_dma semaphore(%run_scoped3A : memref<!tpu.dma_semaphore, #tpu.memory_space<semaphore_mem>>) src(%arg6 : memref<8000xf32, #tpu.memory_space<vmem>>) dst(%dma_wait3A_125 : memref<100096xf32, #tpu.memory_space<vmem_shared>>)
      tpu.yield
    }) : () -> ()
    %add3A_69 = arith.constant 232000 : i32
    %add3A_70 = arith.addi %mul3A_10, %add3A_69 : i32
    "tpu.region"() ({
      %run_scoped3A = tpu.sem_alloc : memref<!tpu.dma_semaphore, #tpu.memory_space<semaphore_mem>>
      %dma_start3A = tpu.memref_slice %arg2[%add3A_70] : memref<12800000xi32, #tpu.memory_space<hbm>> -> memref<8000xi32, #tpu.memory_space<hbm>>
      %dma_start3A_124 = tpu.memref_slice %arg2[%add3A_70] : memref<12800000xi32, #tpu.memory_space<hbm>> -> memref<8000xi32, #tpu.memory_space<hbm>>
      tpu.enqueue_dma source(%dma_start3A_124 : memref<8000xi32, #tpu.memory_space<hbm>>) target(%arg5 : memref<8000xi32, #tpu.memory_space<vmem>>) target_semaphore(%run_scoped3A : memref<!tpu.dma_semaphore, #tpu.memory_space<semaphore_mem>>)
      %dma_wait3A = tpu.memref_slice %arg2[%add3A_70] : memref<12800000xi32, #tpu.memory_space<hbm>> -> memref<8000xi32, #tpu.memory_space<hbm>>
      %dma_wait3A_125 = tpu.memref_slice %arg2[%add3A_70] : memref<12800000xi32, #tpu.memory_space<hbm>> -> memref<8000xi32, #tpu.memory_space<hbm>>
      tpu.wait_dma2 semaphore(%run_scoped3A : memref<!tpu.dma_semaphore, #tpu.memory_space<semaphore_mem>>) src(%dma_wait3A_125 : memref<8000xi32, #tpu.memory_space<hbm>>) dst(%arg5 : memref<8000xi32, #tpu.memory_space<vmem>>)
      tpu.yield
    }) : () -> ()
    "tpu.region"() ({
      %run_scoped3A = tpu.sem_alloc : memref<!tpu.dma_semaphore, #tpu.memory_space<semaphore_mem>>
      %dma_start3A = tpu.memref_slice %arg3[%add3A_70] : memref<12800000xf32, #tpu.memory_space<hbm>> -> memref<8000xf32, #tpu.memory_space<hbm>>
      %dma_start3A_124 = tpu.memref_slice %arg3[%add3A_70] : memref<12800000xf32, #tpu.memory_space<hbm>> -> memref<8000xf32, #tpu.memory_space<hbm>>
      tpu.enqueue_dma source(%dma_start3A_124 : memref<8000xf32, #tpu.memory_space<hbm>>) target(%arg6 : memref<8000xf32, #tpu.memory_space<vmem>>) target_semaphore(%run_scoped3A : memref<!tpu.dma_semaphore, #tpu.memory_space<semaphore_mem>>)
      %dma_wait3A = tpu.memref_slice %arg3[%add3A_70] : memref<12800000xf32, #tpu.memory_space<hbm>> -> memref<8000xf32, #tpu.memory_space<hbm>>
      %dma_wait3A_125 = tpu.memref_slice %arg3[%add3A_70] : memref<12800000xf32, #tpu.memory_space<hbm>> -> memref<8000xf32, #tpu.memory_space<hbm>>
      tpu.wait_dma2 semaphore(%run_scoped3A : memref<!tpu.dma_semaphore, #tpu.memory_space<semaphore_mem>>) src(%dma_wait3A_125 : memref<8000xf32, #tpu.memory_space<hbm>>) dst(%arg6 : memref<8000xf32, #tpu.memory_space<vmem>>)
      tpu.yield
    }) : () -> ()
    "tpu.region"() ({
      %run_scoped3A = tpu.sem_alloc : memref<!tpu.dma_semaphore, #tpu.memory_space<semaphore_mem>>
      %dma_start3A = arith.constant 0 : i32
      %dma_start3A_124 = tpu.memref_slice %arg9[%dma_start3A] : memref<100096xf32, #tpu.memory_space<vmem_shared>> -> memref<100096xf32, #tpu.memory_space<vmem_shared>>
      tpu.enqueue_indirect_dma source(%arg6 : memref<8000xf32, #tpu.memory_space<vmem>>) target(%dma_start3A_124 : memref<100096xf32, #tpu.memory_space<vmem_shared>>) offsets(%arg5 : memref<8000xi32, #tpu.memory_space<vmem>>) semaphore(%run_scoped3A : memref<!tpu.dma_semaphore, #tpu.memory_space<semaphore_mem>>) {add = true}
      %dma_wait3A = arith.constant 0 : i32
      %dma_wait3A_125 = tpu.memref_slice %arg9[%dma_wait3A] : memref<100096xf32, #tpu.memory_space<vmem_shared>> -> memref<100096xf32, #tpu.memory_space<vmem_shared>>
      tpu.wait_indirect_dma semaphore(%run_scoped3A : memref<!tpu.dma_semaphore, #tpu.memory_space<semaphore_mem>>) src(%arg6 : memref<8000xf32, #tpu.memory_space<vmem>>) dst(%dma_wait3A_125 : memref<100096xf32, #tpu.memory_space<vmem_shared>>)
      tpu.yield
    }) : () -> ()
    %add3A_71 = arith.constant 240000 : i32
    %add3A_72 = arith.addi %mul3A_10, %add3A_71 : i32
    "tpu.region"() ({
      %run_scoped3A = tpu.sem_alloc : memref<!tpu.dma_semaphore, #tpu.memory_space<semaphore_mem>>
      %dma_start3A = tpu.memref_slice %arg2[%add3A_72] : memref<12800000xi32, #tpu.memory_space<hbm>> -> memref<8000xi32, #tpu.memory_space<hbm>>
      %dma_start3A_124 = tpu.memref_slice %arg2[%add3A_72] : memref<12800000xi32, #tpu.memory_space<hbm>> -> memref<8000xi32, #tpu.memory_space<hbm>>
      tpu.enqueue_dma source(%dma_start3A_124 : memref<8000xi32, #tpu.memory_space<hbm>>) target(%arg5 : memref<8000xi32, #tpu.memory_space<vmem>>) target_semaphore(%run_scoped3A : memref<!tpu.dma_semaphore, #tpu.memory_space<semaphore_mem>>)
      %dma_wait3A = tpu.memref_slice %arg2[%add3A_72] : memref<12800000xi32, #tpu.memory_space<hbm>> -> memref<8000xi32, #tpu.memory_space<hbm>>
      %dma_wait3A_125 = tpu.memref_slice %arg2[%add3A_72] : memref<12800000xi32, #tpu.memory_space<hbm>> -> memref<8000xi32, #tpu.memory_space<hbm>>
      tpu.wait_dma2 semaphore(%run_scoped3A : memref<!tpu.dma_semaphore, #tpu.memory_space<semaphore_mem>>) src(%dma_wait3A_125 : memref<8000xi32, #tpu.memory_space<hbm>>) dst(%arg5 : memref<8000xi32, #tpu.memory_space<vmem>>)
      tpu.yield
    }) : () -> ()
    "tpu.region"() ({
      %run_scoped3A = tpu.sem_alloc : memref<!tpu.dma_semaphore, #tpu.memory_space<semaphore_mem>>
      %dma_start3A = tpu.memref_slice %arg3[%add3A_72] : memref<12800000xf32, #tpu.memory_space<hbm>> -> memref<8000xf32, #tpu.memory_space<hbm>>
      %dma_start3A_124 = tpu.memref_slice %arg3[%add3A_72] : memref<12800000xf32, #tpu.memory_space<hbm>> -> memref<8000xf32, #tpu.memory_space<hbm>>
      tpu.enqueue_dma source(%dma_start3A_124 : memref<8000xf32, #tpu.memory_space<hbm>>) target(%arg6 : memref<8000xf32, #tpu.memory_space<vmem>>) target_semaphore(%run_scoped3A : memref<!tpu.dma_semaphore, #tpu.memory_space<semaphore_mem>>)
      %dma_wait3A = tpu.memref_slice %arg3[%add3A_72] : memref<12800000xf32, #tpu.memory_space<hbm>> -> memref<8000xf32, #tpu.memory_space<hbm>>
      %dma_wait3A_125 = tpu.memref_slice %arg3[%add3A_72] : memref<12800000xf32, #tpu.memory_space<hbm>> -> memref<8000xf32, #tpu.memory_space<hbm>>
      tpu.wait_dma2 semaphore(%run_scoped3A : memref<!tpu.dma_semaphore, #tpu.memory_space<semaphore_mem>>) src(%dma_wait3A_125 : memref<8000xf32, #tpu.memory_space<hbm>>) dst(%arg6 : memref<8000xf32, #tpu.memory_space<vmem>>)
      tpu.yield
    }) : () -> ()
    "tpu.region"() ({
      %run_scoped3A = tpu.sem_alloc : memref<!tpu.dma_semaphore, #tpu.memory_space<semaphore_mem>>
      %dma_start3A = arith.constant 0 : i32
      %dma_start3A_124 = tpu.memref_slice %arg9[%dma_start3A] : memref<100096xf32, #tpu.memory_space<vmem_shared>> -> memref<100096xf32, #tpu.memory_space<vmem_shared>>
      tpu.enqueue_indirect_dma source(%arg6 : memref<8000xf32, #tpu.memory_space<vmem>>) target(%dma_start3A_124 : memref<100096xf32, #tpu.memory_space<vmem_shared>>) offsets(%arg5 : memref<8000xi32, #tpu.memory_space<vmem>>) semaphore(%run_scoped3A : memref<!tpu.dma_semaphore, #tpu.memory_space<semaphore_mem>>) {add = true}
      %dma_wait3A = arith.constant 0 : i32
      %dma_wait3A_125 = tpu.memref_slice %arg9[%dma_wait3A] : memref<100096xf32, #tpu.memory_space<vmem_shared>> -> memref<100096xf32, #tpu.memory_space<vmem_shared>>
      tpu.wait_indirect_dma semaphore(%run_scoped3A : memref<!tpu.dma_semaphore, #tpu.memory_space<semaphore_mem>>) src(%arg6 : memref<8000xf32, #tpu.memory_space<vmem>>) dst(%dma_wait3A_125 : memref<100096xf32, #tpu.memory_space<vmem_shared>>)
      tpu.yield
    }) : () -> ()
    %add3A_73 = arith.constant 248000 : i32
    %add3A_74 = arith.addi %mul3A_10, %add3A_73 : i32
    "tpu.region"() ({
      %run_scoped3A = tpu.sem_alloc : memref<!tpu.dma_semaphore, #tpu.memory_space<semaphore_mem>>
      %dma_start3A = tpu.memref_slice %arg2[%add3A_74] : memref<12800000xi32, #tpu.memory_space<hbm>> -> memref<8000xi32, #tpu.memory_space<hbm>>
      %dma_start3A_124 = tpu.memref_slice %arg2[%add3A_74] : memref<12800000xi32, #tpu.memory_space<hbm>> -> memref<8000xi32, #tpu.memory_space<hbm>>
      tpu.enqueue_dma source(%dma_start3A_124 : memref<8000xi32, #tpu.memory_space<hbm>>) target(%arg5 : memref<8000xi32, #tpu.memory_space<vmem>>) target_semaphore(%run_scoped3A : memref<!tpu.dma_semaphore, #tpu.memory_space<semaphore_mem>>)
      %dma_wait3A = tpu.memref_slice %arg2[%add3A_74] : memref<12800000xi32, #tpu.memory_space<hbm>> -> memref<8000xi32, #tpu.memory_space<hbm>>
      %dma_wait3A_125 = tpu.memref_slice %arg2[%add3A_74] : memref<12800000xi32, #tpu.memory_space<hbm>> -> memref<8000xi32, #tpu.memory_space<hbm>>
      tpu.wait_dma2 semaphore(%run_scoped3A : memref<!tpu.dma_semaphore, #tpu.memory_space<semaphore_mem>>) src(%dma_wait3A_125 : memref<8000xi32, #tpu.memory_space<hbm>>) dst(%arg5 : memref<8000xi32, #tpu.memory_space<vmem>>)
      tpu.yield
    }) : () -> ()
    "tpu.region"() ({
      %run_scoped3A = tpu.sem_alloc : memref<!tpu.dma_semaphore, #tpu.memory_space<semaphore_mem>>
      %dma_start3A = tpu.memref_slice %arg3[%add3A_74] : memref<12800000xf32, #tpu.memory_space<hbm>> -> memref<8000xf32, #tpu.memory_space<hbm>>
      %dma_start3A_124 = tpu.memref_slice %arg3[%add3A_74] : memref<12800000xf32, #tpu.memory_space<hbm>> -> memref<8000xf32, #tpu.memory_space<hbm>>
      tpu.enqueue_dma source(%dma_start3A_124 : memref<8000xf32, #tpu.memory_space<hbm>>) target(%arg6 : memref<8000xf32, #tpu.memory_space<vmem>>) target_semaphore(%run_scoped3A : memref<!tpu.dma_semaphore, #tpu.memory_space<semaphore_mem>>)
      %dma_wait3A = tpu.memref_slice %arg3[%add3A_74] : memref<12800000xf32, #tpu.memory_space<hbm>> -> memref<8000xf32, #tpu.memory_space<hbm>>
      %dma_wait3A_125 = tpu.memref_slice %arg3[%add3A_74] : memref<12800000xf32, #tpu.memory_space<hbm>> -> memref<8000xf32, #tpu.memory_space<hbm>>
      tpu.wait_dma2 semaphore(%run_scoped3A : memref<!tpu.dma_semaphore, #tpu.memory_space<semaphore_mem>>) src(%dma_wait3A_125 : memref<8000xf32, #tpu.memory_space<hbm>>) dst(%arg6 : memref<8000xf32, #tpu.memory_space<vmem>>)
      tpu.yield
    }) : () -> ()
    "tpu.region"() ({
      %run_scoped3A = tpu.sem_alloc : memref<!tpu.dma_semaphore, #tpu.memory_space<semaphore_mem>>
      %dma_start3A = arith.constant 0 : i32
      %dma_start3A_124 = tpu.memref_slice %arg9[%dma_start3A] : memref<100096xf32, #tpu.memory_space<vmem_shared>> -> memref<100096xf32, #tpu.memory_space<vmem_shared>>
      tpu.enqueue_indirect_dma source(%arg6 : memref<8000xf32, #tpu.memory_space<vmem>>) target(%dma_start3A_124 : memref<100096xf32, #tpu.memory_space<vmem_shared>>) offsets(%arg5 : memref<8000xi32, #tpu.memory_space<vmem>>) semaphore(%run_scoped3A : memref<!tpu.dma_semaphore, #tpu.memory_space<semaphore_mem>>) {add = true}
      %dma_wait3A = arith.constant 0 : i32
      %dma_wait3A_125 = tpu.memref_slice %arg9[%dma_wait3A] : memref<100096xf32, #tpu.memory_space<vmem_shared>> -> memref<100096xf32, #tpu.memory_space<vmem_shared>>
      tpu.wait_indirect_dma semaphore(%run_scoped3A : memref<!tpu.dma_semaphore, #tpu.memory_space<semaphore_mem>>) src(%arg6 : memref<8000xf32, #tpu.memory_space<vmem>>) dst(%dma_wait3A_125 : memref<100096xf32, #tpu.memory_space<vmem_shared>>)
      tpu.yield
    }) : () -> ()
    %add3A_75 = arith.constant 256000 : i32
    %add3A_76 = arith.addi %mul3A_10, %add3A_75 : i32
    "tpu.region"() ({
      %run_scoped3A = tpu.sem_alloc : memref<!tpu.dma_semaphore, #tpu.memory_space<semaphore_mem>>
      %dma_start3A = tpu.memref_slice %arg2[%add3A_76] : memref<12800000xi32, #tpu.memory_space<hbm>> -> memref<8000xi32, #tpu.memory_space<hbm>>
      %dma_start3A_124 = tpu.memref_slice %arg2[%add3A_76] : memref<12800000xi32, #tpu.memory_space<hbm>> -> memref<8000xi32, #tpu.memory_space<hbm>>
      tpu.enqueue_dma source(%dma_start3A_124 : memref<8000xi32, #tpu.memory_space<hbm>>) target(%arg5 : memref<8000xi32, #tpu.memory_space<vmem>>) target_semaphore(%run_scoped3A : memref<!tpu.dma_semaphore, #tpu.memory_space<semaphore_mem>>)
      %dma_wait3A = tpu.memref_slice %arg2[%add3A_76] : memref<12800000xi32, #tpu.memory_space<hbm>> -> memref<8000xi32, #tpu.memory_space<hbm>>
      %dma_wait3A_125 = tpu.memref_slice %arg2[%add3A_76] : memref<12800000xi32, #tpu.memory_space<hbm>> -> memref<8000xi32, #tpu.memory_space<hbm>>
      tpu.wait_dma2 semaphore(%run_scoped3A : memref<!tpu.dma_semaphore, #tpu.memory_space<semaphore_mem>>) src(%dma_wait3A_125 : memref<8000xi32, #tpu.memory_space<hbm>>) dst(%arg5 : memref<8000xi32, #tpu.memory_space<vmem>>)
      tpu.yield
    }) : () -> ()
    "tpu.region"() ({
      %run_scoped3A = tpu.sem_alloc : memref<!tpu.dma_semaphore, #tpu.memory_space<semaphore_mem>>
      %dma_start3A = tpu.memref_slice %arg3[%add3A_76] : memref<12800000xf32, #tpu.memory_space<hbm>> -> memref<8000xf32, #tpu.memory_space<hbm>>
      %dma_start3A_124 = tpu.memref_slice %arg3[%add3A_76] : memref<12800000xf32, #tpu.memory_space<hbm>> -> memref<8000xf32, #tpu.memory_space<hbm>>
      tpu.enqueue_dma source(%dma_start3A_124 : memref<8000xf32, #tpu.memory_space<hbm>>) target(%arg6 : memref<8000xf32, #tpu.memory_space<vmem>>) target_semaphore(%run_scoped3A : memref<!tpu.dma_semaphore, #tpu.memory_space<semaphore_mem>>)
      %dma_wait3A = tpu.memref_slice %arg3[%add3A_76] : memref<12800000xf32, #tpu.memory_space<hbm>> -> memref<8000xf32, #tpu.memory_space<hbm>>
      %dma_wait3A_125 = tpu.memref_slice %arg3[%add3A_76] : memref<12800000xf32, #tpu.memory_space<hbm>> -> memref<8000xf32, #tpu.memory_space<hbm>>
      tpu.wait_dma2 semaphore(%run_scoped3A : memref<!tpu.dma_semaphore, #tpu.memory_space<semaphore_mem>>) src(%dma_wait3A_125 : memref<8000xf32, #tpu.memory_space<hbm>>) dst(%arg6 : memref<8000xf32, #tpu.memory_space<vmem>>)
      tpu.yield
    }) : () -> ()
    "tpu.region"() ({
      %run_scoped3A = tpu.sem_alloc : memref<!tpu.dma_semaphore, #tpu.memory_space<semaphore_mem>>
      %dma_start3A = arith.constant 0 : i32
      %dma_start3A_124 = tpu.memref_slice %arg9[%dma_start3A] : memref<100096xf32, #tpu.memory_space<vmem_shared>> -> memref<100096xf32, #tpu.memory_space<vmem_shared>>
      tpu.enqueue_indirect_dma source(%arg6 : memref<8000xf32, #tpu.memory_space<vmem>>) target(%dma_start3A_124 : memref<100096xf32, #tpu.memory_space<vmem_shared>>) offsets(%arg5 : memref<8000xi32, #tpu.memory_space<vmem>>) semaphore(%run_scoped3A : memref<!tpu.dma_semaphore, #tpu.memory_space<semaphore_mem>>) {add = true}
      %dma_wait3A = arith.constant 0 : i32
      %dma_wait3A_125 = tpu.memref_slice %arg9[%dma_wait3A] : memref<100096xf32, #tpu.memory_space<vmem_shared>> -> memref<100096xf32, #tpu.memory_space<vmem_shared>>
      tpu.wait_indirect_dma semaphore(%run_scoped3A : memref<!tpu.dma_semaphore, #tpu.memory_space<semaphore_mem>>) src(%arg6 : memref<8000xf32, #tpu.memory_space<vmem>>) dst(%dma_wait3A_125 : memref<100096xf32, #tpu.memory_space<vmem_shared>>)
      tpu.yield
    }) : () -> ()
    %add3A_77 = arith.constant 264000 : i32
    %add3A_78 = arith.addi %mul3A_10, %add3A_77 : i32
    "tpu.region"() ({
      %run_scoped3A = tpu.sem_alloc : memref<!tpu.dma_semaphore, #tpu.memory_space<semaphore_mem>>
      %dma_start3A = tpu.memref_slice %arg2[%add3A_78] : memref<12800000xi32, #tpu.memory_space<hbm>> -> memref<8000xi32, #tpu.memory_space<hbm>>
      %dma_start3A_124 = tpu.memref_slice %arg2[%add3A_78] : memref<12800000xi32, #tpu.memory_space<hbm>> -> memref<8000xi32, #tpu.memory_space<hbm>>
      tpu.enqueue_dma source(%dma_start3A_124 : memref<8000xi32, #tpu.memory_space<hbm>>) target(%arg5 : memref<8000xi32, #tpu.memory_space<vmem>>) target_semaphore(%run_scoped3A : memref<!tpu.dma_semaphore, #tpu.memory_space<semaphore_mem>>)
      %dma_wait3A = tpu.memref_slice %arg2[%add3A_78] : memref<12800000xi32, #tpu.memory_space<hbm>> -> memref<8000xi32, #tpu.memory_space<hbm>>
      %dma_wait3A_125 = tpu.memref_slice %arg2[%add3A_78] : memref<12800000xi32, #tpu.memory_space<hbm>> -> memref<8000xi32, #tpu.memory_space<hbm>>
      tpu.wait_dma2 semaphore(%run_scoped3A : memref<!tpu.dma_semaphore, #tpu.memory_space<semaphore_mem>>) src(%dma_wait3A_125 : memref<8000xi32, #tpu.memory_space<hbm>>) dst(%arg5 : memref<8000xi32, #tpu.memory_space<vmem>>)
      tpu.yield
    }) : () -> ()
    "tpu.region"() ({
      %run_scoped3A = tpu.sem_alloc : memref<!tpu.dma_semaphore, #tpu.memory_space<semaphore_mem>>
      %dma_start3A = tpu.memref_slice %arg3[%add3A_78] : memref<12800000xf32, #tpu.memory_space<hbm>> -> memref<8000xf32, #tpu.memory_space<hbm>>
      %dma_start3A_124 = tpu.memref_slice %arg3[%add3A_78] : memref<12800000xf32, #tpu.memory_space<hbm>> -> memref<8000xf32, #tpu.memory_space<hbm>>
      tpu.enqueue_dma source(%dma_start3A_124 : memref<8000xf32, #tpu.memory_space<hbm>>) target(%arg6 : memref<8000xf32, #tpu.memory_space<vmem>>) target_semaphore(%run_scoped3A : memref<!tpu.dma_semaphore, #tpu.memory_space<semaphore_mem>>)
      %dma_wait3A = tpu.memref_slice %arg3[%add3A_78] : memref<12800000xf32, #tpu.memory_space<hbm>> -> memref<8000xf32, #tpu.memory_space<hbm>>
      %dma_wait3A_125 = tpu.memref_slice %arg3[%add3A_78] : memref<12800000xf32, #tpu.memory_space<hbm>> -> memref<8000xf32, #tpu.memory_space<hbm>>
      tpu.wait_dma2 semaphore(%run_scoped3A : memref<!tpu.dma_semaphore, #tpu.memory_space<semaphore_mem>>) src(%dma_wait3A_125 : memref<8000xf32, #tpu.memory_space<hbm>>) dst(%arg6 : memref<8000xf32, #tpu.memory_space<vmem>>)
      tpu.yield
    }) : () -> ()
    "tpu.region"() ({
      %run_scoped3A = tpu.sem_alloc : memref<!tpu.dma_semaphore, #tpu.memory_space<semaphore_mem>>
      %dma_start3A = arith.constant 0 : i32
      %dma_start3A_124 = tpu.memref_slice %arg9[%dma_start3A] : memref<100096xf32, #tpu.memory_space<vmem_shared>> -> memref<100096xf32, #tpu.memory_space<vmem_shared>>
      tpu.enqueue_indirect_dma source(%arg6 : memref<8000xf32, #tpu.memory_space<vmem>>) target(%dma_start3A_124 : memref<100096xf32, #tpu.memory_space<vmem_shared>>) offsets(%arg5 : memref<8000xi32, #tpu.memory_space<vmem>>) semaphore(%run_scoped3A : memref<!tpu.dma_semaphore, #tpu.memory_space<semaphore_mem>>) {add = true}
      %dma_wait3A = arith.constant 0 : i32
      %dma_wait3A_125 = tpu.memref_slice %arg9[%dma_wait3A] : memref<100096xf32, #tpu.memory_space<vmem_shared>> -> memref<100096xf32, #tpu.memory_space<vmem_shared>>
      tpu.wait_indirect_dma semaphore(%run_scoped3A : memref<!tpu.dma_semaphore, #tpu.memory_space<semaphore_mem>>) src(%arg6 : memref<8000xf32, #tpu.memory_space<vmem>>) dst(%dma_wait3A_125 : memref<100096xf32, #tpu.memory_space<vmem_shared>>)
      tpu.yield
    }) : () -> ()
    %add3A_79 = arith.constant 272000 : i32
    %add3A_80 = arith.addi %mul3A_10, %add3A_79 : i32
    "tpu.region"() ({
      %run_scoped3A = tpu.sem_alloc : memref<!tpu.dma_semaphore, #tpu.memory_space<semaphore_mem>>
      %dma_start3A = tpu.memref_slice %arg2[%add3A_80] : memref<12800000xi32, #tpu.memory_space<hbm>> -> memref<8000xi32, #tpu.memory_space<hbm>>
      %dma_start3A_124 = tpu.memref_slice %arg2[%add3A_80] : memref<12800000xi32, #tpu.memory_space<hbm>> -> memref<8000xi32, #tpu.memory_space<hbm>>
      tpu.enqueue_dma source(%dma_start3A_124 : memref<8000xi32, #tpu.memory_space<hbm>>) target(%arg5 : memref<8000xi32, #tpu.memory_space<vmem>>) target_semaphore(%run_scoped3A : memref<!tpu.dma_semaphore, #tpu.memory_space<semaphore_mem>>)
      %dma_wait3A = tpu.memref_slice %arg2[%add3A_80] : memref<12800000xi32, #tpu.memory_space<hbm>> -> memref<8000xi32, #tpu.memory_space<hbm>>
      %dma_wait3A_125 = tpu.memref_slice %arg2[%add3A_80] : memref<12800000xi32, #tpu.memory_space<hbm>> -> memref<8000xi32, #tpu.memory_space<hbm>>
      tpu.wait_dma2 semaphore(%run_scoped3A : memref<!tpu.dma_semaphore, #tpu.memory_space<semaphore_mem>>) src(%dma_wait3A_125 : memref<8000xi32, #tpu.memory_space<hbm>>) dst(%arg5 : memref<8000xi32, #tpu.memory_space<vmem>>)
      tpu.yield
    }) : () -> ()
    "tpu.region"() ({
      %run_scoped3A = tpu.sem_alloc : memref<!tpu.dma_semaphore, #tpu.memory_space<semaphore_mem>>
      %dma_start3A = tpu.memref_slice %arg3[%add3A_80] : memref<12800000xf32, #tpu.memory_space<hbm>> -> memref<8000xf32, #tpu.memory_space<hbm>>
      %dma_start3A_124 = tpu.memref_slice %arg3[%add3A_80] : memref<12800000xf32, #tpu.memory_space<hbm>> -> memref<8000xf32, #tpu.memory_space<hbm>>
      tpu.enqueue_dma source(%dma_start3A_124 : memref<8000xf32, #tpu.memory_space<hbm>>) target(%arg6 : memref<8000xf32, #tpu.memory_space<vmem>>) target_semaphore(%run_scoped3A : memref<!tpu.dma_semaphore, #tpu.memory_space<semaphore_mem>>)
      %dma_wait3A = tpu.memref_slice %arg3[%add3A_80] : memref<12800000xf32, #tpu.memory_space<hbm>> -> memref<8000xf32, #tpu.memory_space<hbm>>
      %dma_wait3A_125 = tpu.memref_slice %arg3[%add3A_80] : memref<12800000xf32, #tpu.memory_space<hbm>> -> memref<8000xf32, #tpu.memory_space<hbm>>
      tpu.wait_dma2 semaphore(%run_scoped3A : memref<!tpu.dma_semaphore, #tpu.memory_space<semaphore_mem>>) src(%dma_wait3A_125 : memref<8000xf32, #tpu.memory_space<hbm>>) dst(%arg6 : memref<8000xf32, #tpu.memory_space<vmem>>)
      tpu.yield
    }) : () -> ()
    "tpu.region"() ({
      %run_scoped3A = tpu.sem_alloc : memref<!tpu.dma_semaphore, #tpu.memory_space<semaphore_mem>>
      %dma_start3A = arith.constant 0 : i32
      %dma_start3A_124 = tpu.memref_slice %arg9[%dma_start3A] : memref<100096xf32, #tpu.memory_space<vmem_shared>> -> memref<100096xf32, #tpu.memory_space<vmem_shared>>
      tpu.enqueue_indirect_dma source(%arg6 : memref<8000xf32, #tpu.memory_space<vmem>>) target(%dma_start3A_124 : memref<100096xf32, #tpu.memory_space<vmem_shared>>) offsets(%arg5 : memref<8000xi32, #tpu.memory_space<vmem>>) semaphore(%run_scoped3A : memref<!tpu.dma_semaphore, #tpu.memory_space<semaphore_mem>>) {add = true}
      %dma_wait3A = arith.constant 0 : i32
      %dma_wait3A_125 = tpu.memref_slice %arg9[%dma_wait3A] : memref<100096xf32, #tpu.memory_space<vmem_shared>> -> memref<100096xf32, #tpu.memory_space<vmem_shared>>
      tpu.wait_indirect_dma semaphore(%run_scoped3A : memref<!tpu.dma_semaphore, #tpu.memory_space<semaphore_mem>>) src(%arg6 : memref<8000xf32, #tpu.memory_space<vmem>>) dst(%dma_wait3A_125 : memref<100096xf32, #tpu.memory_space<vmem_shared>>)
      tpu.yield
    }) : () -> ()
    %add3A_81 = arith.constant 280000 : i32
    %add3A_82 = arith.addi %mul3A_10, %add3A_81 : i32
    "tpu.region"() ({
      %run_scoped3A = tpu.sem_alloc : memref<!tpu.dma_semaphore, #tpu.memory_space<semaphore_mem>>
      %dma_start3A = tpu.memref_slice %arg2[%add3A_82] : memref<12800000xi32, #tpu.memory_space<hbm>> -> memref<8000xi32, #tpu.memory_space<hbm>>
      %dma_start3A_124 = tpu.memref_slice %arg2[%add3A_82] : memref<12800000xi32, #tpu.memory_space<hbm>> -> memref<8000xi32, #tpu.memory_space<hbm>>
      tpu.enqueue_dma source(%dma_start3A_124 : memref<8000xi32, #tpu.memory_space<hbm>>) target(%arg5 : memref<8000xi32, #tpu.memory_space<vmem>>) target_semaphore(%run_scoped3A : memref<!tpu.dma_semaphore, #tpu.memory_space<semaphore_mem>>)
      %dma_wait3A = tpu.memref_slice %arg2[%add3A_82] : memref<12800000xi32, #tpu.memory_space<hbm>> -> memref<8000xi32, #tpu.memory_space<hbm>>
      %dma_wait3A_125 = tpu.memref_slice %arg2[%add3A_82] : memref<12800000xi32, #tpu.memory_space<hbm>> -> memref<8000xi32, #tpu.memory_space<hbm>>
      tpu.wait_dma2 semaphore(%run_scoped3A : memref<!tpu.dma_semaphore, #tpu.memory_space<semaphore_mem>>) src(%dma_wait3A_125 : memref<8000xi32, #tpu.memory_space<hbm>>) dst(%arg5 : memref<8000xi32, #tpu.memory_space<vmem>>)
      tpu.yield
    }) : () -> ()
    "tpu.region"() ({
      %run_scoped3A = tpu.sem_alloc : memref<!tpu.dma_semaphore, #tpu.memory_space<semaphore_mem>>
      %dma_start3A = tpu.memref_slice %arg3[%add3A_82] : memref<12800000xf32, #tpu.memory_space<hbm>> -> memref<8000xf32, #tpu.memory_space<hbm>>
      %dma_start3A_124 = tpu.memref_slice %arg3[%add3A_82] : memref<12800000xf32, #tpu.memory_space<hbm>> -> memref<8000xf32, #tpu.memory_space<hbm>>
      tpu.enqueue_dma source(%dma_start3A_124 : memref<8000xf32, #tpu.memory_space<hbm>>) target(%arg6 : memref<8000xf32, #tpu.memory_space<vmem>>) target_semaphore(%run_scoped3A : memref<!tpu.dma_semaphore, #tpu.memory_space<semaphore_mem>>)
      %dma_wait3A = tpu.memref_slice %arg3[%add3A_82] : memref<12800000xf32, #tpu.memory_space<hbm>> -> memref<8000xf32, #tpu.memory_space<hbm>>
      %dma_wait3A_125 = tpu.memref_slice %arg3[%add3A_82] : memref<12800000xf32, #tpu.memory_space<hbm>> -> memref<8000xf32, #tpu.memory_space<hbm>>
      tpu.wait_dma2 semaphore(%run_scoped3A : memref<!tpu.dma_semaphore, #tpu.memory_space<semaphore_mem>>) src(%dma_wait3A_125 : memref<8000xf32, #tpu.memory_space<hbm>>) dst(%arg6 : memref<8000xf32, #tpu.memory_space<vmem>>)
      tpu.yield
    }) : () -> ()
    "tpu.region"() ({
      %run_scoped3A = tpu.sem_alloc : memref<!tpu.dma_semaphore, #tpu.memory_space<semaphore_mem>>
      %dma_start3A = arith.constant 0 : i32
      %dma_start3A_124 = tpu.memref_slice %arg9[%dma_start3A] : memref<100096xf32, #tpu.memory_space<vmem_shared>> -> memref<100096xf32, #tpu.memory_space<vmem_shared>>
      tpu.enqueue_indirect_dma source(%arg6 : memref<8000xf32, #tpu.memory_space<vmem>>) target(%dma_start3A_124 : memref<100096xf32, #tpu.memory_space<vmem_shared>>) offsets(%arg5 : memref<8000xi32, #tpu.memory_space<vmem>>) semaphore(%run_scoped3A : memref<!tpu.dma_semaphore, #tpu.memory_space<semaphore_mem>>) {add = true}
      %dma_wait3A = arith.constant 0 : i32
      %dma_wait3A_125 = tpu.memref_slice %arg9[%dma_wait3A] : memref<100096xf32, #tpu.memory_space<vmem_shared>> -> memref<100096xf32, #tpu.memory_space<vmem_shared>>
      tpu.wait_indirect_dma semaphore(%run_scoped3A : memref<!tpu.dma_semaphore, #tpu.memory_space<semaphore_mem>>) src(%arg6 : memref<8000xf32, #tpu.memory_space<vmem>>) dst(%dma_wait3A_125 : memref<100096xf32, #tpu.memory_space<vmem_shared>>)
      tpu.yield
    }) : () -> ()
    %add3A_83 = arith.constant 288000 : i32
    %add3A_84 = arith.addi %mul3A_10, %add3A_83 : i32
    "tpu.region"() ({
      %run_scoped3A = tpu.sem_alloc : memref<!tpu.dma_semaphore, #tpu.memory_space<semaphore_mem>>
      %dma_start3A = tpu.memref_slice %arg2[%add3A_84] : memref<12800000xi32, #tpu.memory_space<hbm>> -> memref<8000xi32, #tpu.memory_space<hbm>>
      %dma_start3A_124 = tpu.memref_slice %arg2[%add3A_84] : memref<12800000xi32, #tpu.memory_space<hbm>> -> memref<8000xi32, #tpu.memory_space<hbm>>
      tpu.enqueue_dma source(%dma_start3A_124 : memref<8000xi32, #tpu.memory_space<hbm>>) target(%arg5 : memref<8000xi32, #tpu.memory_space<vmem>>) target_semaphore(%run_scoped3A : memref<!tpu.dma_semaphore, #tpu.memory_space<semaphore_mem>>)
      %dma_wait3A = tpu.memref_slice %arg2[%add3A_84] : memref<12800000xi32, #tpu.memory_space<hbm>> -> memref<8000xi32, #tpu.memory_space<hbm>>
      %dma_wait3A_125 = tpu.memref_slice %arg2[%add3A_84] : memref<12800000xi32, #tpu.memory_space<hbm>> -> memref<8000xi32, #tpu.memory_space<hbm>>
      tpu.wait_dma2 semaphore(%run_scoped3A : memref<!tpu.dma_semaphore, #tpu.memory_space<semaphore_mem>>) src(%dma_wait3A_125 : memref<8000xi32, #tpu.memory_space<hbm>>) dst(%arg5 : memref<8000xi32, #tpu.memory_space<vmem>>)
      tpu.yield
    }) : () -> ()
    "tpu.region"() ({
      %run_scoped3A = tpu.sem_alloc : memref<!tpu.dma_semaphore, #tpu.memory_space<semaphore_mem>>
      %dma_start3A = tpu.memref_slice %arg3[%add3A_84] : memref<12800000xf32, #tpu.memory_space<hbm>> -> memref<8000xf32, #tpu.memory_space<hbm>>
      %dma_start3A_124 = tpu.memref_slice %arg3[%add3A_84] : memref<12800000xf32, #tpu.memory_space<hbm>> -> memref<8000xf32, #tpu.memory_space<hbm>>
      tpu.enqueue_dma source(%dma_start3A_124 : memref<8000xf32, #tpu.memory_space<hbm>>) target(%arg6 : memref<8000xf32, #tpu.memory_space<vmem>>) target_semaphore(%run_scoped3A : memref<!tpu.dma_semaphore, #tpu.memory_space<semaphore_mem>>)
      %dma_wait3A = tpu.memref_slice %arg3[%add3A_84] : memref<12800000xf32, #tpu.memory_space<hbm>> -> memref<8000xf32, #tpu.memory_space<hbm>>
      %dma_wait3A_125 = tpu.memref_slice %arg3[%add3A_84] : memref<12800000xf32, #tpu.memory_space<hbm>> -> memref<8000xf32, #tpu.memory_space<hbm>>
      tpu.wait_dma2 semaphore(%run_scoped3A : memref<!tpu.dma_semaphore, #tpu.memory_space<semaphore_mem>>) src(%dma_wait3A_125 : memref<8000xf32, #tpu.memory_space<hbm>>) dst(%arg6 : memref<8000xf32, #tpu.memory_space<vmem>>)
      tpu.yield
    }) : () -> ()
    "tpu.region"() ({
      %run_scoped3A = tpu.sem_alloc : memref<!tpu.dma_semaphore, #tpu.memory_space<semaphore_mem>>
      %dma_start3A = arith.constant 0 : i32
      %dma_start3A_124 = tpu.memref_slice %arg9[%dma_start3A] : memref<100096xf32, #tpu.memory_space<vmem_shared>> -> memref<100096xf32, #tpu.memory_space<vmem_shared>>
      tpu.enqueue_indirect_dma source(%arg6 : memref<8000xf32, #tpu.memory_space<vmem>>) target(%dma_start3A_124 : memref<100096xf32, #tpu.memory_space<vmem_shared>>) offsets(%arg5 : memref<8000xi32, #tpu.memory_space<vmem>>) semaphore(%run_scoped3A : memref<!tpu.dma_semaphore, #tpu.memory_space<semaphore_mem>>) {add = true}
      %dma_wait3A = arith.constant 0 : i32
      %dma_wait3A_125 = tpu.memref_slice %arg9[%dma_wait3A] : memref<100096xf32, #tpu.memory_space<vmem_shared>> -> memref<100096xf32, #tpu.memory_space<vmem_shared>>
      tpu.wait_indirect_dma semaphore(%run_scoped3A : memref<!tpu.dma_semaphore, #tpu.memory_space<semaphore_mem>>) src(%arg6 : memref<8000xf32, #tpu.memory_space<vmem>>) dst(%dma_wait3A_125 : memref<100096xf32, #tpu.memory_space<vmem_shared>>)
      tpu.yield
    }) : () -> ()
    %add3A_85 = arith.constant 296000 : i32
    %add3A_86 = arith.addi %mul3A_10, %add3A_85 : i32
    "tpu.region"() ({
      %run_scoped3A = tpu.sem_alloc : memref<!tpu.dma_semaphore, #tpu.memory_space<semaphore_mem>>
      %dma_start3A = tpu.memref_slice %arg2[%add3A_86] : memref<12800000xi32, #tpu.memory_space<hbm>> -> memref<8000xi32, #tpu.memory_space<hbm>>
      %dma_start3A_124 = tpu.memref_slice %arg2[%add3A_86] : memref<12800000xi32, #tpu.memory_space<hbm>> -> memref<8000xi32, #tpu.memory_space<hbm>>
      tpu.enqueue_dma source(%dma_start3A_124 : memref<8000xi32, #tpu.memory_space<hbm>>) target(%arg5 : memref<8000xi32, #tpu.memory_space<vmem>>) target_semaphore(%run_scoped3A : memref<!tpu.dma_semaphore, #tpu.memory_space<semaphore_mem>>)
      %dma_wait3A = tpu.memref_slice %arg2[%add3A_86] : memref<12800000xi32, #tpu.memory_space<hbm>> -> memref<8000xi32, #tpu.memory_space<hbm>>
      %dma_wait3A_125 = tpu.memref_slice %arg2[%add3A_86] : memref<12800000xi32, #tpu.memory_space<hbm>> -> memref<8000xi32, #tpu.memory_space<hbm>>
      tpu.wait_dma2 semaphore(%run_scoped3A : memref<!tpu.dma_semaphore, #tpu.memory_space<semaphore_mem>>) src(%dma_wait3A_125 : memref<8000xi32, #tpu.memory_space<hbm>>) dst(%arg5 : memref<8000xi32, #tpu.memory_space<vmem>>)
      tpu.yield
    }) : () -> ()
    "tpu.region"() ({
      %run_scoped3A = tpu.sem_alloc : memref<!tpu.dma_semaphore, #tpu.memory_space<semaphore_mem>>
      %dma_start3A = tpu.memref_slice %arg3[%add3A_86] : memref<12800000xf32, #tpu.memory_space<hbm>> -> memref<8000xf32, #tpu.memory_space<hbm>>
      %dma_start3A_124 = tpu.memref_slice %arg3[%add3A_86] : memref<12800000xf32, #tpu.memory_space<hbm>> -> memref<8000xf32, #tpu.memory_space<hbm>>
      tpu.enqueue_dma source(%dma_start3A_124 : memref<8000xf32, #tpu.memory_space<hbm>>) target(%arg6 : memref<8000xf32, #tpu.memory_space<vmem>>) target_semaphore(%run_scoped3A : memref<!tpu.dma_semaphore, #tpu.memory_space<semaphore_mem>>)
      %dma_wait3A = tpu.memref_slice %arg3[%add3A_86] : memref<12800000xf32, #tpu.memory_space<hbm>> -> memref<8000xf32, #tpu.memory_space<hbm>>
      %dma_wait3A_125 = tpu.memref_slice %arg3[%add3A_86] : memref<12800000xf32, #tpu.memory_space<hbm>> -> memref<8000xf32, #tpu.memory_space<hbm>>
      tpu.wait_dma2 semaphore(%run_scoped3A : memref<!tpu.dma_semaphore, #tpu.memory_space<semaphore_mem>>) src(%dma_wait3A_125 : memref<8000xf32, #tpu.memory_space<hbm>>) dst(%arg6 : memref<8000xf32, #tpu.memory_space<vmem>>)
      tpu.yield
    }) : () -> ()
    "tpu.region"() ({
      %run_scoped3A = tpu.sem_alloc : memref<!tpu.dma_semaphore, #tpu.memory_space<semaphore_mem>>
      %dma_start3A = arith.constant 0 : i32
      %dma_start3A_124 = tpu.memref_slice %arg9[%dma_start3A] : memref<100096xf32, #tpu.memory_space<vmem_shared>> -> memref<100096xf32, #tpu.memory_space<vmem_shared>>
      tpu.enqueue_indirect_dma source(%arg6 : memref<8000xf32, #tpu.memory_space<vmem>>) target(%dma_start3A_124 : memref<100096xf32, #tpu.memory_space<vmem_shared>>) offsets(%arg5 : memref<8000xi32, #tpu.memory_space<vmem>>) semaphore(%run_scoped3A : memref<!tpu.dma_semaphore, #tpu.memory_space<semaphore_mem>>) {add = true}
      %dma_wait3A = arith.constant 0 : i32
      %dma_wait3A_125 = tpu.memref_slice %arg9[%dma_wait3A] : memref<100096xf32, #tpu.memory_space<vmem_shared>> -> memref<100096xf32, #tpu.memory_space<vmem_shared>>
      tpu.wait_indirect_dma semaphore(%run_scoped3A : memref<!tpu.dma_semaphore, #tpu.memory_space<semaphore_mem>>) src(%arg6 : memref<8000xf32, #tpu.memory_space<vmem>>) dst(%dma_wait3A_125 : memref<100096xf32, #tpu.memory_space<vmem_shared>>)
      tpu.yield
    }) : () -> ()
    %add3A_87 = arith.constant 304000 : i32
    %add3A_88 = arith.addi %mul3A_10, %add3A_87 : i32
    "tpu.region"() ({
      %run_scoped3A = tpu.sem_alloc : memref<!tpu.dma_semaphore, #tpu.memory_space<semaphore_mem>>
      %dma_start3A = tpu.memref_slice %arg2[%add3A_88] : memref<12800000xi32, #tpu.memory_space<hbm>> -> memref<8000xi32, #tpu.memory_space<hbm>>
      %dma_start3A_124 = tpu.memref_slice %arg2[%add3A_88] : memref<12800000xi32, #tpu.memory_space<hbm>> -> memref<8000xi32, #tpu.memory_space<hbm>>
      tpu.enqueue_dma source(%dma_start3A_124 : memref<8000xi32, #tpu.memory_space<hbm>>) target(%arg5 : memref<8000xi32, #tpu.memory_space<vmem>>) target_semaphore(%run_scoped3A : memref<!tpu.dma_semaphore, #tpu.memory_space<semaphore_mem>>)
      %dma_wait3A = tpu.memref_slice %arg2[%add3A_88] : memref<12800000xi32, #tpu.memory_space<hbm>> -> memref<8000xi32, #tpu.memory_space<hbm>>
      %dma_wait3A_125 = tpu.memref_slice %arg2[%add3A_88] : memref<12800000xi32, #tpu.memory_space<hbm>> -> memref<8000xi32, #tpu.memory_space<hbm>>
      tpu.wait_dma2 semaphore(%run_scoped3A : memref<!tpu.dma_semaphore, #tpu.memory_space<semaphore_mem>>) src(%dma_wait3A_125 : memref<8000xi32, #tpu.memory_space<hbm>>) dst(%arg5 : memref<8000xi32, #tpu.memory_space<vmem>>)
      tpu.yield
    }) : () -> ()
    "tpu.region"() ({
      %run_scoped3A = tpu.sem_alloc : memref<!tpu.dma_semaphore, #tpu.memory_space<semaphore_mem>>
      %dma_start3A = tpu.memref_slice %arg3[%add3A_88] : memref<12800000xf32, #tpu.memory_space<hbm>> -> memref<8000xf32, #tpu.memory_space<hbm>>
      %dma_start3A_124 = tpu.memref_slice %arg3[%add3A_88] : memref<12800000xf32, #tpu.memory_space<hbm>> -> memref<8000xf32, #tpu.memory_space<hbm>>
      tpu.enqueue_dma source(%dma_start3A_124 : memref<8000xf32, #tpu.memory_space<hbm>>) target(%arg6 : memref<8000xf32, #tpu.memory_space<vmem>>) target_semaphore(%run_scoped3A : memref<!tpu.dma_semaphore, #tpu.memory_space<semaphore_mem>>)
      %dma_wait3A = tpu.memref_slice %arg3[%add3A_88] : memref<12800000xf32, #tpu.memory_space<hbm>> -> memref<8000xf32, #tpu.memory_space<hbm>>
      %dma_wait3A_125 = tpu.memref_slice %arg3[%add3A_88] : memref<12800000xf32, #tpu.memory_space<hbm>> -> memref<8000xf32, #tpu.memory_space<hbm>>
      tpu.wait_dma2 semaphore(%run_scoped3A : memref<!tpu.dma_semaphore, #tpu.memory_space<semaphore_mem>>) src(%dma_wait3A_125 : memref<8000xf32, #tpu.memory_space<hbm>>) dst(%arg6 : memref<8000xf32, #tpu.memory_space<vmem>>)
      tpu.yield
    }) : () -> ()
    "tpu.region"() ({
      %run_scoped3A = tpu.sem_alloc : memref<!tpu.dma_semaphore, #tpu.memory_space<semaphore_mem>>
      %dma_start3A = arith.constant 0 : i32
      %dma_start3A_124 = tpu.memref_slice %arg9[%dma_start3A] : memref<100096xf32, #tpu.memory_space<vmem_shared>> -> memref<100096xf32, #tpu.memory_space<vmem_shared>>
      tpu.enqueue_indirect_dma source(%arg6 : memref<8000xf32, #tpu.memory_space<vmem>>) target(%dma_start3A_124 : memref<100096xf32, #tpu.memory_space<vmem_shared>>) offsets(%arg5 : memref<8000xi32, #tpu.memory_space<vmem>>) semaphore(%run_scoped3A : memref<!tpu.dma_semaphore, #tpu.memory_space<semaphore_mem>>) {add = true}
      %dma_wait3A = arith.constant 0 : i32
      %dma_wait3A_125 = tpu.memref_slice %arg9[%dma_wait3A] : memref<100096xf32, #tpu.memory_space<vmem_shared>> -> memref<100096xf32, #tpu.memory_space<vmem_shared>>
      tpu.wait_indirect_dma semaphore(%run_scoped3A : memref<!tpu.dma_semaphore, #tpu.memory_space<semaphore_mem>>) src(%arg6 : memref<8000xf32, #tpu.memory_space<vmem>>) dst(%dma_wait3A_125 : memref<100096xf32, #tpu.memory_space<vmem_shared>>)
      tpu.yield
    }) : () -> ()
    %add3A_89 = arith.constant 312000 : i32
    %add3A_90 = arith.addi %mul3A_10, %add3A_89 : i32
    "tpu.region"() ({
      %run_scoped3A = tpu.sem_alloc : memref<!tpu.dma_semaphore, #tpu.memory_space<semaphore_mem>>
      %dma_start3A = tpu.memref_slice %arg2[%add3A_90] : memref<12800000xi32, #tpu.memory_space<hbm>> -> memref<8000xi32, #tpu.memory_space<hbm>>
      %dma_start3A_124 = tpu.memref_slice %arg2[%add3A_90] : memref<12800000xi32, #tpu.memory_space<hbm>> -> memref<8000xi32, #tpu.memory_space<hbm>>
      tpu.enqueue_dma source(%dma_start3A_124 : memref<8000xi32, #tpu.memory_space<hbm>>) target(%arg5 : memref<8000xi32, #tpu.memory_space<vmem>>) target_semaphore(%run_scoped3A : memref<!tpu.dma_semaphore, #tpu.memory_space<semaphore_mem>>)
      %dma_wait3A = tpu.memref_slice %arg2[%add3A_90] : memref<12800000xi32, #tpu.memory_space<hbm>> -> memref<8000xi32, #tpu.memory_space<hbm>>
      %dma_wait3A_125 = tpu.memref_slice %arg2[%add3A_90] : memref<12800000xi32, #tpu.memory_space<hbm>> -> memref<8000xi32, #tpu.memory_space<hbm>>
      tpu.wait_dma2 semaphore(%run_scoped3A : memref<!tpu.dma_semaphore, #tpu.memory_space<semaphore_mem>>) src(%dma_wait3A_125 : memref<8000xi32, #tpu.memory_space<hbm>>) dst(%arg5 : memref<8000xi32, #tpu.memory_space<vmem>>)
      tpu.yield
    }) : () -> ()
    "tpu.region"() ({
      %run_scoped3A = tpu.sem_alloc : memref<!tpu.dma_semaphore, #tpu.memory_space<semaphore_mem>>
      %dma_start3A = tpu.memref_slice %arg3[%add3A_90] : memref<12800000xf32, #tpu.memory_space<hbm>> -> memref<8000xf32, #tpu.memory_space<hbm>>
      %dma_start3A_124 = tpu.memref_slice %arg3[%add3A_90] : memref<12800000xf32, #tpu.memory_space<hbm>> -> memref<8000xf32, #tpu.memory_space<hbm>>
      tpu.enqueue_dma source(%dma_start3A_124 : memref<8000xf32, #tpu.memory_space<hbm>>) target(%arg6 : memref<8000xf32, #tpu.memory_space<vmem>>) target_semaphore(%run_scoped3A : memref<!tpu.dma_semaphore, #tpu.memory_space<semaphore_mem>>)
      %dma_wait3A = tpu.memref_slice %arg3[%add3A_90] : memref<12800000xf32, #tpu.memory_space<hbm>> -> memref<8000xf32, #tpu.memory_space<hbm>>
      %dma_wait3A_125 = tpu.memref_slice %arg3[%add3A_90] : memref<12800000xf32, #tpu.memory_space<hbm>> -> memref<8000xf32, #tpu.memory_space<hbm>>
      tpu.wait_dma2 semaphore(%run_scoped3A : memref<!tpu.dma_semaphore, #tpu.memory_space<semaphore_mem>>) src(%dma_wait3A_125 : memref<8000xf32, #tpu.memory_space<hbm>>) dst(%arg6 : memref<8000xf32, #tpu.memory_space<vmem>>)
      tpu.yield
    }) : () -> ()
    "tpu.region"() ({
      %run_scoped3A = tpu.sem_alloc : memref<!tpu.dma_semaphore, #tpu.memory_space<semaphore_mem>>
      %dma_start3A = arith.constant 0 : i32
      %dma_start3A_124 = tpu.memref_slice %arg9[%dma_start3A] : memref<100096xf32, #tpu.memory_space<vmem_shared>> -> memref<100096xf32, #tpu.memory_space<vmem_shared>>
      tpu.enqueue_indirect_dma source(%arg6 : memref<8000xf32, #tpu.memory_space<vmem>>) target(%dma_start3A_124 : memref<100096xf32, #tpu.memory_space<vmem_shared>>) offsets(%arg5 : memref<8000xi32, #tpu.memory_space<vmem>>) semaphore(%run_scoped3A : memref<!tpu.dma_semaphore, #tpu.memory_space<semaphore_mem>>) {add = true}
      %dma_wait3A = arith.constant 0 : i32
      %dma_wait3A_125 = tpu.memref_slice %arg9[%dma_wait3A] : memref<100096xf32, #tpu.memory_space<vmem_shared>> -> memref<100096xf32, #tpu.memory_space<vmem_shared>>
      tpu.wait_indirect_dma semaphore(%run_scoped3A : memref<!tpu.dma_semaphore, #tpu.memory_space<semaphore_mem>>) src(%arg6 : memref<8000xf32, #tpu.memory_space<vmem>>) dst(%dma_wait3A_125 : memref<100096xf32, #tpu.memory_space<vmem_shared>>)
      tpu.yield
    }) : () -> ()
    %add3A_91 = arith.constant 320000 : i32
    %add3A_92 = arith.addi %mul3A_10, %add3A_91 : i32
    "tpu.region"() ({
      %run_scoped3A = tpu.sem_alloc : memref<!tpu.dma_semaphore, #tpu.memory_space<semaphore_mem>>
      %dma_start3A = tpu.memref_slice %arg2[%add3A_92] : memref<12800000xi32, #tpu.memory_space<hbm>> -> memref<8000xi32, #tpu.memory_space<hbm>>
      %dma_start3A_124 = tpu.memref_slice %arg2[%add3A_92] : memref<12800000xi32, #tpu.memory_space<hbm>> -> memref<8000xi32, #tpu.memory_space<hbm>>
      tpu.enqueue_dma source(%dma_start3A_124 : memref<8000xi32, #tpu.memory_space<hbm>>) target(%arg5 : memref<8000xi32, #tpu.memory_space<vmem>>) target_semaphore(%run_scoped3A : memref<!tpu.dma_semaphore, #tpu.memory_space<semaphore_mem>>)
      %dma_wait3A = tpu.memref_slice %arg2[%add3A_92] : memref<12800000xi32, #tpu.memory_space<hbm>> -> memref<8000xi32, #tpu.memory_space<hbm>>
      %dma_wait3A_125 = tpu.memref_slice %arg2[%add3A_92] : memref<12800000xi32, #tpu.memory_space<hbm>> -> memref<8000xi32, #tpu.memory_space<hbm>>
      tpu.wait_dma2 semaphore(%run_scoped3A : memref<!tpu.dma_semaphore, #tpu.memory_space<semaphore_mem>>) src(%dma_wait3A_125 : memref<8000xi32, #tpu.memory_space<hbm>>) dst(%arg5 : memref<8000xi32, #tpu.memory_space<vmem>>)
      tpu.yield
    }) : () -> ()
    "tpu.region"() ({
      %run_scoped3A = tpu.sem_alloc : memref<!tpu.dma_semaphore, #tpu.memory_space<semaphore_mem>>
      %dma_start3A = tpu.memref_slice %arg3[%add3A_92] : memref<12800000xf32, #tpu.memory_space<hbm>> -> memref<8000xf32, #tpu.memory_space<hbm>>
      %dma_start3A_124 = tpu.memref_slice %arg3[%add3A_92] : memref<12800000xf32, #tpu.memory_space<hbm>> -> memref<8000xf32, #tpu.memory_space<hbm>>
      tpu.enqueue_dma source(%dma_start3A_124 : memref<8000xf32, #tpu.memory_space<hbm>>) target(%arg6 : memref<8000xf32, #tpu.memory_space<vmem>>) target_semaphore(%run_scoped3A : memref<!tpu.dma_semaphore, #tpu.memory_space<semaphore_mem>>)
      %dma_wait3A = tpu.memref_slice %arg3[%add3A_92] : memref<12800000xf32, #tpu.memory_space<hbm>> -> memref<8000xf32, #tpu.memory_space<hbm>>
      %dma_wait3A_125 = tpu.memref_slice %arg3[%add3A_92] : memref<12800000xf32, #tpu.memory_space<hbm>> -> memref<8000xf32, #tpu.memory_space<hbm>>
      tpu.wait_dma2 semaphore(%run_scoped3A : memref<!tpu.dma_semaphore, #tpu.memory_space<semaphore_mem>>) src(%dma_wait3A_125 : memref<8000xf32, #tpu.memory_space<hbm>>) dst(%arg6 : memref<8000xf32, #tpu.memory_space<vmem>>)
      tpu.yield
    }) : () -> ()
    "tpu.region"() ({
      %run_scoped3A = tpu.sem_alloc : memref<!tpu.dma_semaphore, #tpu.memory_space<semaphore_mem>>
      %dma_start3A = arith.constant 0 : i32
      %dma_start3A_124 = tpu.memref_slice %arg9[%dma_start3A] : memref<100096xf32, #tpu.memory_space<vmem_shared>> -> memref<100096xf32, #tpu.memory_space<vmem_shared>>
      tpu.enqueue_indirect_dma source(%arg6 : memref<8000xf32, #tpu.memory_space<vmem>>) target(%dma_start3A_124 : memref<100096xf32, #tpu.memory_space<vmem_shared>>) offsets(%arg5 : memref<8000xi32, #tpu.memory_space<vmem>>) semaphore(%run_scoped3A : memref<!tpu.dma_semaphore, #tpu.memory_space<semaphore_mem>>) {add = true}
      %dma_wait3A = arith.constant 0 : i32
      %dma_wait3A_125 = tpu.memref_slice %arg9[%dma_wait3A] : memref<100096xf32, #tpu.memory_space<vmem_shared>> -> memref<100096xf32, #tpu.memory_space<vmem_shared>>
      tpu.wait_indirect_dma semaphore(%run_scoped3A : memref<!tpu.dma_semaphore, #tpu.memory_space<semaphore_mem>>) src(%arg6 : memref<8000xf32, #tpu.memory_space<vmem>>) dst(%dma_wait3A_125 : memref<100096xf32, #tpu.memory_space<vmem_shared>>)
      tpu.yield
    }) : () -> ()
    %add3A_93 = arith.constant 328000 : i32
    %add3A_94 = arith.addi %mul3A_10, %add3A_93 : i32
    "tpu.region"() ({
      %run_scoped3A = tpu.sem_alloc : memref<!tpu.dma_semaphore, #tpu.memory_space<semaphore_mem>>
      %dma_start3A = tpu.memref_slice %arg2[%add3A_94] : memref<12800000xi32, #tpu.memory_space<hbm>> -> memref<8000xi32, #tpu.memory_space<hbm>>
      %dma_start3A_124 = tpu.memref_slice %arg2[%add3A_94] : memref<12800000xi32, #tpu.memory_space<hbm>> -> memref<8000xi32, #tpu.memory_space<hbm>>
      tpu.enqueue_dma source(%dma_start3A_124 : memref<8000xi32, #tpu.memory_space<hbm>>) target(%arg5 : memref<8000xi32, #tpu.memory_space<vmem>>) target_semaphore(%run_scoped3A : memref<!tpu.dma_semaphore, #tpu.memory_space<semaphore_mem>>)
      %dma_wait3A = tpu.memref_slice %arg2[%add3A_94] : memref<12800000xi32, #tpu.memory_space<hbm>> -> memref<8000xi32, #tpu.memory_space<hbm>>
      %dma_wait3A_125 = tpu.memref_slice %arg2[%add3A_94] : memref<12800000xi32, #tpu.memory_space<hbm>> -> memref<8000xi32, #tpu.memory_space<hbm>>
      tpu.wait_dma2 semaphore(%run_scoped3A : memref<!tpu.dma_semaphore, #tpu.memory_space<semaphore_mem>>) src(%dma_wait3A_125 : memref<8000xi32, #tpu.memory_space<hbm>>) dst(%arg5 : memref<8000xi32, #tpu.memory_space<vmem>>)
      tpu.yield
    }) : () -> ()
    "tpu.region"() ({
      %run_scoped3A = tpu.sem_alloc : memref<!tpu.dma_semaphore, #tpu.memory_space<semaphore_mem>>
      %dma_start3A = tpu.memref_slice %arg3[%add3A_94] : memref<12800000xf32, #tpu.memory_space<hbm>> -> memref<8000xf32, #tpu.memory_space<hbm>>
      %dma_start3A_124 = tpu.memref_slice %arg3[%add3A_94] : memref<12800000xf32, #tpu.memory_space<hbm>> -> memref<8000xf32, #tpu.memory_space<hbm>>
      tpu.enqueue_dma source(%dma_start3A_124 : memref<8000xf32, #tpu.memory_space<hbm>>) target(%arg6 : memref<8000xf32, #tpu.memory_space<vmem>>) target_semaphore(%run_scoped3A : memref<!tpu.dma_semaphore, #tpu.memory_space<semaphore_mem>>)
      %dma_wait3A = tpu.memref_slice %arg3[%add3A_94] : memref<12800000xf32, #tpu.memory_space<hbm>> -> memref<8000xf32, #tpu.memory_space<hbm>>
      %dma_wait3A_125 = tpu.memref_slice %arg3[%add3A_94] : memref<12800000xf32, #tpu.memory_space<hbm>> -> memref<8000xf32, #tpu.memory_space<hbm>>
      tpu.wait_dma2 semaphore(%run_scoped3A : memref<!tpu.dma_semaphore, #tpu.memory_space<semaphore_mem>>) src(%dma_wait3A_125 : memref<8000xf32, #tpu.memory_space<hbm>>) dst(%arg6 : memref<8000xf32, #tpu.memory_space<vmem>>)
      tpu.yield
    }) : () -> ()
    "tpu.region"() ({
      %run_scoped3A = tpu.sem_alloc : memref<!tpu.dma_semaphore, #tpu.memory_space<semaphore_mem>>
      %dma_start3A = arith.constant 0 : i32
      %dma_start3A_124 = tpu.memref_slice %arg9[%dma_start3A] : memref<100096xf32, #tpu.memory_space<vmem_shared>> -> memref<100096xf32, #tpu.memory_space<vmem_shared>>
      tpu.enqueue_indirect_dma source(%arg6 : memref<8000xf32, #tpu.memory_space<vmem>>) target(%dma_start3A_124 : memref<100096xf32, #tpu.memory_space<vmem_shared>>) offsets(%arg5 : memref<8000xi32, #tpu.memory_space<vmem>>) semaphore(%run_scoped3A : memref<!tpu.dma_semaphore, #tpu.memory_space<semaphore_mem>>) {add = true}
      %dma_wait3A = arith.constant 0 : i32
      %dma_wait3A_125 = tpu.memref_slice %arg9[%dma_wait3A] : memref<100096xf32, #tpu.memory_space<vmem_shared>> -> memref<100096xf32, #tpu.memory_space<vmem_shared>>
      tpu.wait_indirect_dma semaphore(%run_scoped3A : memref<!tpu.dma_semaphore, #tpu.memory_space<semaphore_mem>>) src(%arg6 : memref<8000xf32, #tpu.memory_space<vmem>>) dst(%dma_wait3A_125 : memref<100096xf32, #tpu.memory_space<vmem_shared>>)
      tpu.yield
    }) : () -> ()
    %add3A_95 = arith.constant 336000 : i32
    %add3A_96 = arith.addi %mul3A_10, %add3A_95 : i32
    "tpu.region"() ({
      %run_scoped3A = tpu.sem_alloc : memref<!tpu.dma_semaphore, #tpu.memory_space<semaphore_mem>>
      %dma_start3A = tpu.memref_slice %arg2[%add3A_96] : memref<12800000xi32, #tpu.memory_space<hbm>> -> memref<8000xi32, #tpu.memory_space<hbm>>
      %dma_start3A_124 = tpu.memref_slice %arg2[%add3A_96] : memref<12800000xi32, #tpu.memory_space<hbm>> -> memref<8000xi32, #tpu.memory_space<hbm>>
      tpu.enqueue_dma source(%dma_start3A_124 : memref<8000xi32, #tpu.memory_space<hbm>>) target(%arg5 : memref<8000xi32, #tpu.memory_space<vmem>>) target_semaphore(%run_scoped3A : memref<!tpu.dma_semaphore, #tpu.memory_space<semaphore_mem>>)
      %dma_wait3A = tpu.memref_slice %arg2[%add3A_96] : memref<12800000xi32, #tpu.memory_space<hbm>> -> memref<8000xi32, #tpu.memory_space<hbm>>
      %dma_wait3A_125 = tpu.memref_slice %arg2[%add3A_96] : memref<12800000xi32, #tpu.memory_space<hbm>> -> memref<8000xi32, #tpu.memory_space<hbm>>
      tpu.wait_dma2 semaphore(%run_scoped3A : memref<!tpu.dma_semaphore, #tpu.memory_space<semaphore_mem>>) src(%dma_wait3A_125 : memref<8000xi32, #tpu.memory_space<hbm>>) dst(%arg5 : memref<8000xi32, #tpu.memory_space<vmem>>)
      tpu.yield
    }) : () -> ()
    "tpu.region"() ({
      %run_scoped3A = tpu.sem_alloc : memref<!tpu.dma_semaphore, #tpu.memory_space<semaphore_mem>>
      %dma_start3A = tpu.memref_slice %arg3[%add3A_96] : memref<12800000xf32, #tpu.memory_space<hbm>> -> memref<8000xf32, #tpu.memory_space<hbm>>
      %dma_start3A_124 = tpu.memref_slice %arg3[%add3A_96] : memref<12800000xf32, #tpu.memory_space<hbm>> -> memref<8000xf32, #tpu.memory_space<hbm>>
      tpu.enqueue_dma source(%dma_start3A_124 : memref<8000xf32, #tpu.memory_space<hbm>>) target(%arg6 : memref<8000xf32, #tpu.memory_space<vmem>>) target_semaphore(%run_scoped3A : memref<!tpu.dma_semaphore, #tpu.memory_space<semaphore_mem>>)
      %dma_wait3A = tpu.memref_slice %arg3[%add3A_96] : memref<12800000xf32, #tpu.memory_space<hbm>> -> memref<8000xf32, #tpu.memory_space<hbm>>
      %dma_wait3A_125 = tpu.memref_slice %arg3[%add3A_96] : memref<12800000xf32, #tpu.memory_space<hbm>> -> memref<8000xf32, #tpu.memory_space<hbm>>
      tpu.wait_dma2 semaphore(%run_scoped3A : memref<!tpu.dma_semaphore, #tpu.memory_space<semaphore_mem>>) src(%dma_wait3A_125 : memref<8000xf32, #tpu.memory_space<hbm>>) dst(%arg6 : memref<8000xf32, #tpu.memory_space<vmem>>)
      tpu.yield
    }) : () -> ()
    "tpu.region"() ({
      %run_scoped3A = tpu.sem_alloc : memref<!tpu.dma_semaphore, #tpu.memory_space<semaphore_mem>>
      %dma_start3A = arith.constant 0 : i32
      %dma_start3A_124 = tpu.memref_slice %arg9[%dma_start3A] : memref<100096xf32, #tpu.memory_space<vmem_shared>> -> memref<100096xf32, #tpu.memory_space<vmem_shared>>
      tpu.enqueue_indirect_dma source(%arg6 : memref<8000xf32, #tpu.memory_space<vmem>>) target(%dma_start3A_124 : memref<100096xf32, #tpu.memory_space<vmem_shared>>) offsets(%arg5 : memref<8000xi32, #tpu.memory_space<vmem>>) semaphore(%run_scoped3A : memref<!tpu.dma_semaphore, #tpu.memory_space<semaphore_mem>>) {add = true}
      %dma_wait3A = arith.constant 0 : i32
      %dma_wait3A_125 = tpu.memref_slice %arg9[%dma_wait3A] : memref<100096xf32, #tpu.memory_space<vmem_shared>> -> memref<100096xf32, #tpu.memory_space<vmem_shared>>
      tpu.wait_indirect_dma semaphore(%run_scoped3A : memref<!tpu.dma_semaphore, #tpu.memory_space<semaphore_mem>>) src(%arg6 : memref<8000xf32, #tpu.memory_space<vmem>>) dst(%dma_wait3A_125 : memref<100096xf32, #tpu.memory_space<vmem_shared>>)
      tpu.yield
    }) : () -> ()
    %add3A_97 = arith.constant 344000 : i32
    %add3A_98 = arith.addi %mul3A_10, %add3A_97 : i32
    "tpu.region"() ({
      %run_scoped3A = tpu.sem_alloc : memref<!tpu.dma_semaphore, #tpu.memory_space<semaphore_mem>>
      %dma_start3A = tpu.memref_slice %arg2[%add3A_98] : memref<12800000xi32, #tpu.memory_space<hbm>> -> memref<8000xi32, #tpu.memory_space<hbm>>
      %dma_start3A_124 = tpu.memref_slice %arg2[%add3A_98] : memref<12800000xi32, #tpu.memory_space<hbm>> -> memref<8000xi32, #tpu.memory_space<hbm>>
      tpu.enqueue_dma source(%dma_start3A_124 : memref<8000xi32, #tpu.memory_space<hbm>>) target(%arg5 : memref<8000xi32, #tpu.memory_space<vmem>>) target_semaphore(%run_scoped3A : memref<!tpu.dma_semaphore, #tpu.memory_space<semaphore_mem>>)
      %dma_wait3A = tpu.memref_slice %arg2[%add3A_98] : memref<12800000xi32, #tpu.memory_space<hbm>> -> memref<8000xi32, #tpu.memory_space<hbm>>
      %dma_wait3A_125 = tpu.memref_slice %arg2[%add3A_98] : memref<12800000xi32, #tpu.memory_space<hbm>> -> memref<8000xi32, #tpu.memory_space<hbm>>
      tpu.wait_dma2 semaphore(%run_scoped3A : memref<!tpu.dma_semaphore, #tpu.memory_space<semaphore_mem>>) src(%dma_wait3A_125 : memref<8000xi32, #tpu.memory_space<hbm>>) dst(%arg5 : memref<8000xi32, #tpu.memory_space<vmem>>)
      tpu.yield
    }) : () -> ()
    "tpu.region"() ({
      %run_scoped3A = tpu.sem_alloc : memref<!tpu.dma_semaphore, #tpu.memory_space<semaphore_mem>>
      %dma_start3A = tpu.memref_slice %arg3[%add3A_98] : memref<12800000xf32, #tpu.memory_space<hbm>> -> memref<8000xf32, #tpu.memory_space<hbm>>
      %dma_start3A_124 = tpu.memref_slice %arg3[%add3A_98] : memref<12800000xf32, #tpu.memory_space<hbm>> -> memref<8000xf32, #tpu.memory_space<hbm>>
      tpu.enqueue_dma source(%dma_start3A_124 : memref<8000xf32, #tpu.memory_space<hbm>>) target(%arg6 : memref<8000xf32, #tpu.memory_space<vmem>>) target_semaphore(%run_scoped3A : memref<!tpu.dma_semaphore, #tpu.memory_space<semaphore_mem>>)
      %dma_wait3A = tpu.memref_slice %arg3[%add3A_98] : memref<12800000xf32, #tpu.memory_space<hbm>> -> memref<8000xf32, #tpu.memory_space<hbm>>
      %dma_wait3A_125 = tpu.memref_slice %arg3[%add3A_98] : memref<12800000xf32, #tpu.memory_space<hbm>> -> memref<8000xf32, #tpu.memory_space<hbm>>
      tpu.wait_dma2 semaphore(%run_scoped3A : memref<!tpu.dma_semaphore, #tpu.memory_space<semaphore_mem>>) src(%dma_wait3A_125 : memref<8000xf32, #tpu.memory_space<hbm>>) dst(%arg6 : memref<8000xf32, #tpu.memory_space<vmem>>)
      tpu.yield
    }) : () -> ()
    "tpu.region"() ({
      %run_scoped3A = tpu.sem_alloc : memref<!tpu.dma_semaphore, #tpu.memory_space<semaphore_mem>>
      %dma_start3A = arith.constant 0 : i32
      %dma_start3A_124 = tpu.memref_slice %arg9[%dma_start3A] : memref<100096xf32, #tpu.memory_space<vmem_shared>> -> memref<100096xf32, #tpu.memory_space<vmem_shared>>
      tpu.enqueue_indirect_dma source(%arg6 : memref<8000xf32, #tpu.memory_space<vmem>>) target(%dma_start3A_124 : memref<100096xf32, #tpu.memory_space<vmem_shared>>) offsets(%arg5 : memref<8000xi32, #tpu.memory_space<vmem>>) semaphore(%run_scoped3A : memref<!tpu.dma_semaphore, #tpu.memory_space<semaphore_mem>>) {add = true}
      %dma_wait3A = arith.constant 0 : i32
      %dma_wait3A_125 = tpu.memref_slice %arg9[%dma_wait3A] : memref<100096xf32, #tpu.memory_space<vmem_shared>> -> memref<100096xf32, #tpu.memory_space<vmem_shared>>
      tpu.wait_indirect_dma semaphore(%run_scoped3A : memref<!tpu.dma_semaphore, #tpu.memory_space<semaphore_mem>>) src(%arg6 : memref<8000xf32, #tpu.memory_space<vmem>>) dst(%dma_wait3A_125 : memref<100096xf32, #tpu.memory_space<vmem_shared>>)
      tpu.yield
    }) : () -> ()
    %add3A_99 = arith.constant 352000 : i32
    %add3A_100 = arith.addi %mul3A_10, %add3A_99 : i32
    "tpu.region"() ({
      %run_scoped3A = tpu.sem_alloc : memref<!tpu.dma_semaphore, #tpu.memory_space<semaphore_mem>>
      %dma_start3A = tpu.memref_slice %arg2[%add3A_100] : memref<12800000xi32, #tpu.memory_space<hbm>> -> memref<8000xi32, #tpu.memory_space<hbm>>
      %dma_start3A_124 = tpu.memref_slice %arg2[%add3A_100] : memref<12800000xi32, #tpu.memory_space<hbm>> -> memref<8000xi32, #tpu.memory_space<hbm>>
      tpu.enqueue_dma source(%dma_start3A_124 : memref<8000xi32, #tpu.memory_space<hbm>>) target(%arg5 : memref<8000xi32, #tpu.memory_space<vmem>>) target_semaphore(%run_scoped3A : memref<!tpu.dma_semaphore, #tpu.memory_space<semaphore_mem>>)
      %dma_wait3A = tpu.memref_slice %arg2[%add3A_100] : memref<12800000xi32, #tpu.memory_space<hbm>> -> memref<8000xi32, #tpu.memory_space<hbm>>
      %dma_wait3A_125 = tpu.memref_slice %arg2[%add3A_100] : memref<12800000xi32, #tpu.memory_space<hbm>> -> memref<8000xi32, #tpu.memory_space<hbm>>
      tpu.wait_dma2 semaphore(%run_scoped3A : memref<!tpu.dma_semaphore, #tpu.memory_space<semaphore_mem>>) src(%dma_wait3A_125 : memref<8000xi32, #tpu.memory_space<hbm>>) dst(%arg5 : memref<8000xi32, #tpu.memory_space<vmem>>)
      tpu.yield
    }) : () -> ()
    "tpu.region"() ({
      %run_scoped3A = tpu.sem_alloc : memref<!tpu.dma_semaphore, #tpu.memory_space<semaphore_mem>>
      %dma_start3A = tpu.memref_slice %arg3[%add3A_100] : memref<12800000xf32, #tpu.memory_space<hbm>> -> memref<8000xf32, #tpu.memory_space<hbm>>
      %dma_start3A_124 = tpu.memref_slice %arg3[%add3A_100] : memref<12800000xf32, #tpu.memory_space<hbm>> -> memref<8000xf32, #tpu.memory_space<hbm>>
      tpu.enqueue_dma source(%dma_start3A_124 : memref<8000xf32, #tpu.memory_space<hbm>>) target(%arg6 : memref<8000xf32, #tpu.memory_space<vmem>>) target_semaphore(%run_scoped3A : memref<!tpu.dma_semaphore, #tpu.memory_space<semaphore_mem>>)
      %dma_wait3A = tpu.memref_slice %arg3[%add3A_100] : memref<12800000xf32, #tpu.memory_space<hbm>> -> memref<8000xf32, #tpu.memory_space<hbm>>
      %dma_wait3A_125 = tpu.memref_slice %arg3[%add3A_100] : memref<12800000xf32, #tpu.memory_space<hbm>> -> memref<8000xf32, #tpu.memory_space<hbm>>
      tpu.wait_dma2 semaphore(%run_scoped3A : memref<!tpu.dma_semaphore, #tpu.memory_space<semaphore_mem>>) src(%dma_wait3A_125 : memref<8000xf32, #tpu.memory_space<hbm>>) dst(%arg6 : memref<8000xf32, #tpu.memory_space<vmem>>)
      tpu.yield
    }) : () -> ()
    "tpu.region"() ({
      %run_scoped3A = tpu.sem_alloc : memref<!tpu.dma_semaphore, #tpu.memory_space<semaphore_mem>>
      %dma_start3A = arith.constant 0 : i32
      %dma_start3A_124 = tpu.memref_slice %arg9[%dma_start3A] : memref<100096xf32, #tpu.memory_space<vmem_shared>> -> memref<100096xf32, #tpu.memory_space<vmem_shared>>
      tpu.enqueue_indirect_dma source(%arg6 : memref<8000xf32, #tpu.memory_space<vmem>>) target(%dma_start3A_124 : memref<100096xf32, #tpu.memory_space<vmem_shared>>) offsets(%arg5 : memref<8000xi32, #tpu.memory_space<vmem>>) semaphore(%run_scoped3A : memref<!tpu.dma_semaphore, #tpu.memory_space<semaphore_mem>>) {add = true}
      %dma_wait3A = arith.constant 0 : i32
      %dma_wait3A_125 = tpu.memref_slice %arg9[%dma_wait3A] : memref<100096xf32, #tpu.memory_space<vmem_shared>> -> memref<100096xf32, #tpu.memory_space<vmem_shared>>
      tpu.wait_indirect_dma semaphore(%run_scoped3A : memref<!tpu.dma_semaphore, #tpu.memory_space<semaphore_mem>>) src(%arg6 : memref<8000xf32, #tpu.memory_space<vmem>>) dst(%dma_wait3A_125 : memref<100096xf32, #tpu.memory_space<vmem_shared>>)
      tpu.yield
    }) : () -> ()
    %add3A_101 = arith.constant 360000 : i32
    %add3A_102 = arith.addi %mul3A_10, %add3A_101 : i32
    "tpu.region"() ({
      %run_scoped3A = tpu.sem_alloc : memref<!tpu.dma_semaphore, #tpu.memory_space<semaphore_mem>>
      %dma_start3A = tpu.memref_slice %arg2[%add3A_102] : memref<12800000xi32, #tpu.memory_space<hbm>> -> memref<8000xi32, #tpu.memory_space<hbm>>
      %dma_start3A_124 = tpu.memref_slice %arg2[%add3A_102] : memref<12800000xi32, #tpu.memory_space<hbm>> -> memref<8000xi32, #tpu.memory_space<hbm>>
      tpu.enqueue_dma source(%dma_start3A_124 : memref<8000xi32, #tpu.memory_space<hbm>>) target(%arg5 : memref<8000xi32, #tpu.memory_space<vmem>>) target_semaphore(%run_scoped3A : memref<!tpu.dma_semaphore, #tpu.memory_space<semaphore_mem>>)
      %dma_wait3A = tpu.memref_slice %arg2[%add3A_102] : memref<12800000xi32, #tpu.memory_space<hbm>> -> memref<8000xi32, #tpu.memory_space<hbm>>
      %dma_wait3A_125 = tpu.memref_slice %arg2[%add3A_102] : memref<12800000xi32, #tpu.memory_space<hbm>> -> memref<8000xi32, #tpu.memory_space<hbm>>
      tpu.wait_dma2 semaphore(%run_scoped3A : memref<!tpu.dma_semaphore, #tpu.memory_space<semaphore_mem>>) src(%dma_wait3A_125 : memref<8000xi32, #tpu.memory_space<hbm>>) dst(%arg5 : memref<8000xi32, #tpu.memory_space<vmem>>)
      tpu.yield
    }) : () -> ()
    "tpu.region"() ({
      %run_scoped3A = tpu.sem_alloc : memref<!tpu.dma_semaphore, #tpu.memory_space<semaphore_mem>>
      %dma_start3A = tpu.memref_slice %arg3[%add3A_102] : memref<12800000xf32, #tpu.memory_space<hbm>> -> memref<8000xf32, #tpu.memory_space<hbm>>
      %dma_start3A_124 = tpu.memref_slice %arg3[%add3A_102] : memref<12800000xf32, #tpu.memory_space<hbm>> -> memref<8000xf32, #tpu.memory_space<hbm>>
      tpu.enqueue_dma source(%dma_start3A_124 : memref<8000xf32, #tpu.memory_space<hbm>>) target(%arg6 : memref<8000xf32, #tpu.memory_space<vmem>>) target_semaphore(%run_scoped3A : memref<!tpu.dma_semaphore, #tpu.memory_space<semaphore_mem>>)
      %dma_wait3A = tpu.memref_slice %arg3[%add3A_102] : memref<12800000xf32, #tpu.memory_space<hbm>> -> memref<8000xf32, #tpu.memory_space<hbm>>
      %dma_wait3A_125 = tpu.memref_slice %arg3[%add3A_102] : memref<12800000xf32, #tpu.memory_space<hbm>> -> memref<8000xf32, #tpu.memory_space<hbm>>
      tpu.wait_dma2 semaphore(%run_scoped3A : memref<!tpu.dma_semaphore, #tpu.memory_space<semaphore_mem>>) src(%dma_wait3A_125 : memref<8000xf32, #tpu.memory_space<hbm>>) dst(%arg6 : memref<8000xf32, #tpu.memory_space<vmem>>)
      tpu.yield
    }) : () -> ()
    "tpu.region"() ({
      %run_scoped3A = tpu.sem_alloc : memref<!tpu.dma_semaphore, #tpu.memory_space<semaphore_mem>>
      %dma_start3A = arith.constant 0 : i32
      %dma_start3A_124 = tpu.memref_slice %arg9[%dma_start3A] : memref<100096xf32, #tpu.memory_space<vmem_shared>> -> memref<100096xf32, #tpu.memory_space<vmem_shared>>
      tpu.enqueue_indirect_dma source(%arg6 : memref<8000xf32, #tpu.memory_space<vmem>>) target(%dma_start3A_124 : memref<100096xf32, #tpu.memory_space<vmem_shared>>) offsets(%arg5 : memref<8000xi32, #tpu.memory_space<vmem>>) semaphore(%run_scoped3A : memref<!tpu.dma_semaphore, #tpu.memory_space<semaphore_mem>>) {add = true}
      %dma_wait3A = arith.constant 0 : i32
      %dma_wait3A_125 = tpu.memref_slice %arg9[%dma_wait3A] : memref<100096xf32, #tpu.memory_space<vmem_shared>> -> memref<100096xf32, #tpu.memory_space<vmem_shared>>
      tpu.wait_indirect_dma semaphore(%run_scoped3A : memref<!tpu.dma_semaphore, #tpu.memory_space<semaphore_mem>>) src(%arg6 : memref<8000xf32, #tpu.memory_space<vmem>>) dst(%dma_wait3A_125 : memref<100096xf32, #tpu.memory_space<vmem_shared>>)
      tpu.yield
    }) : () -> ()
    %add3A_103 = arith.constant 368000 : i32
    %add3A_104 = arith.addi %mul3A_10, %add3A_103 : i32
    "tpu.region"() ({
      %run_scoped3A = tpu.sem_alloc : memref<!tpu.dma_semaphore, #tpu.memory_space<semaphore_mem>>
      %dma_start3A = tpu.memref_slice %arg2[%add3A_104] : memref<12800000xi32, #tpu.memory_space<hbm>> -> memref<8000xi32, #tpu.memory_space<hbm>>
      %dma_start3A_124 = tpu.memref_slice %arg2[%add3A_104] : memref<12800000xi32, #tpu.memory_space<hbm>> -> memref<8000xi32, #tpu.memory_space<hbm>>
      tpu.enqueue_dma source(%dma_start3A_124 : memref<8000xi32, #tpu.memory_space<hbm>>) target(%arg5 : memref<8000xi32, #tpu.memory_space<vmem>>) target_semaphore(%run_scoped3A : memref<!tpu.dma_semaphore, #tpu.memory_space<semaphore_mem>>)
      %dma_wait3A = tpu.memref_slice %arg2[%add3A_104] : memref<12800000xi32, #tpu.memory_space<hbm>> -> memref<8000xi32, #tpu.memory_space<hbm>>
      %dma_wait3A_125 = tpu.memref_slice %arg2[%add3A_104] : memref<12800000xi32, #tpu.memory_space<hbm>> -> memref<8000xi32, #tpu.memory_space<hbm>>
      tpu.wait_dma2 semaphore(%run_scoped3A : memref<!tpu.dma_semaphore, #tpu.memory_space<semaphore_mem>>) src(%dma_wait3A_125 : memref<8000xi32, #tpu.memory_space<hbm>>) dst(%arg5 : memref<8000xi32, #tpu.memory_space<vmem>>)
      tpu.yield
    }) : () -> ()
    "tpu.region"() ({
      %run_scoped3A = tpu.sem_alloc : memref<!tpu.dma_semaphore, #tpu.memory_space<semaphore_mem>>
      %dma_start3A = tpu.memref_slice %arg3[%add3A_104] : memref<12800000xf32, #tpu.memory_space<hbm>> -> memref<8000xf32, #tpu.memory_space<hbm>>
      %dma_start3A_124 = tpu.memref_slice %arg3[%add3A_104] : memref<12800000xf32, #tpu.memory_space<hbm>> -> memref<8000xf32, #tpu.memory_space<hbm>>
      tpu.enqueue_dma source(%dma_start3A_124 : memref<8000xf32, #tpu.memory_space<hbm>>) target(%arg6 : memref<8000xf32, #tpu.memory_space<vmem>>) target_semaphore(%run_scoped3A : memref<!tpu.dma_semaphore, #tpu.memory_space<semaphore_mem>>)
      %dma_wait3A = tpu.memref_slice %arg3[%add3A_104] : memref<12800000xf32, #tpu.memory_space<hbm>> -> memref<8000xf32, #tpu.memory_space<hbm>>
      %dma_wait3A_125 = tpu.memref_slice %arg3[%add3A_104] : memref<12800000xf32, #tpu.memory_space<hbm>> -> memref<8000xf32, #tpu.memory_space<hbm>>
      tpu.wait_dma2 semaphore(%run_scoped3A : memref<!tpu.dma_semaphore, #tpu.memory_space<semaphore_mem>>) src(%dma_wait3A_125 : memref<8000xf32, #tpu.memory_space<hbm>>) dst(%arg6 : memref<8000xf32, #tpu.memory_space<vmem>>)
      tpu.yield
    }) : () -> ()
    "tpu.region"() ({
      %run_scoped3A = tpu.sem_alloc : memref<!tpu.dma_semaphore, #tpu.memory_space<semaphore_mem>>
      %dma_start3A = arith.constant 0 : i32
      %dma_start3A_124 = tpu.memref_slice %arg9[%dma_start3A] : memref<100096xf32, #tpu.memory_space<vmem_shared>> -> memref<100096xf32, #tpu.memory_space<vmem_shared>>
      tpu.enqueue_indirect_dma source(%arg6 : memref<8000xf32, #tpu.memory_space<vmem>>) target(%dma_start3A_124 : memref<100096xf32, #tpu.memory_space<vmem_shared>>) offsets(%arg5 : memref<8000xi32, #tpu.memory_space<vmem>>) semaphore(%run_scoped3A : memref<!tpu.dma_semaphore, #tpu.memory_space<semaphore_mem>>) {add = true}
      %dma_wait3A = arith.constant 0 : i32
      %dma_wait3A_125 = tpu.memref_slice %arg9[%dma_wait3A] : memref<100096xf32, #tpu.memory_space<vmem_shared>> -> memref<100096xf32, #tpu.memory_space<vmem_shared>>
      tpu.wait_indirect_dma semaphore(%run_scoped3A : memref<!tpu.dma_semaphore, #tpu.memory_space<semaphore_mem>>) src(%arg6 : memref<8000xf32, #tpu.memory_space<vmem>>) dst(%dma_wait3A_125 : memref<100096xf32, #tpu.memory_space<vmem_shared>>)
      tpu.yield
    }) : () -> ()
    %add3A_105 = arith.constant 376000 : i32
    %add3A_106 = arith.addi %mul3A_10, %add3A_105 : i32
    "tpu.region"() ({
      %run_scoped3A = tpu.sem_alloc : memref<!tpu.dma_semaphore, #tpu.memory_space<semaphore_mem>>
      %dma_start3A = tpu.memref_slice %arg2[%add3A_106] : memref<12800000xi32, #tpu.memory_space<hbm>> -> memref<8000xi32, #tpu.memory_space<hbm>>
      %dma_start3A_124 = tpu.memref_slice %arg2[%add3A_106] : memref<12800000xi32, #tpu.memory_space<hbm>> -> memref<8000xi32, #tpu.memory_space<hbm>>
      tpu.enqueue_dma source(%dma_start3A_124 : memref<8000xi32, #tpu.memory_space<hbm>>) target(%arg5 : memref<8000xi32, #tpu.memory_space<vmem>>) target_semaphore(%run_scoped3A : memref<!tpu.dma_semaphore, #tpu.memory_space<semaphore_mem>>)
      %dma_wait3A = tpu.memref_slice %arg2[%add3A_106] : memref<12800000xi32, #tpu.memory_space<hbm>> -> memref<8000xi32, #tpu.memory_space<hbm>>
      %dma_wait3A_125 = tpu.memref_slice %arg2[%add3A_106] : memref<12800000xi32, #tpu.memory_space<hbm>> -> memref<8000xi32, #tpu.memory_space<hbm>>
      tpu.wait_dma2 semaphore(%run_scoped3A : memref<!tpu.dma_semaphore, #tpu.memory_space<semaphore_mem>>) src(%dma_wait3A_125 : memref<8000xi32, #tpu.memory_space<hbm>>) dst(%arg5 : memref<8000xi32, #tpu.memory_space<vmem>>)
      tpu.yield
    }) : () -> ()
    "tpu.region"() ({
      %run_scoped3A = tpu.sem_alloc : memref<!tpu.dma_semaphore, #tpu.memory_space<semaphore_mem>>
      %dma_start3A = tpu.memref_slice %arg3[%add3A_106] : memref<12800000xf32, #tpu.memory_space<hbm>> -> memref<8000xf32, #tpu.memory_space<hbm>>
      %dma_start3A_124 = tpu.memref_slice %arg3[%add3A_106] : memref<12800000xf32, #tpu.memory_space<hbm>> -> memref<8000xf32, #tpu.memory_space<hbm>>
      tpu.enqueue_dma source(%dma_start3A_124 : memref<8000xf32, #tpu.memory_space<hbm>>) target(%arg6 : memref<8000xf32, #tpu.memory_space<vmem>>) target_semaphore(%run_scoped3A : memref<!tpu.dma_semaphore, #tpu.memory_space<semaphore_mem>>)
      %dma_wait3A = tpu.memref_slice %arg3[%add3A_106] : memref<12800000xf32, #tpu.memory_space<hbm>> -> memref<8000xf32, #tpu.memory_space<hbm>>
      %dma_wait3A_125 = tpu.memref_slice %arg3[%add3A_106] : memref<12800000xf32, #tpu.memory_space<hbm>> -> memref<8000xf32, #tpu.memory_space<hbm>>
      tpu.wait_dma2 semaphore(%run_scoped3A : memref<!tpu.dma_semaphore, #tpu.memory_space<semaphore_mem>>) src(%dma_wait3A_125 : memref<8000xf32, #tpu.memory_space<hbm>>) dst(%arg6 : memref<8000xf32, #tpu.memory_space<vmem>>)
      tpu.yield
    }) : () -> ()
    "tpu.region"() ({
      %run_scoped3A = tpu.sem_alloc : memref<!tpu.dma_semaphore, #tpu.memory_space<semaphore_mem>>
      %dma_start3A = arith.constant 0 : i32
      %dma_start3A_124 = tpu.memref_slice %arg9[%dma_start3A] : memref<100096xf32, #tpu.memory_space<vmem_shared>> -> memref<100096xf32, #tpu.memory_space<vmem_shared>>
      tpu.enqueue_indirect_dma source(%arg6 : memref<8000xf32, #tpu.memory_space<vmem>>) target(%dma_start3A_124 : memref<100096xf32, #tpu.memory_space<vmem_shared>>) offsets(%arg5 : memref<8000xi32, #tpu.memory_space<vmem>>) semaphore(%run_scoped3A : memref<!tpu.dma_semaphore, #tpu.memory_space<semaphore_mem>>) {add = true}
      %dma_wait3A = arith.constant 0 : i32
      %dma_wait3A_125 = tpu.memref_slice %arg9[%dma_wait3A] : memref<100096xf32, #tpu.memory_space<vmem_shared>> -> memref<100096xf32, #tpu.memory_space<vmem_shared>>
      tpu.wait_indirect_dma semaphore(%run_scoped3A : memref<!tpu.dma_semaphore, #tpu.memory_space<semaphore_mem>>) src(%arg6 : memref<8000xf32, #tpu.memory_space<vmem>>) dst(%dma_wait3A_125 : memref<100096xf32, #tpu.memory_space<vmem_shared>>)
      tpu.yield
    }) : () -> ()
    %add3A_107 = arith.constant 384000 : i32
    %add3A_108 = arith.addi %mul3A_10, %add3A_107 : i32
    "tpu.region"() ({
      %run_scoped3A = tpu.sem_alloc : memref<!tpu.dma_semaphore, #tpu.memory_space<semaphore_mem>>
      %dma_start3A = tpu.memref_slice %arg2[%add3A_108] : memref<12800000xi32, #tpu.memory_space<hbm>> -> memref<8000xi32, #tpu.memory_space<hbm>>
      %dma_start3A_124 = tpu.memref_slice %arg2[%add3A_108] : memref<12800000xi32, #tpu.memory_space<hbm>> -> memref<8000xi32, #tpu.memory_space<hbm>>
      tpu.enqueue_dma source(%dma_start3A_124 : memref<8000xi32, #tpu.memory_space<hbm>>) target(%arg5 : memref<8000xi32, #tpu.memory_space<vmem>>) target_semaphore(%run_scoped3A : memref<!tpu.dma_semaphore, #tpu.memory_space<semaphore_mem>>)
      %dma_wait3A = tpu.memref_slice %arg2[%add3A_108] : memref<12800000xi32, #tpu.memory_space<hbm>> -> memref<8000xi32, #tpu.memory_space<hbm>>
      %dma_wait3A_125 = tpu.memref_slice %arg2[%add3A_108] : memref<12800000xi32, #tpu.memory_space<hbm>> -> memref<8000xi32, #tpu.memory_space<hbm>>
      tpu.wait_dma2 semaphore(%run_scoped3A : memref<!tpu.dma_semaphore, #tpu.memory_space<semaphore_mem>>) src(%dma_wait3A_125 : memref<8000xi32, #tpu.memory_space<hbm>>) dst(%arg5 : memref<8000xi32, #tpu.memory_space<vmem>>)
      tpu.yield
    }) : () -> ()
    "tpu.region"() ({
      %run_scoped3A = tpu.sem_alloc : memref<!tpu.dma_semaphore, #tpu.memory_space<semaphore_mem>>
      %dma_start3A = tpu.memref_slice %arg3[%add3A_108] : memref<12800000xf32, #tpu.memory_space<hbm>> -> memref<8000xf32, #tpu.memory_space<hbm>>
      %dma_start3A_124 = tpu.memref_slice %arg3[%add3A_108] : memref<12800000xf32, #tpu.memory_space<hbm>> -> memref<8000xf32, #tpu.memory_space<hbm>>
      tpu.enqueue_dma source(%dma_start3A_124 : memref<8000xf32, #tpu.memory_space<hbm>>) target(%arg6 : memref<8000xf32, #tpu.memory_space<vmem>>) target_semaphore(%run_scoped3A : memref<!tpu.dma_semaphore, #tpu.memory_space<semaphore_mem>>)
      %dma_wait3A = tpu.memref_slice %arg3[%add3A_108] : memref<12800000xf32, #tpu.memory_space<hbm>> -> memref<8000xf32, #tpu.memory_space<hbm>>
      %dma_wait3A_125 = tpu.memref_slice %arg3[%add3A_108] : memref<12800000xf32, #tpu.memory_space<hbm>> -> memref<8000xf32, #tpu.memory_space<hbm>>
      tpu.wait_dma2 semaphore(%run_scoped3A : memref<!tpu.dma_semaphore, #tpu.memory_space<semaphore_mem>>) src(%dma_wait3A_125 : memref<8000xf32, #tpu.memory_space<hbm>>) dst(%arg6 : memref<8000xf32, #tpu.memory_space<vmem>>)
      tpu.yield
    }) : () -> ()
    "tpu.region"() ({
      %run_scoped3A = tpu.sem_alloc : memref<!tpu.dma_semaphore, #tpu.memory_space<semaphore_mem>>
      %dma_start3A = arith.constant 0 : i32
      %dma_start3A_124 = tpu.memref_slice %arg9[%dma_start3A] : memref<100096xf32, #tpu.memory_space<vmem_shared>> -> memref<100096xf32, #tpu.memory_space<vmem_shared>>
      tpu.enqueue_indirect_dma source(%arg6 : memref<8000xf32, #tpu.memory_space<vmem>>) target(%dma_start3A_124 : memref<100096xf32, #tpu.memory_space<vmem_shared>>) offsets(%arg5 : memref<8000xi32, #tpu.memory_space<vmem>>) semaphore(%run_scoped3A : memref<!tpu.dma_semaphore, #tpu.memory_space<semaphore_mem>>) {add = true}
      %dma_wait3A = arith.constant 0 : i32
      %dma_wait3A_125 = tpu.memref_slice %arg9[%dma_wait3A] : memref<100096xf32, #tpu.memory_space<vmem_shared>> -> memref<100096xf32, #tpu.memory_space<vmem_shared>>
      tpu.wait_indirect_dma semaphore(%run_scoped3A : memref<!tpu.dma_semaphore, #tpu.memory_space<semaphore_mem>>) src(%arg6 : memref<8000xf32, #tpu.memory_space<vmem>>) dst(%dma_wait3A_125 : memref<100096xf32, #tpu.memory_space<vmem_shared>>)
      tpu.yield
    }) : () -> ()
    %add3A_109 = arith.constant 392000 : i32
    %add3A_110 = arith.addi %mul3A_10, %add3A_109 : i32
    "tpu.region"() ({
      %run_scoped3A = tpu.sem_alloc : memref<!tpu.dma_semaphore, #tpu.memory_space<semaphore_mem>>
      %dma_start3A = tpu.memref_slice %arg2[%add3A_110] : memref<12800000xi32, #tpu.memory_space<hbm>> -> memref<8000xi32, #tpu.memory_space<hbm>>
      %dma_start3A_124 = tpu.memref_slice %arg2[%add3A_110] : memref<12800000xi32, #tpu.memory_space<hbm>> -> memref<8000xi32, #tpu.memory_space<hbm>>
      tpu.enqueue_dma source(%dma_start3A_124 : memref<8000xi32, #tpu.memory_space<hbm>>) target(%arg5 : memref<8000xi32, #tpu.memory_space<vmem>>) target_semaphore(%run_scoped3A : memref<!tpu.dma_semaphore, #tpu.memory_space<semaphore_mem>>)
      %dma_wait3A = tpu.memref_slice %arg2[%add3A_110] : memref<12800000xi32, #tpu.memory_space<hbm>> -> memref<8000xi32, #tpu.memory_space<hbm>>
      %dma_wait3A_125 = tpu.memref_slice %arg2[%add3A_110] : memref<12800000xi32, #tpu.memory_space<hbm>> -> memref<8000xi32, #tpu.memory_space<hbm>>
      tpu.wait_dma2 semaphore(%run_scoped3A : memref<!tpu.dma_semaphore, #tpu.memory_space<semaphore_mem>>) src(%dma_wait3A_125 : memref<8000xi32, #tpu.memory_space<hbm>>) dst(%arg5 : memref<8000xi32, #tpu.memory_space<vmem>>)
      tpu.yield
    }) : () -> ()
    "tpu.region"() ({
      %run_scoped3A = tpu.sem_alloc : memref<!tpu.dma_semaphore, #tpu.memory_space<semaphore_mem>>
      %dma_start3A = tpu.memref_slice %arg3[%add3A_110] : memref<12800000xf32, #tpu.memory_space<hbm>> -> memref<8000xf32, #tpu.memory_space<hbm>>
      %dma_start3A_124 = tpu.memref_slice %arg3[%add3A_110] : memref<12800000xf32, #tpu.memory_space<hbm>> -> memref<8000xf32, #tpu.memory_space<hbm>>
      tpu.enqueue_dma source(%dma_start3A_124 : memref<8000xf32, #tpu.memory_space<hbm>>) target(%arg6 : memref<8000xf32, #tpu.memory_space<vmem>>) target_semaphore(%run_scoped3A : memref<!tpu.dma_semaphore, #tpu.memory_space<semaphore_mem>>)
      %dma_wait3A = tpu.memref_slice %arg3[%add3A_110] : memref<12800000xf32, #tpu.memory_space<hbm>> -> memref<8000xf32, #tpu.memory_space<hbm>>
      %dma_wait3A_125 = tpu.memref_slice %arg3[%add3A_110] : memref<12800000xf32, #tpu.memory_space<hbm>> -> memref<8000xf32, #tpu.memory_space<hbm>>
      tpu.wait_dma2 semaphore(%run_scoped3A : memref<!tpu.dma_semaphore, #tpu.memory_space<semaphore_mem>>) src(%dma_wait3A_125 : memref<8000xf32, #tpu.memory_space<hbm>>) dst(%arg6 : memref<8000xf32, #tpu.memory_space<vmem>>)
      tpu.yield
    }) : () -> ()
    "tpu.region"() ({
      %run_scoped3A = tpu.sem_alloc : memref<!tpu.dma_semaphore, #tpu.memory_space<semaphore_mem>>
      %dma_start3A = arith.constant 0 : i32
      %dma_start3A_124 = tpu.memref_slice %arg9[%dma_start3A] : memref<100096xf32, #tpu.memory_space<vmem_shared>> -> memref<100096xf32, #tpu.memory_space<vmem_shared>>
      tpu.enqueue_indirect_dma source(%arg6 : memref<8000xf32, #tpu.memory_space<vmem>>) target(%dma_start3A_124 : memref<100096xf32, #tpu.memory_space<vmem_shared>>) offsets(%arg5 : memref<8000xi32, #tpu.memory_space<vmem>>) semaphore(%run_scoped3A : memref<!tpu.dma_semaphore, #tpu.memory_space<semaphore_mem>>) {add = true}
      %dma_wait3A = arith.constant 0 : i32
      %dma_wait3A_125 = tpu.memref_slice %arg9[%dma_wait3A] : memref<100096xf32, #tpu.memory_space<vmem_shared>> -> memref<100096xf32, #tpu.memory_space<vmem_shared>>
      tpu.wait_indirect_dma semaphore(%run_scoped3A : memref<!tpu.dma_semaphore, #tpu.memory_space<semaphore_mem>>) src(%arg6 : memref<8000xf32, #tpu.memory_space<vmem>>) dst(%dma_wait3A_125 : memref<100096xf32, #tpu.memory_space<vmem_shared>>)
      tpu.yield
    }) : () -> ()
    %barrier3A_111 = arith.constant 0 : index
    tpu.barrier barrier_id(%barrier3A_111)
    %mul3A_112 = arith.constant 6256 : i32
    %mul3A_113 = arith.muli %arg1, %mul3A_112 : i32
    "tpu.region"() ({
      %run_scoped3A = tpu.sem_alloc : memref<!tpu.dma_semaphore, #tpu.memory_space<semaphore_mem>>
      %dma_start3A = tpu.memref_slice %arg9[%mul3A_113] : memref<100096xf32, #tpu.memory_space<vmem_shared>> -> memref<6256xf32, #tpu.memory_space<vmem_shared>>
      %dma_start3A_124 = tpu.memref_slice %arg9[%mul3A_113] : memref<100096xf32, #tpu.memory_space<vmem_shared>> -> memref<6256xf32, #tpu.memory_space<vmem_shared>>
      tpu.enqueue_dma source(%dma_start3A_124 : memref<6256xf32, #tpu.memory_space<vmem_shared>>) target(%arg7 : memref<6256xf32, #tpu.memory_space<vmem>>) target_semaphore(%run_scoped3A : memref<!tpu.dma_semaphore, #tpu.memory_space<semaphore_mem>>)
      %dma_wait3A = tpu.memref_slice %arg9[%mul3A_113] : memref<100096xf32, #tpu.memory_space<vmem_shared>> -> memref<6256xf32, #tpu.memory_space<vmem_shared>>
      %dma_wait3A_125 = tpu.memref_slice %arg9[%mul3A_113] : memref<100096xf32, #tpu.memory_space<vmem_shared>> -> memref<6256xf32, #tpu.memory_space<vmem_shared>>
      tpu.wait_dma2 semaphore(%run_scoped3A : memref<!tpu.dma_semaphore, #tpu.memory_space<semaphore_mem>>) src(%dma_wait3A_125 : memref<6256xf32, #tpu.memory_space<vmem_shared>>) dst(%arg7 : memref<6256xf32, #tpu.memory_space<vmem>>)
      tpu.yield
    }) : () -> ()
    %broadcast_in_dim3A = arith.constant 0.000000e+00 : f32
    %broadcast_in_dim3A_114 = vector.broadcast %broadcast_in_dim3A : f32 to vector<16xf32>
    %scan3A_115 = arith.constant 0 : i32
    %scan3A_116 = arith.constant 391 : i32
    %scan3A_117 = arith.addi %scan3A_115, %scan3A_116 : i32
    %scan3A_118 = arith.constant 1 : i32
    %scan3A_119 = scf.for %scan3A_124 = %scan3A_115 to %scan3A_117 step %scan3A_118 iter_args(%scan3A_125 = %broadcast_in_dim3A_114) -> (vector<16xf32>)  : i32 {
      %mul3A_126 = arith.constant 16 : i32
      %mul3A_127 = arith.muli %scan3A_124, %mul3A_126 : i32
      %get3A = arith.index_cast %mul3A_127 : i32 to index
      %get3A_128 = tpu.vector_load %arg7[%get3A] {strides = array<i32>} : memref<6256xf32, #tpu.memory_space<vmem>>, vector<16xf32>,
      %get3A_129 = vector.shape_cast %get3A_128 : vector<16xf32> to vector<16xf32>
      %add3A_130 = arith.addf %scan3A_125, %get3A_129 : vector<16xf32>
      scf.yield %add3A_130 : vector<16xf32>
    }
    %scan3A_120 = arith.constant 391 : i32
    %swap3A = arith.constant 0 : index
    %swap3A_121 = tpu.vector_load %arg8[%swap3A] {strides = array<i32>} : memref<16xf32, #tpu.memory_space<vmem>>, vector<16xf32>,
    %swap3A_122 = vector.shape_cast %swap3A_121 : vector<16xf32> to vector<16xf32>
    %swap3A_123 = vector.shape_cast %scan3A_119 : vector<16xf32> to vector<16xf32>
    tpu.vector_store %arg8[%swap3A], %swap3A_123 {strides = array<i32>} : memref<16xf32, #tpu.memory_space<vmem>>, vector<16xf32>,
    "tpu.region"() ({
      %run_scoped3A = tpu.sem_alloc : memref<!tpu.dma_semaphore, #tpu.memory_space<semaphore_mem>>
      %dma_start3A = arith.constant 0 : i32
      %dma_start3A_124 = tpu.memref_slice %arg4[%add3A, %dma_start3A] : memref<32x16xf32, #tpu.memory_space<hbm>> -> memref<1x16xf32, #tpu.memory_space<hbm>>
      %dma_start3A_125 = tpu.memref_squeeze %dma_start3A_124 : memref<1x16xf32, #tpu.memory_space<hbm>> -> memref<16xf32, #tpu.memory_space<hbm>>
      %dma_start3A_126 = arith.constant 0 : i32
      %dma_start3A_127 = tpu.memref_slice %arg4[%add3A, %dma_start3A_126] : memref<32x16xf32, #tpu.memory_space<hbm>> -> memref<1x16xf32, #tpu.memory_space<hbm>>
      %dma_start3A_128 = tpu.memref_squeeze %dma_start3A_127 : memref<1x16xf32, #tpu.memory_space<hbm>> -> memref<16xf32, #tpu.memory_space<hbm>>
      tpu.enqueue_dma source(%arg8 : memref<16xf32, #tpu.memory_space<vmem>>) target(%dma_start3A_128 : memref<16xf32, #tpu.memory_space<hbm>>) target_semaphore(%run_scoped3A : memref<!tpu.dma_semaphore, #tpu.memory_space<semaphore_mem>>)
      %dma_wait3A = arith.constant 0 : i32
      %dma_wait3A_129 = tpu.memref_slice %arg4[%add3A, %dma_wait3A] : memref<32x16xf32, #tpu.memory_space<hbm>> -> memref<1x16xf32, #tpu.memory_space<hbm>>
      %dma_wait3A_130 = tpu.memref_squeeze %dma_wait3A_129 : memref<1x16xf32, #tpu.memory_space<hbm>> -> memref<16xf32, #tpu.memory_space<hbm>>
      %dma_wait3A_131 = arith.constant 0 : i32
      %dma_wait3A_132 = tpu.memref_slice %arg4[%add3A, %dma_wait3A_131] : memref<32x16xf32, #tpu.memory_space<hbm>> -> memref<1x16xf32, #tpu.memory_space<hbm>>
      %dma_wait3A_133 = tpu.memref_squeeze %dma_wait3A_132 : memref<1x16xf32, #tpu.memory_space<hbm>> -> memref<16xf32, #tpu.memory_space<hbm>>
      tpu.wait_dma2 semaphore(%run_scoped3A : memref<!tpu.dma_semaphore, #tpu.memory_space<semaphore_mem>>) src(%arg8 : memref<16xf32, #tpu.memory_space<vmem>>) dst(%dma_wait3A_133 : memref<16xf32, #tpu.memory_space<hbm>>)
      tpu.yield
    }) : () -> ()
    return
  }
}

</mosaic_0001>

<sc_bundles>
// kernel: _run.3.cloned.1.call-start
scs
__scs_entry_jumppad:
0x0: {  	(pc) =	sbr.rel $0x88, $3  }
0x1: {  	(tag) =	ssettag $0x0;
	lr =	simm.s32 $0x1  }
0x2: {  	[smem:$0x3F9F] =	sst lr;
	_ =	strace $0xD0000000  }
0x3: {  	_ = 	snop  }
0x4: {  	_ = 	snop  }
0x5: {  	_ = 	snop  }
0x6: {  	_ = 	snop  }
0x7: {  	_ = 	snop  }
__scs_overlays_trampoline_lowered:
0x8: {  	[smem:$0x3FAE] =	sst s0  }
0x9: {  	[smem:$0x3FAF] =	sst s1  }
0xa: {  	[smem:$0x3FB0] =	sst s2  }
0xb: {  	[smem:$0x3FB1] =	sst s3  }
0xc: {  	[smem:$0x3FB2] =	sst s4  }
0xd: {  	[smem:$0x3FB3] =	sst s5  }
0xe: {  	[smem:$0x3FB4] =	sst s6  }
0xf: {  	[smem:$0x3FB5] =	sst s7  }
0x10: {  	[smem:$0x3FB6] =	sst s8  }
0x11: {  	[smem:$0x3FB7] =	sst s9;
	s0 =	simm.s32 @!p0 $0x0  }
0x12: {  	s1 =	sld [smem:$0x3F9D];
	s0 =	simm.s32 @p0 $0x1  }
0x13: {  	[smem:$0x3FB8] =	sst s0;
	s0 =	simm.s32 @!p1 $0x0  }
0x14: {  	s2 =	sld [smem:$0x3F9C];
	s0 =	simm.s32 @p1 $0x1  }
0x15: {  	[smem:$0x3FB9] =	sst s0;
	s0 =	simm.s32 @!p2 $0x0  }
0x16: {  	s3 =	sld [smem:$0x3FDB];
	s0 =	simm.s32 @p2 $0x1  }
0x17: {  	s4 =	simm.s32 $0x1BF5;
	[smem:$0x3FBB] =	sst s0  }
0x18: {  	s0 =	sld [smem:$0x3F9E];
	_ =	swait.ge [sflag:s4], $0x0  }
0x19: {  	s7 =	sld [smem:$0x3F9F]  }
0x1a: {  	s8 =	sadd.s32 $0xFFFFE003, lr  }
0x1b: {  	s9 =	sadd.s32 $0xFFFFFEF7, lr;
	s5 =	simm.s32 $0xFFFFFFFF;
	p2 =	slt.u32 s8, $0xFFFFF086  }
0x1c: {  	p1 =	slt.u32 s9, $0xF7A;
	s5 =	simm.s32 @!p2 $0x0  }
0x1d: {  	s5 =	simm.s32 @p1 $0x1;
	p0 =	seq.s32 s7, s2  }
0x1e: {  	s7 =	smul.u32 @!p0 $0xF7A, s2;
	p2 =	seq.s32 @!p0 s5, $0x0  }
0x1f: {  	s9 =	smul.u32 $0xF7A, s1;
	s8 =	simm.s32 @!p0 $0x1BF5;
	p2 =	por !p2, p0  }
0x20: {  	[sflag:s8] =	ssyncset.s32 @!p0 $0xFFFFF086;
	s6 =	sadd.s32 @!p0 s3, s7;
	s7 =	simm.s32 @!p0 $0x108  }
0x21: {  	s3 =	sadd.s32 s3, s9;
	s6 =	sadd.s32 @!p0 $0x88, s6;
	s7 =	simm.s32 @p2 $0x1082  }
0x22: {  	[simem:s7], [sflag:s8] =	dma.local @!p0 [hbm:s6], $0xF7A  }
0x23: {  	s9 =	sor.u32 $0xD0000000, s2;
	s6 =	simm.s32 $0x108;
	_ =	swait.ge @!p0 [sflag:s8], $0x0  }
0x24: {  	s3 =	sadd.s32 $0x88, s3;
	s6 =	simm.s32 @!p1 $0x1082;
	[sflag:s4] =	ssyncset.s32 $0xFFFFF086  }
0x25: {  	[simem:s6], [sflag:s4] =	dma.local [hbm:s3], $0xF7A  }
0x26: {  	[smem:$0x3F9F] =	sst s1;
	(tag) =	ssettag s2;
	_ =	strace s9  }
0x27: {  	s1 =	sld [smem:$0x3FAF]  }
0x28: {  	s2 =	sld [smem:$0x3FB0]  }
0x29: {  	s4 =	sld [smem:$0x3FB2]  }
0x2a: {  	p0 =	seq.s32 s5, $0x0;
	s5 =	sld [smem:$0x3FB3]  }
0x2b: {  	s6 =	sld [smem:$0x3FB4]  }
0x2c: {  	s7 =	sld [smem:$0x3FB5]  }
0x2d: {  	s3 =	simm.s32 $0x108;
	s8 =	sld [smem:$0x3FB6]  }
0x2e: {  	s3 =	simm.s32 @!p0 $0x1082;
	s9 =	sld [smem:$0x3FB7]  }
0x2f: {  	lr =	sadd.s32 s0, s3;
	s0 =	sld [smem:$0x3FAE]  }
0x30: {  	s3 =	sld [smem:$0x3FB1]  }
0x31: {  	[smem:$0x3FBA] =	sst s10  }
0x32: {  	s10 =	sld [smem:$0x3FB8];
	_ =	sdelay $0x3  }
0x33: {  	p0 =	seq.s32 s10, $0x1;
	s10 =	sld [smem:$0x3FBA];
	_ =	sdelay $0x3  }
0x34: {  	[smem:$0x3FBA] =	sst s10  }
0x35: {  	s10 =	sld [smem:$0x3FB9];
	_ =	sdelay $0x3  }
0x36: {  	p1 =	seq.s32 s10, $0x1;
	s10 =	sld [smem:$0x3FBA];
	_ =	sdelay $0x3  }
0x37: {  	[smem:$0x3FBA] =	sst s10  }
0x38: {  	s10 =	sld [smem:$0x3FBB]  }
0x39: {  	_ = 	snop;
	(pc) =	sbr.ind lr, $3  }
0x3a: {  	_ = 	snop  }
0x3b: {  	_ = 	snop  }
0x3c: {  	p2 =	seq.s32 s10, $0x1;
	s10 =	sld [smem:$0x3FBA]  }
0x3d: {  	_ =	shalt  }
0x3e: {  	_ =	shalt  }
0x3f: {  	_ =	shalt  }
0x40: {  	_ =	shalt  }
0x41: {  	_ =	shalt  }
0x42: {  	_ =	shalt  }
0x43: {  	_ =	shalt  }
0x44: {  	_ =	shalt  }
0x45: {  	_ =	shalt  }
0x46: {  	_ =	shalt  }
0x47: {  	_ =	shalt  }
0x48: {  	_ =	shalt  }
0x49: {  	_ =	shalt  }
0x4a: {  	_ =	shalt  }
0x4b: {  	_ =	shalt  }
0x4c: {  	_ =	shalt  }
0x4d: {  	_ =	shalt  }
0x4e: {  	_ =	shalt  }
0x4f: {  	_ =	shalt  }
0x50: {  	_ =	shalt  }
0x51: {  	_ =	shalt  }
0x52: {  	_ =	shalt  }
0x53: {  	_ =	shalt  }
0x54: {  	_ =	shalt  }
0x55: {  	_ =	shalt  }
0x56: {  	_ =	shalt  }
0x57: {  	_ =	shalt  }
0x58: {  	_ =	shalt  }
0x59: {  	_ =	shalt  }
0x5a: {  	_ =	shalt  }
0x5b: {  	_ =	shalt  }
0x5c: {  	_ =	shalt  }
0x5d: {  	_ =	shalt  }
0x5e: {  	_ =	shalt  }
0x5f: {  	_ =	shalt  }
0x60: {  	_ =	shalt  }
0x61: {  	_ =	shalt  }
0x62: {  	_ =	shalt  }
0x63: {  	_ =	shalt  }
0x64: {  	_ =	shalt  }
0x65: {  	_ =	shalt  }
0x66: {  	_ =	shalt  }
0x67: {  	_ =	shalt  }
0x68: {  	_ =	shalt  }
0x69: {  	_ =	shalt  }
0x6a: {  	_ =	shalt  }
0x6b: {  	_ =	shalt  }
0x6c: {  	_ =	shalt  }
0x6d: {  	_ =	shalt  }
0x6e: {  	_ =	shalt  }
0x6f: {  	_ =	shalt  }
0x70: {  	_ =	shalt  }
0x71: {  	_ =	shalt  }
0x72: {  	_ =	shalt  }
0x73: {  	_ =	shalt  }
0x74: {  	_ =	shalt  }
0x75: {  	_ =	shalt  }
0x76: {  	_ =	shalt  }
0x77: {  	_ =	shalt  }
0x78: {  	_ =	shalt  }
0x79: {  	_ =	shalt  }
0x7a: {  	_ =	shalt  }
0x7b: {  	_ =	shalt  }
0x7c: {  	_ =	shalt  }
0x7d: {  	_ =	shalt  }
0x7e: {  	_ =	shalt  }
0x7f: {  	_ =	shalt  }
0x80: {  	_ =	shalt  }
0x81: {  	_ =	shalt  }
0x82: {  	_ =	shalt  }
0x83: {  	_ =	shalt  }
0x84: {  	_ =	shalt  }
0x85: {  	_ =	shalt  }
0x86: {  	_ =	shalt  }
0x87: {  	_ =	shalt  }
.Lfunc_end0:
.L_simem_size_0:
called_computation_lowered:
.L_overlay_start_0:
0x88: {  	s2 =	sld [smem:$0x3FD9]  }
0x89: {  	s3 =	sld [smem:$0x3FFE];
	_ =	sdelay $0x1  }
0x8a: {  	s1 =	srdreg.scid  }
0x8b: {  	s0 =	sand.u32 $0x1, s1  }
0x8c: {  	s17 =	sshll.u32 s0, $0xA;
	s2 =	sadd.s32 s3, s2  }
0x8d: {  	s2 =	sadd.s32 s2, s17  }
0x8e: {  	[smem:$0x3FC6] =	sst s2  }
0x8f: {  	_ = 	snop  }
0x90: {  	s2 =	sld [smem:$0x3FC9]  }
0x91: {  	s18 =	sld [smem:$0x3FC8];
	(tm) =	ssettm $0x1  }
0x92: {  	s4 =	sld [smem:$0x3FFB];
	_ =	sdelay $0x3  }
0x93: {  	_ =	strace s4  }
0x94: {  	s4 =	sld [smem:$0x3FFC];
	_ =	sdelay $0x3  }
0x95: {  	_ =	strace s4  }
0x96: {  	s4 =	sld [smem:$0x3FFD];
	_ =	sdelay $0x3  }
0x97: {  	_ =	strace s4  }
0x98: {  	_ =	strace $0x8FFFFFFF  }
0x99: {  	s19 =	sld [smem:$0x3FDB];
	_ =	sdelay $0x1  }
0x9a: {  	s5 =	simm.s32 $_scs_section_size  }
0x9b: {  	s6 =	simm.s32 $_size__tile_overlayer_lowered;
	s7 =	simm.s32 $_tile_overlayer_lowered  }
0x9c: {  	s22 =	simm.s32 $0x1BFF;
	s21 =	sshll.u32 s7, $0x1;
	s4 =	sadd.s32 s5, s19  }
0x9d: {  	s8 =	simm.s32 $0x0;
	s20 =	sshll.u32 s6, $0x1;
	s6 =	sadd.s32 s21, s4  }
0x9e: {  	[timem:s8], [sflag:s22] =	dma.local [hbm:s6], s20  }
0x9f: {  	_ =	swait.ge [sflag:s22], s20  }
0xa0: {  	s5 =	ssub.s32 $0x0, s20;
	[sflag:s22] =	ssyncset.done $0x0  }
0xa1: {  	[sflag:s22] =	ssyncadd.s32 s5;
	_ =	sdelay $0x1  }
0xa2: {  	s23 =	simm.s32 $0x1B8B  }
0xa3: {  	_ =	swait.ge [sflag:s23], $0x1  }
0xa4: {  	[sflag:s23] =	ssyncset.done $0x0  }
0xa5: {  	s25 =	simm.s32 $0x1B8E;
	s24 =	sld [smem:$0x3FFE];
	[sflag:s23] =	ssyncadd.s32 $0xFFFFFFFF  }
0xa6: {  	s26 =	simm.s32 $execute0_lowered;
	[smem:$0x3FD2] =	sst s25  }
0xa7: {  	s6 =	sshll.u32 s26, $0x1;
	_ =	strace $0x80000046;
	[dreg:$0x1] =	wrdreg $0xFFFFFFFF  }
0xa8: {  	s28 =	simm.s32 $_size_execute0_lowered;
	s4 =	sadd.s32 s4, s6;
	[dreg:$0x0] =	wrdreg $0x0  }
0xa9: {  	s6 =	sshll.u32 s28, $0x1;
	[dreg:$0x2] =	wrdreg s4  }
0xaa: {  	[dreg:$0x3] =	wrdreg s6  }
0xab: {  	[dreg:$0x4] =	wrdreg $0xC0  }
0xac: {  	_ =	task [dreg:s8], $0x5FFFF  }
0xad: {  	[dreg:$0x1] =	wrdreg $0xFFFFFFFF  }
0xae: {  	[dreg:$0x0] =	wrdreg $0x60  }
0xaf: {  	[dreg:$0x2] =	wrdreg s2  }
0xb0: {  	[dreg:$0x3] =	wrdreg s18  }
0xb1: {  	[dreg:$0x4] =	wrdreg s24  }
0xb2: {  	[dreg:$0x5] =	wrdreg $0x58000  }
0xb3: {  	[dreg:$0x6] =	wrdreg $0x9  }
0xb4: {  	_ =	task.clear_ibuf [dreg:s8], $0x7FFFF;
	_ =	strace $0x90000046  }
0xb5: {  	s29 =	simm.s32 $0x9;
	_ =	strace $0x80000048  }
0xb6: {  	_ =	swait.ge [sflag:s29], $0x1  }
0xb7: {  	[sflag:s29] =	ssyncadd.s32 $0xFFFFFFFF  }
0xb8: {  	_ =	strace $0x90000048  }
0xb9: {  	_ =	sfence  }
0xba: {  	s30 =	sld [smem:$0x0];
	_ =	sdelay $0x2  }
0xbb: {  	s31 =	sshll.u32 s1, $0xD;
	s1 =	sshrl.u32 s1, $0x2  }
0xbc: {  	s3 =	sand.u32 $0x4000, s31;
	s1 =	sadd.s32 s1, s30  }
0xbd: {  	s0 =	sor.u32 s3, s0;
	s1 =	sshll.u32 s1, $0x11  }
0xbe: {  	s0 =	sor.u32 s1, s0  }
0xbf: {  	s0 =	sadd.s32 $0x8F2B, s0  }
0xc0: {  	[sflag:s0] =	ssyncadd.remote.s32 $0x1  }
0xc1: {  	_ =	sfence.sel $0xFFFF  }
0xc2: {  	[dreg:$0x0] =	wrdreg $0xFFFFFFFF;
	(pc) =	sbr.abs _section_cstart, $3  }
0xc3: {  	[dreg:$0x1] =	wrdreg $0xFFFFFFFF  }
0xc4: {  	_ =	task.clear_ibuf [dreg:s8], $0x2FFFF;
	_ =	strace $0x9FFFFFFF  }
0xc5: {  	(tm) =	ssettm $0x7FFFFFFF  }
tec
execute0_lowered:
.L_overlay_start_1:
0x0: {  	(tag) =	ssettag $0x1  }
0x1: {  	s0 =	srdreg.scid;
	s6 =	stileid.u32  }
0x2: {  	s0 =	sand.u32 $0x1, s0;
	s1 =	sshll.u32 s6, $0x1  }
0x3: {  	s8 =	rddreg [dreg:$0x0];
	s1 =	sor.u32 s0, s1  }
0x4: {  	s9 =	rddreg [dreg:$0x1];
	s3 =	smul.u32 $0x61A80, s1  }
0x5: {  	s2 =	rddreg [dreg:$0x2];
	s4 =	simm.s32 $0x0  }
0x6: {  	s0 =	ssub.s32 $0x2, s0;
	s1 =	sshll.u32 s1, $0x4;
	s5 =	sshrl.u32 s3, $0x3  }
0x7: {  	s26 =	sshrl.u32 s0, $0x1;
	s11 =	sadd.s32 s1, s2;
	s2 =	sadd.s32 $0x3E8, s5  }
0x8: {  	[smem:$0x7FF] =	sst s4;
	s12 =	ssub.s32 s0, s26;
	s3 =	sadd.s32 s8, s2  }
0x9: {  	s4 =	sadd.s32 $0x7D0, s5;
	s0 =	sadd.s32 s9, s2;
	[dreg:$0x5] =	wrdreg s3  }
0xa: {  	s10 =	sadd.s32 $0xBB8, s5;
	s7 =	sadd.s32 s8, s4;
	[dreg:$0x6] =	wrdreg s0  }
0xb: {  	s14 =	sadd.s32 $0xFA0, s5;
	s13 =	sadd.s32 s8, s10;
	[dreg:$0x7] =	wrdreg s7  }
0xc: {  	s16 =	sadd.s32 $0x1388, s5;
	s15 =	sadd.s32 s8, s14;
	[dreg:$0x9] =	wrdreg s13  }
0xd: {  	s18 =	sadd.s32 $0x1770, s5;
	s17 =	sadd.s32 s8, s16;
	[dreg:$0xb] =	wrdreg s15  }
0xe: {  	s20 =	sadd.s32 $0x1B58, s5;
	s19 =	sadd.s32 s8, s18;
	[dreg:$0xd] =	wrdreg s17  }
0xf: {  	s22 =	sadd.s32 $0x1F40, s5;
	s21 =	sadd.s32 s8, s20;
	[dreg:$0xf] =	wrdreg s19  }
0x10: {  	s24 =	sadd.s32 $0x2328, s5;
	s23 =	sadd.s32 s8, s22;
	[dreg:$0x11] =	wrdreg s21  }
0x11: {  	s26 =	sadd.s32 $0x2710, s5;
	s25 =	sadd.s32 s8, s24;
	[dreg:$0x13] =	wrdreg s23  }
0x12: {  	s2 =	sadd.s32 s8, s26;
	[dreg:$0x15] =	wrdreg s25  }
0x13: {  	s0 =	sadd.s32 s9, s4;
	[dreg:$0x17] =	wrdreg s2  }
0x14: {  	s3 =	sadd.s32 $0x2AF8, s5;
	[dreg:$0x8] =	wrdreg s0;
	s0 =	sadd.s32 s9, s10  }
0x15: {  	s7 =	sadd.s32 $0x2EE0, s5;
	s4 =	sadd.s32 s8, s3;
	[dreg:$0xa] =	wrdreg s0  }
0x16: {  	s10 =	sadd.s32 s8, s7;
	[dreg:$0x19] =	wrdreg s4  }
0x17: {  	s13 =	sadd.s32 $0x32C8, s5;
	s0 =	sadd.s32 s9, s14;
	[dreg:$0x1b] =	wrdreg s10  }
0x18: {  	s14 =	sadd.s32 s8, s13;
	[dreg:$0xc] =	wrdreg s0  }
0x19: {  	s15 =	sadd.s32 $0x36B0, s5;
	s0 =	sadd.s32 s9, s16;
	[dreg:$0x1d] =	wrdreg s14  }
0x1a: {  	s16 =	sadd.s32 s8, s15;
	[dreg:$0xe] =	wrdreg s0  }
0x1b: {  	s17 =	sadd.s32 $0x3A98, s5;
	s0 =	sadd.s32 s9, s18;
	[dreg:$0x1f] =	wrdreg s16  }
0x1c: {  	s18 =	sadd.s32 s8, s17;
	[dreg:$0x10] =	wrdreg s0  }
0x1d: {  	s19 =	sadd.s32 $0x3E80, s5;
	s0 =	sadd.s32 s9, s20;
	[smem:$0x7CA] =	sst s18  }
0x1e: {  	s20 =	sadd.s32 s8, s19;
	[dreg:$0x12] =	wrdreg s0  }
0x1f: {  	s21 =	sadd.s32 $0x4268, s5;
	s0 =	sadd.s32 s9, s22;
	[smem:$0x7CC] =	sst s20  }
0x20: {  	s22 =	sadd.s32 s8, s21;
	[dreg:$0x14] =	wrdreg s0  }
0x21: {  	s23 =	sadd.s32 $0x4650, s5;
	s0 =	sadd.s32 s9, s24;
	[smem:$0x7CE] =	sst s22  }
0x22: {  	s24 =	sadd.s32 s8, s23;
	[dreg:$0x16] =	wrdreg s0  }
0x23: {  	s25 =	sadd.s32 $0x4A38, s5;
	s0 =	sadd.s32 s9, s26;
	[smem:$0x7D0] =	sst s24  }
0x24: {  	s26 =	sadd.s32 s8, s25;
	[dreg:$0x18] =	wrdreg s0  }
0x25: {  	s2 =	sadd.s32 $0x4E20, s5;
	s0 =	sadd.s32 s9, s3;
	[smem:$0x7D2] =	sst s26  }
0x26: {  	s3 =	sadd.s32 s8, s2;
	[dreg:$0x1a] =	wrdreg s0  }
0x27: {  	s4 =	sadd.s32 $0x5208, s5;
	s0 =	sadd.s32 s9, s7;
	[smem:$0x7D4] =	sst s3  }
0x28: {  	s7 =	sadd.s32 s8, s4;
	[dreg:$0x1c] =	wrdreg s0  }
0x29: {  	s10 =	sadd.s32 $0x55F0, s5;
	s0 =	sadd.s32 s9, s13;
	[smem:$0x7D6] =	sst s7  }
0x2a: {  	s13 =	sadd.s32 s8, s10;
	[dreg:$0x1e] =	wrdreg s0  }
0x2b: {  	s14 =	sadd.s32 $0x59D8, s5;
	s0 =	sadd.s32 s9, s15;
	[smem:$0x7D8] =	sst s13  }
0x2c: {  	s15 =	sadd.s32 s8, s14;
	[smem:$0x7C9] =	sst s0  }
0x2d: {  	s16 =	sadd.s32 $0x5DC0, s5;
	s0 =	sadd.s32 s9, s17;
	[smem:$0x7DA] =	sst s15  }
0x2e: {  	s17 =	sadd.s32 s8, s16;
	[smem:$0x7CB] =	sst s0  }
0x2f: {  	s18 =	sadd.s32 $0x61A8, s5;
	s0 =	sadd.s32 s9, s19;
	[smem:$0x7DC] =	sst s17  }
0x30: {  	s19 =	sadd.s32 s8, s18;
	[smem:$0x7CD] =	sst s0  }
0x31: {  	s20 =	sadd.s32 $0x6590, s5;
	s0 =	sadd.s32 s9, s21;
	[smem:$0x7DE] =	sst s19  }
0x32: {  	s21 =	sadd.s32 s8, s20;
	[smem:$0x7CF] =	sst s0  }
0x33: {  	s22 =	sadd.s32 $0x6978, s5;
	s0 =	sadd.s32 s9, s23;
	[smem:$0x7E0] =	sst s21  }
0x34: {  	s23 =	sadd.s32 s8, s22;
	[smem:$0x7D1] =	sst s0  }
0x35: {  	s24 =	sadd.s32 $0x6D60, s5;
	s0 =	sadd.s32 s9, s25;
	[smem:$0x7E2] =	sst s23  }
0x36: {  	s25 =	sadd.s32 s8, s24;
	[smem:$0x7D3] =	sst s0  }
0x37: {  	s26 =	sadd.s32 $0x7148, s5;
	s0 =	sadd.s32 s9, s2;
	[smem:$0x7E4] =	sst s25  }
0x38: {  	s11 =	sadd.s32 $0x400, s11;
	s2 =	sadd.s32 s8, s26;
	[smem:$0x7D5] =	sst s0  }
0x39: {  	s3 =	sadd.s32 $0x7530, s5;
	s0 =	sadd.s32 s9, s4;
	[smem:$0x7E6] =	sst s2  }
0x3a: {  	s12 =	smax.u32 s12, $0x1;
	s4 =	sadd.s32 s8, s3;
	[smem:$0x7D7] =	sst s0  }
0x3b: {  	s7 =	sadd.s32 $0x7918, s5;
	s0 =	sadd.s32 s9, s10;
	[smem:$0x7E8] =	sst s4  }
0x3c: {  	s13 =	sadd.s32 $0x7D00, s5;
	s10 =	sadd.s32 s8, s7;
	[smem:$0x7D9] =	sst s0  }
0x3d: {  	s15 =	sadd.s32 $0x80E8, s5;
	s0 =	sadd.s32 s9, s14;
	[smem:$0x7EA] =	sst s10  }
0x3e: {  	s17 =	sadd.s32 $0x84D0, s5;
	s14 =	sadd.s32 s8, s13;
	[smem:$0x7DB] =	sst s0  }
0x3f: {  	s19 =	sadd.s32 $0x88B8, s5;
	s0 =	sadd.s32 s9, s16;
	[smem:$0x7EC] =	sst s14  }
0x40: {  	s21 =	sadd.s32 $0x8CA0, s5;
	s16 =	sadd.s32 s8, s15;
	[smem:$0x7DD] =	sst s0  }
0x41: {  	s23 =	sadd.s32 $0x9088, s5;
	s0 =	sadd.s32 s9, s18;
	[smem:$0x7EE] =	sst s16  }
0x42: {  	s25 =	sadd.s32 $0x9470, s5;
	s18 =	sadd.s32 s8, s17;
	[smem:$0x7DF] =	sst s0  }
0x43: {  	s2 =	sadd.s32 $0x9858, s5;
	s0 =	sadd.s32 s9, s20;
	[smem:$0x7F0] =	sst s18  }
0x44: {  	s4 =	sadd.s32 $0x9C40, s5;
	s20 =	sadd.s32 s8, s19;
	[smem:$0x7E1] =	sst s0  }
0x45: {  	s10 =	sadd.s32 $0xA028, s5;
	s0 =	sadd.s32 s9, s22;
	[smem:$0x7F2] =	sst s20  }
0x46: {  	s14 =	sadd.s32 $0xA7F8, s5;
	s22 =	sadd.s32 s8, s21;
	[smem:$0x7E3] =	sst s0  }
0x47: {  	s16 =	sadd.s32 $0xAFC8, s5;
	s0 =	sadd.s32 s9, s24;
	[smem:$0x7F4] =	sst s22  }
0x48: {  	s29 =	sadd.s32 s8, s16;
	s24 =	sadd.s32 s8, s23;
	[smem:$0x7E5] =	sst s0  }
0x49: {  	s30 =	sadd.s32 s9, s16;
	s0 =	sadd.s32 s9, s26;
	[smem:$0x7F6] =	sst s24  }
0x4a: {  	s18 =	sadd.s32 $0xB798, s5;
	s26 =	sadd.s32 s8, s25;
	[smem:$0x7E7] =	sst s0  }
0x4b: {  	s16 =	simm.s32 $0x1F40;
	s0 =	sadd.s32 s9, s3;
	[smem:$0x7F8] =	sst s26  }
0x4c: {  	s20 =	sadd.s32 s8, s10;
	s3 =	sadd.s32 s8, s2;
	[smem:$0x7E9] =	sst s0  }
0x4d: {  	s1 =	sadd.s32 s8, s18;
	s0 =	sadd.s32 s9, s7;
	[smem:$0x7FA] =	sst s3  }
0x4e: {  	s24 =	sadd.s32 s8, s14;
	s7 =	sadd.s32 s8, s4;
	[smem:$0x7EB] =	sst s0  }
0x4f: {  	s3 =	sadd.s32 s8, s5;
	s0 =	sadd.s32 s9, s13;
	[smem:$0x7FC] =	sst s7  }
0x50: {  	s13 =	sadd.s32 $0xA410, s5;
	s7 =	sadd.s32 $0xBB80, s5;
	[smem:$0x7ED] =	sst s0  }
0x51: {  	s0 =	sadd.s32 s9, s15;
	s22 =	sadd.s32 s8, s13;
	s15 =	sadd.s32 $0xABE0, s5  }
0x52: {  	[smem:$0x7EF] =	sst s0;
	s0 =	sadd.s32 s9, s17;
	s26 =	sadd.s32 s8, s15  }
0x53: {  	s28 =	sadd.s32 s9, s15;
	s17 =	sadd.s32 $0xB3B0, s5;
	s15 =	simm.s32 $0x1F80  }
0x54: {  	[smem:$0x7F1] =	sst s0;
	s0 =	sadd.s32 s9, s19;
	s31 =	sadd.s32 s8, s17  }
0x55: {  	[smem:$0x7F3] =	sst s0;
	s0 =	sadd.s32 s9, s21;
	s21 =	sadd.s32 s9, s10  }
0x56: {  	s10 =	sadd.s32 $0xBF68, s5;
	[smem:$0x7F5] =	sst s0;
	s0 =	sadd.s32 s9, s23  }
0x57: {  	s23 =	sadd.s32 s9, s13;
	s13 =	smul.u32 $0x61C0, s6;
	s6 =	sadd.s32 s8, s7  }
0x58: {  	s7 =	sadd.s32 s9, s7;
	s8 =	sadd.s32 s8, s10;
	[smem:$0x7F7] =	sst s0  }
0x59: {  	s0 =	sadd.s32 s9, s25;
	s25 =	sadd.s32 s9, s14;
	s14 =	simm.s32 $0x1  }
0x5a: {  	[smem:$0x7F9] =	sst s0;
	s0 =	sadd.s32 s9, s2;
	s2 =	sadd.s32 s9, s18  }
0x5b: {  	s19 =	sshrl.u32 s13, $0x2;
	s13 =	simm.s32 $0x3F00;
	[smem:$0x7FB] =	sst s0  }
0x5c: {  	s0 =	sadd.s32 s9, s4;
	s4 =	sadd.s32 s9, s5;
	s5 =	rddreg [dreg:$0x3]  }
0x5d: {  	[smem:$0x7FD] =	sst s0;
	s0 =	sadd.s32 s9, s17;
	s9 =	sadd.s32 s9, s10  }
0x5e: {  	v0 =	vimm.f32 $0.0e+00;
	s10 =	sadd.s32 s19, s5;
	s17 =	simm.s32 $0x0;
	_ =	strace $0x80000047  }
.LBB2_1:
0x5f: {  	s18 =	simm.s32 $0x40;
	s19 =	simm.s32 $0x0  }
.LBB2_2:
0x60: {  	p0 =	sne.s32 s18, $0x6180;
	[tilespmem:s19+$0x3F00] =	vst v0;
	s19 =	smov.u32 s18;
	s18 =	sadd.s32 $0x40, s18  }
.Ltmp0:
0x61: {  	(pc) =	sbr.rel @p0 .LBB2_2-.Ltmp0, $2  }
0x62: {  	_ =	sdelay $0x2  }
0x63: {  	s19 =	sshra.s32 s19, $0x2  }
0x64: {  	[tilespmem:s19+$0x3F00] =	vst v0  }
0x65: {  	[spmem:s10] =	stream.linear.scatter [tilespmem:s13], [sflag:$0x1], $0x1870, $0x38;
	[tilespmem:$0x7070] =	vst v63  }
0x66: {  	_ =	swait.ge [sflag:s14], $0x1870  }
0x67: {  	[sflag:s14] =	ssyncset.done $0x0  }
0x68: {  	[sflag:s14] =	ssyncadd.s32 $0xFFFFE790  }
0x69: {  	s18 =	simm.s32 $0x0;
	[bflag:$0x0] =	sbarrier.arrive $0xFFFF  }
0x6a: {  	[tilespmem:s18], [sflag:$0x1] =	stream.linear.gather [hbm4b:s3+s18], $0x1F40, $0x38;
	[tilespmem:$0x7070] =	vst v63  }
0x6b: {  	_ =	swait.ge [sflag:s14], $0x1F40  }
0x6c: {  	[sflag:s14] =	ssyncset.done $0x0  }
0x6d: {  	[sflag:s14] =	ssyncadd.s32 $0xFFFFE0C0  }
0x6e: {  	[tilespmem:s15], [sflag:$0x1] =	stream.linear.gather [hbm4b:s4+s18], $0x1F40, $0x38;
	[tilespmem:$0x7070] =	vst v63  }
0x6f: {  	_ =	swait.ge [sflag:s14], $0x1F40  }
0x70: {  	[sflag:s14] =	ssyncset.done $0x0  }
0x71: {  	[sflag:s14] =	ssyncadd.s32 $0xFFFFE0C0  }
0x72: {  	[spmem:s5] =	stream.indirect.scatter.add.f32 [tilespmem:s15], [sflag:$0x1], $0x1, s18, s16, $0xb8;
	[tilespmem:$0x7070] =	vst v63  }
0x73: {  	_ =	swait.ge [sflag:s14], $0x1F40  }
0x74: {  	[sflag:s14] =	ssyncset.done $0x0  }
0x75: {  	s19 =	rddreg [dreg:$0x5];
	[sflag:s14] =	ssyncadd.s32 $0xFFFFE0C0  }
0x76: {  	[tilespmem:s18], [sflag:$0x1] =	stream.linear.gather [hbm4b:s19+s18], $0x1F40, $0x38;
	[tilespmem:$0x7070] =	vst v63  }
0x77: {  	_ =	swait.ge [sflag:s14], $0x1F40  }
0x78: {  	[sflag:s14] =	ssyncset.done $0x0  }
0x79: {  	s19 =	rddreg [dreg:$0x6];
	[sflag:s14] =	ssyncadd.s32 $0xFFFFE0C0  }
0x7a: {  	[tilespmem:s15], [sflag:$0x1] =	stream.linear.gather [hbm4b:s19+s18], $0x1F40, $0x38;
	[tilespmem:$0x7070] =	vst v63  }
0x7b: {  	_ =	swait.ge [sflag:s14], $0x1F40  }
0x7c: {  	[sflag:s14] =	ssyncset.done $0x0  }
0x7d: {  	[sflag:s14] =	ssyncadd.s32 $0xFFFFE0C0  }
0x7e: {  	[spmem:s5] =	stream.indirect.scatter.add.f32 [tilespmem:s15], [sflag:$0x1], $0x1, s18, s16, $0xb8;
	[tilespmem:$0x7070] =	vst v63  }
0x7f: {  	_ =	swait.ge [sflag:s14], $0x1F40  }
0x80: {  	[sflag:s14] =	ssyncset.done $0x0  }
0x81: {  	s19 =	rddreg [dreg:$0x7];
	[sflag:s14] =	ssyncadd.s32 $0xFFFFE0C0  }
0x82: {  	[tilespmem:s18], [sflag:$0x1] =	stream.linear.gather [hbm4b:s19+s18], $0x1F40, $0x38;
	[tilespmem:$0x7070] =	vst v63  }
0x83: {  	_ =	swait.ge [sflag:s14], $0x1F40  }
0x84: {  	[sflag:s14] =	ssyncset.done $0x0  }
0x85: {  	s19 =	rddreg [dreg:$0x8];
	[sflag:s14] =	ssyncadd.s32 $0xFFFFE0C0  }
0x86: {  	[tilespmem:s15], [sflag:$0x1] =	stream.linear.gather [hbm4b:s19+s18], $0x1F40, $0x38;
	[tilespmem:$0x7070] =	vst v63  }
0x87: {  	_ =	swait.ge [sflag:s14], $0x1F40  }
0x88: {  	[sflag:s14] =	ssyncset.done $0x0  }
0x89: {  	[sflag:s14] =	ssyncadd.s32 $0xFFFFE0C0  }
0x8a: {  	[spmem:s5] =	stream.indirect.scatter.add.f32 [tilespmem:s15], [sflag:$0x1], $0x1, s18, s16, $0xb8;
	[tilespmem:$0x7070] =	vst v63  }
0x8b: {  	_ =	swait.ge [sflag:s14], $0x1F40  }
0x8c: {  	[sflag:s14] =	ssyncset.done $0x0  }
0x8d: {  	s19 =	rddreg [dreg:$0x9];
	[sflag:s14] =	ssyncadd.s32 $0xFFFFE0C0  }
0x8e: {  	[tilespmem:s18], [sflag:$0x1] =	stream.linear.gather [hbm4b:s19+s18], $0x1F40, $0x38;
	[tilespmem:$0x7070] =	vst v63  }
0x8f: {  	_ =	swait.ge [sflag:s14], $0x1F40  }
0x90: {  	[sflag:s14] =	ssyncset.done $0x0  }
0x91: {  	[sflag:s14] =	ssyncadd.s32 $0xFFFFE0C0  }
0x92: {  	s19 =	rddreg [dreg:$0xa]  }
0x93: {  	[tilespmem:s15], [sflag:$0x1] =	stream.linear.gather [hbm4b:s19+s18], $0x1F40, $0x38;
	[tilespmem:$0x7070] =	vst v63  }
0x94: {  	_ =	swait.ge [sflag:s14], $0x1F40  }
0x95: {  	[sflag:s14] =	ssyncset.done $0x0  }
0x96: {  	[sflag:s14] =	ssyncadd.s32 $0xFFFFE0C0  }
0x97: {  	[spmem:s5] =	stream.indirect.scatter.add.f32 [tilespmem:s15], [sflag:$0x1], $0x1, s18, s16, $0xb8;
	[tilespmem:$0x7070] =	vst v63  }
0x98: {  	_ =	swait.ge [sflag:s14], $0x1F40  }
0x99: {  	[sflag:s14] =	ssyncset.done $0x0  }
0x9a: {  	s19 =	rddreg [dreg:$0xb];
	[sflag:s14] =	ssyncadd.s32 $0xFFFFE0C0  }
0x9b: {  	[tilespmem:s18], [sflag:$0x1] =	stream.linear.gather [hbm4b:s19+s18], $0x1F40, $0x38;
	[tilespmem:$0x7070] =	vst v63  }
0x9c: {  	_ =	swait.ge [sflag:s14], $0x1F40  }
0x9d: {  	[sflag:s14] =	ssyncset.done $0x0  }
0x9e: {  	s19 =	rddreg [dreg:$0xc];
	[sflag:s14] =	ssyncadd.s32 $0xFFFFE0C0  }
0x9f: {  	[tilespmem:s15], [sflag:$0x1] =	stream.linear.gather [hbm4b:s19+s18], $0x1F40, $0x38;
	[tilespmem:$0x7070] =	vst v63  }
0xa0: {  	_ =	swait.ge [sflag:s14], $0x1F40  }
0xa1: {  	[sflag:s14] =	ssyncset.done $0x0  }
0xa2: {  	[sflag:s14] =	ssyncadd.s32 $0xFFFFE0C0  }
0xa3: {  	[spmem:s5] =	stream.indirect.scatter.add.f32 [tilespmem:s15], [sflag:$0x1], $0x1, s18, s16, $0xb8;
	[tilespmem:$0x7070] =	vst v63  }
0xa4: {  	_ =	swait.ge [sflag:s14], $0x1F40  }
0xa5: {  	[sflag:s14] =	ssyncset.done $0x0  }
0xa6: {  	s19 =	rddreg [dreg:$0xd];
	[sflag:s14] =	ssyncadd.s32 $0xFFFFE0C0  }
0xa7: {  	[tilespmem:s18], [sflag:$0x1] =	stream.linear.gather [hbm4b:s19+s18], $0x1F40, $0x38;
	[tilespmem:$0x7070] =	vst v63  }
0xa8: {  	_ =	swait.ge [sflag:s14], $0x1F40  }
0xa9: {  	[sflag:s14] =	ssyncset.done $0x0  }
0xaa: {  	s19 =	rddreg [dreg:$0xe];
	[sflag:s14] =	ssyncadd.s32 $0xFFFFE0C0  }
0xab: {  	[tilespmem:s15], [sflag:$0x1] =	stream.linear.gather [hbm4b:s19+s18], $0x1F40, $0x38;
	[tilespmem:$0x7070] =	vst v63  }
0xac: {  	_ =	swait.ge [sflag:s14], $0x1F40  }
0xad: {  	[sflag:s14] =	ssyncset.done $0x0  }
0xae: {  	[sflag:s14] =	ssyncadd.s32 $0xFFFFE0C0  }
0xaf: {  	[spmem:s5] =	stream.indirect.scatter.add.f32 [tilespmem:s15], [sflag:$0x1], $0x1, s18, s16, $0xb8;
	[tilespmem:$0x7070] =	vst v63  }
0xb0: {  	_ =	swait.ge [sflag:s14], $0x1F40  }
0xb1: {  	[sflag:s14] =	ssyncset.done $0x0  }
0xb2: {  	s19 =	rddreg [dreg:$0xf];
	[sflag:s14] =	ssyncadd.s32 $0xFFFFE0C0  }
0xb3: {  	[tilespmem:s18], [sflag:$0x1] =	stream.linear.gather [hbm4b:s19+s18], $0x1F40, $0x38;
	[tilespmem:$0x7070] =	vst v63  }
0xb4: {  	_ =	swait.ge [sflag:s14], $0x1F40  }
0xb5: {  	[sflag:s14] =	ssyncset.done $0x0  }
0xb6: {  	s19 =	rddreg [dreg:$0x10];
	[sflag:s14] =	ssyncadd.s32 $0xFFFFE0C0  }
0xb7: {  	[tilespmem:s15], [sflag:$0x1] =	stream.linear.gather [hbm4b:s19+s18], $0x1F40, $0x38;
	[tilespmem:$0x7070] =	vst v63  }
0xb8: {  	_ =	swait.ge [sflag:s14], $0x1F40  }
0xb9: {  	[sflag:s14] =	ssyncset.done $0x0  }
0xba: {  	[sflag:s14] =	ssyncadd.s32 $0xFFFFE0C0  }
0xbb: {  	[spmem:s5] =	stream.indirect.scatter.add.f32 [tilespmem:s15], [sflag:$0x1], $0x1, s18, s16, $0xb8;
	[tilespmem:$0x7070] =	vst v63  }
0xbc: {  	_ =	swait.ge [sflag:s14], $0x1F40  }
0xbd: {  	[sflag:s14] =	ssyncset.done $0x0  }
0xbe: {  	s19 =	rddreg [dreg:$0x11];
	[sflag:s14] =	ssyncadd.s32 $0xFFFFE0C0  }
0xbf: {  	[tilespmem:s18], [sflag:$0x1] =	stream.linear.gather [hbm4b:s19+s18], $0x1F40, $0x38;
	[tilespmem:$0x7070] =	vst v63  }
0xc0: {  	_ =	swait.ge [sflag:s14], $0x1F40  }
0xc1: {  	[sflag:s14] =	ssyncset.done $0x0  }
0xc2: {  	s19 =	rddreg [dreg:$0x12];
	[sflag:s14] =	ssyncadd.s32 $0xFFFFE0C0  }
0xc3: {  	[tilespmem:s15], [sflag:$0x1] =	stream.linear.gather [hbm4b:s19+s18], $0x1F40, $0x38;
	[tilespmem:$0x7070] =	vst v63  }
0xc4: {  	_ =	swait.ge [sflag:s14], $0x1F40  }
0xc5: {  	[sflag:s14] =	ssyncset.done $0x0  }
0xc6: {  	[sflag:s14] =	ssyncadd.s32 $0xFFFFE0C0  }
0xc7: {  	[spmem:s5] =	stream.indirect.scatter.add.f32 [tilespmem:s15], [sflag:$0x1], $0x1, s18, s16, $0xb8;
	[tilespmem:$0x7070] =	vst v63  }
0xc8: {  	_ =	swait.ge [sflag:s14], $0x1F40  }
0xc9: {  	[sflag:s14] =	ssyncset.done $0x0  }
0xca: {  	s19 =	rddreg [dreg:$0x13];
	[sflag:s14] =	ssyncadd.s32 $0xFFFFE0C0  }
0xcb: {  	[tilespmem:s18], [sflag:$0x1] =	stream.linear.gather [hbm4b:s19+s18], $0x1F40, $0x38;
	[tilespmem:$0x7070] =	vst v63  }
0xcc: {  	_ =	swait.ge [sflag:s14], $0x1F40  }
0xcd: {  	[sflag:s14] =	ssyncset.done $0x0  }
0xce: {  	s19 =	rddreg [dreg:$0x14];
	[sflag:s14] =	ssyncadd.s32 $0xFFFFE0C0  }
0xcf: {  	[tilespmem:s15], [sflag:$0x1] =	stream.linear.gather [hbm4b:s19+s18], $0x1F40, $0x38;
	[tilespmem:$0x7070] =	vst v63  }
0xd0: {  	_ =	swait.ge [sflag:s14], $0x1F40  }
0xd1: {  	[sflag:s14] =	ssyncset.done $0x0  }
0xd2: {  	[sflag:s14] =	ssyncadd.s32 $0xFFFFE0C0  }
0xd3: {  	[spmem:s5] =	stream.indirect.scatter.add.f32 [tilespmem:s15], [sflag:$0x1], $0x1, s18, s16, $0xb8;
	[tilespmem:$0x7070] =	vst v63  }
0xd4: {  	_ =	swait.ge [sflag:s14], $0x1F40  }
0xd5: {  	[sflag:s14] =	ssyncset.done $0x0  }
0xd6: {  	s19 =	rddreg [dreg:$0x15];
	[sflag:s14] =	ssyncadd.s32 $0xFFFFE0C0  }
0xd7: {  	[tilespmem:s18], [sflag:$0x1] =	stream.linear.gather [hbm4b:s19+s18], $0x1F40, $0x38;
	[tilespmem:$0x7070] =	vst v63  }
0xd8: {  	_ =	swait.ge [sflag:s14], $0x1F40  }
0xd9: {  	[sflag:s14] =	ssyncset.done $0x0  }
0xda: {  	s19 =	rddreg [dreg:$0x16];
	[sflag:s14] =	ssyncadd.s32 $0xFFFFE0C0  }
0xdb: {  	[tilespmem:s15], [sflag:$0x1] =	stream.linear.gather [hbm4b:s19+s18], $0x1F40, $0x38;
	[tilespmem:$0x7070] =	vst v63  }
0xdc: {  	_ =	swait.ge [sflag:s14], $0x1F40  }
0xdd: {  	[sflag:s14] =	ssyncset.done $0x0  }
0xde: {  	[sflag:s14] =	ssyncadd.s32 $0xFFFFE0C0  }
0xdf: {  	[spmem:s5] =	stream.indirect.scatter.add.f32 [tilespmem:s15], [sflag:$0x1], $0x1, s18, s16, $0xb8;
	[tilespmem:$0x7070] =	vst v63  }
0xe0: {  	_ =	swait.ge [sflag:s14], $0x1F40  }
0xe1: {  	[sflag:s14] =	ssyncset.done $0x0  }
0xe2: {  	s19 =	rddreg [dreg:$0x17];
	[sflag:s14] =	ssyncadd.s32 $0xFFFFE0C0  }
0xe3: {  	[tilespmem:s18], [sflag:$0x1] =	stream.linear.gather [hbm4b:s19+s18], $0x1F40, $0x38;
	[tilespmem:$0x7070] =	vst v63  }
0xe4: {  	_ =	swait.ge [sflag:s14], $0x1F40  }
0xe5: {  	[sflag:s14] =	ssyncset.done $0x0  }
0xe6: {  	s19 =	rddreg [dreg:$0x18];
	[sflag:s14] =	ssyncadd.s32 $0xFFFFE0C0  }
0xe7: {  	[tilespmem:s15], [sflag:$0x1] =	stream.linear.gather [hbm4b:s19+s18], $0x1F40, $0x38;
	[tilespmem:$0x7070] =	vst v63  }
0xe8: {  	_ =	swait.ge [sflag:s14], $0x1F40  }
0xe9: {  	[sflag:s14] =	ssyncset.done $0x0  }
0xea: {  	[sflag:s14] =	ssyncadd.s32 $0xFFFFE0C0  }
0xeb: {  	[spmem:s5] =	stream.indirect.scatter.add.f32 [tilespmem:s15], [sflag:$0x1], $0x1, s18, s16, $0xb8;
	[tilespmem:$0x7070] =	vst v63  }
0xec: {  	_ =	swait.ge [sflag:s14], $0x1F40  }
0xed: {  	[sflag:s14] =	ssyncset.done $0x0  }
0xee: {  	s19 =	rddreg [dreg:$0x19];
	[sflag:s14] =	ssyncadd.s32 $0xFFFFE0C0  }
0xef: {  	[tilespmem:s18], [sflag:$0x1] =	stream.linear.gather [hbm4b:s19+s18], $0x1F40, $0x38;
	[tilespmem:$0x7070] =	vst v63  }
0xf0: {  	_ =	swait.ge [sflag:s14], $0x1F40  }
0xf1: {  	[sflag:s14] =	ssyncset.done $0x0  }
0xf2: {  	s19 =	rddreg [dreg:$0x1a];
	[sflag:s14] =	ssyncadd.s32 $0xFFFFE0C0  }
0xf3: {  	[tilespmem:s15], [sflag:$0x1] =	stream.linear.gather [hbm4b:s19+s18], $0x1F40, $0x38;
	[tilespmem:$0x7070] =	vst v63  }
0xf4: {  	_ =	swait.ge [sflag:s14], $0x1F40  }
0xf5: {  	[sflag:s14] =	ssyncset.done $0x0  }
0xf6: {  	[sflag:s14] =	ssyncadd.s32 $0xFFFFE0C0  }
0xf7: {  	[spmem:s5] =	stream.indirect.scatter.add.f32 [tilespmem:s15], [sflag:$0x1], $0x1, s18, s16, $0xb8;
	[tilespmem:$0x7070] =	vst v63  }
0xf8: {  	_ =	swait.ge [sflag:s14], $0x1F40  }
0xf9: {  	[sflag:s14] =	ssyncset.done $0x0  }
0xfa: {  	s19 =	rddreg [dreg:$0x1b];
	[sflag:s14] =	ssyncadd.s32 $0xFFFFE0C0  }
0xfb: {  	[tilespmem:s18], [sflag:$0x1] =	stream.linear.gather [hbm4b:s19+s18], $0x1F40, $0x38;
	[tilespmem:$0x7070] =	vst v63  }
0xfc: {  	_ =	swait.ge [sflag:s14], $0x1F40  }
0xfd: {  	[sflag:s14] =	ssyncset.done $0x0  }
0xfe: {  	s19 =	rddreg [dreg:$0x1c];
	[sflag:s14] =	ssyncadd.s32 $0xFFFFE0C0  }
0xff: {  	[tilespmem:s15], [sflag:$0x1] =	stream.linear.gather [hbm4b:s19+s18], $0x1F40, $0x38;
	[tilespmem:$0x7070] =	vst v63  }
0x100: {  	_ =	swait.ge [sflag:s14], $0x1F40  }
0x101: {  	[sflag:s14] =	ssyncset.done $0x0  }
0x102: {  	[sflag:s14] =	ssyncadd.s32 $0xFFFFE0C0  }
0x103: {  	[spmem:s5] =	stream.indirect.scatter.add.f32 [tilespmem:s15], [sflag:$0x1], $0x1, s18, s16, $0xb8;
	[tilespmem:$0x7070] =	vst v63  }
0x104: {  	_ =	swait.ge [sflag:s14], $0x1F40  }
0x105: {  	[sflag:s14] =	ssyncset.done $0x0  }
0x106: {  	s19 =	rddreg [dreg:$0x1d];
	[sflag:s14] =	ssyncadd.s32 $0xFFFFE0C0  }
0x107: {  	[tilespmem:s18], [sflag:$0x1] =	stream.linear.gather [hbm4b:s19+s18], $0x1F40, $0x38;
	[tilespmem:$0x7070] =	vst v63  }
0x108: {  	_ =	swait.ge [sflag:s14], $0x1F40  }
0x109: {  	[sflag:s14] =	ssyncset.done $0x0  }
0x10a: {  	s19 =	rddreg [dreg:$0x1e];
	[sflag:s14] =	ssyncadd.s32 $0xFFFFE0C0  }
0x10b: {  	[tilespmem:s15], [sflag:$0x1] =	stream.linear.gather [hbm4b:s19+s18], $0x1F40, $0x38;
	[tilespmem:$0x7070] =	vst v63  }
0x10c: {  	_ =	swait.ge [sflag:s14], $0x1F40  }
0x10d: {  	[sflag:s14] =	ssyncset.done $0x0  }
0x10e: {  	[sflag:s14] =	ssyncadd.s32 $0xFFFFE0C0  }
0x10f: {  	[spmem:s5] =	stream.indirect.scatter.add.f32 [tilespmem:s15], [sflag:$0x1], $0x1, s18, s16, $0xb8;
	[tilespmem:$0x7070] =	vst v63  }
0x110: {  	_ =	swait.ge [sflag:s14], $0x1F40  }
0x111: {  	[sflag:s14] =	ssyncset.done $0x0  }
0x112: {  	s19 =	rddreg [dreg:$0x1f];
	[sflag:s14] =	ssyncadd.s32 $0xFFFFE0C0  }
0x113: {  	[tilespmem:s18], [sflag:$0x1] =	stream.linear.gather [hbm4b:s19+s18], $0x1F40, $0x38;
	[tilespmem:$0x7070] =	vst v63  }
0x114: {  	_ =	swait.ge [sflag:s14], $0x1F40  }
0x115: {  	s19 =	sld [smem:$0x7C9]  }
0x116: {  	[sflag:s14] =	ssyncset.done $0x0  }
0x117: {  	[sflag:s14] =	ssyncadd.s32 $0xFFFFE0C0  }
0x118: {  	[tilespmem:s15], [sflag:$0x1] =	stream.linear.gather [hbm4b:s19+s18], $0x1F40, $0x38;
	[tilespmem:$0x7070] =	vst v63  }
0x119: {  	_ =	swait.ge [sflag:s14], $0x1F40  }
0x11a: {  	[sflag:s14] =	ssyncset.done $0x0  }
0x11b: {  	[sflag:s14] =	ssyncadd.s32 $0xFFFFE0C0  }
0x11c: {  	[spmem:s5] =	stream.indirect.scatter.add.f32 [tilespmem:s15], [sflag:$0x1], $0x1, s18, s16, $0xb8;
	[tilespmem:$0x7070] =	vst v63  }
0x11d: {  	_ =	swait.ge [sflag:s14], $0x1F40  }
0x11e: {  	s19 =	sld [smem:$0x7CA]  }
0x11f: {  	[sflag:s14] =	ssyncset.done $0x0  }
0x120: {  	[sflag:s14] =	ssyncadd.s32 $0xFFFFE0C0  }
0x121: {  	[tilespmem:s18], [sflag:$0x1] =	stream.linear.gather [hbm4b:s19+s18], $0x1F40, $0x38;
	[tilespmem:$0x7070] =	vst v63  }
0x122: {  	_ =	swait.ge [sflag:s14], $0x1F40  }
0x123: {  	s19 =	sld [smem:$0x7CB]  }
0x124: {  	[sflag:s14] =	ssyncset.done $0x0  }
0x125: {  	[sflag:s14] =	ssyncadd.s32 $0xFFFFE0C0  }
0x126: {  	[tilespmem:s15], [sflag:$0x1] =	stream.linear.gather [hbm4b:s19+s18], $0x1F40, $0x38;
	[tilespmem:$0x7070] =	vst v63  }
0x127: {  	_ =	swait.ge [sflag:s14], $0x1F40  }
0x128: {  	[sflag:s14] =	ssyncset.done $0x0  }
0x129: {  	[sflag:s14] =	ssyncadd.s32 $0xFFFFE0C0  }
0x12a: {  	[spmem:s5] =	stream.indirect.scatter.add.f32 [tilespmem:s15], [sflag:$0x1], $0x1, s18, s16, $0xb8;
	[tilespmem:$0x7070] =	vst v63  }
0x12b: {  	_ =	swait.ge [sflag:s14], $0x1F40  }
0x12c: {  	s19 =	sld [smem:$0x7CC]  }
0x12d: {  	[sflag:s14] =	ssyncset.done $0x0  }
0x12e: {  	[sflag:s14] =	ssyncadd.s32 $0xFFFFE0C0  }
0x12f: {  	[tilespmem:s18], [sflag:$0x1] =	stream.linear.gather [hbm4b:s19+s18], $0x1F40, $0x38;
	[tilespmem:$0x7070] =	vst v63  }
0x130: {  	_ =	swait.ge [sflag:s14], $0x1F40  }
0x131: {  	s19 =	sld [smem:$0x7CD]  }
0x132: {  	[sflag:s14] =	ssyncset.done $0x0  }
0x133: {  	[sflag:s14] =	ssyncadd.s32 $0xFFFFE0C0  }
0x134: {  	[tilespmem:s15], [sflag:$0x1] =	stream.linear.gather [hbm4b:s19+s18], $0x1F40, $0x38;
	[tilespmem:$0x7070] =	vst v63  }
0x135: {  	_ =	swait.ge [sflag:s14], $0x1F40  }
0x136: {  	[sflag:s14] =	ssyncset.done $0x0  }
0x137: {  	[sflag:s14] =	ssyncadd.s32 $0xFFFFE0C0  }
0x138: {  	[spmem:s5] =	stream.indirect.scatter.add.f32 [tilespmem:s15], [sflag:$0x1], $0x1, s18, s16, $0xb8;
	[tilespmem:$0x7070] =	vst v63  }
0x139: {  	_ =	swait.ge [sflag:s14], $0x1F40  }
0x13a: {  	s19 =	sld [smem:$0x7CE]  }
0x13b: {  	[sflag:s14] =	ssyncset.done $0x0  }
0x13c: {  	[sflag:s14] =	ssyncadd.s32 $0xFFFFE0C0  }
0x13d: {  	[tilespmem:s18], [sflag:$0x1] =	stream.linear.gather [hbm4b:s19+s18], $0x1F40, $0x38;
	[tilespmem:$0x7070] =	vst v63  }
0x13e: {  	_ =	swait.ge [sflag:s14], $0x1F40  }
0x13f: {  	s19 =	sld [smem:$0x7CF]  }
0x140: {  	[sflag:s14] =	ssyncset.done $0x0  }
0x141: {  	[sflag:s14] =	ssyncadd.s32 $0xFFFFE0C0  }
0x142: {  	[tilespmem:s15], [sflag:$0x1] =	stream.linear.gather [hbm4b:s19+s18], $0x1F40, $0x38;
	[tilespmem:$0x7070] =	vst v63  }
0x143: {  	_ =	swait.ge [sflag:s14], $0x1F40  }
0x144: {  	[sflag:s14] =	ssyncset.done $0x0  }
0x145: {  	[sflag:s14] =	ssyncadd.s32 $0xFFFFE0C0  }
0x146: {  	[spmem:s5] =	stream.indirect.scatter.add.f32 [tilespmem:s15], [sflag:$0x1], $0x1, s18, s16, $0xb8;
	[tilespmem:$0x7070] =	vst v63  }
0x147: {  	_ =	swait.ge [sflag:s14], $0x1F40  }
0x148: {  	s19 =	sld [smem:$0x7D0]  }
0x149: {  	[sflag:s14] =	ssyncset.done $0x0  }
0x14a: {  	[sflag:s14] =	ssyncadd.s32 $0xFFFFE0C0  }
0x14b: {  	[tilespmem:s18], [sflag:$0x1] =	stream.linear.gather [hbm4b:s19+s18], $0x1F40, $0x38;
	[tilespmem:$0x7070] =	vst v63  }
0x14c: {  	_ =	swait.ge [sflag:s14], $0x1F40  }
0x14d: {  	s19 =	sld [smem:$0x7D1]  }
0x14e: {  	[sflag:s14] =	ssyncset.done $0x0  }
0x14f: {  	[sflag:s14] =	ssyncadd.s32 $0xFFFFE0C0  }
0x150: {  	[tilespmem:s15], [sflag:$0x1] =	stream.linear.gather [hbm4b:s19+s18], $0x1F40, $0x38;
	[tilespmem:$0x7070] =	vst v63  }
0x151: {  	_ =	swait.ge [sflag:s14], $0x1F40  }
0x152: {  	[sflag:s14] =	ssyncset.done $0x0  }
0x153: {  	[sflag:s14] =	ssyncadd.s32 $0xFFFFE0C0  }
0x154: {  	[spmem:s5] =	stream.indirect.scatter.add.f32 [tilespmem:s15], [sflag:$0x1], $0x1, s18, s16, $0xb8;
	[tilespmem:$0x7070] =	vst v63  }
0x155: {  	_ =	swait.ge [sflag:s14], $0x1F40  }
0x156: {  	s19 =	sld [smem:$0x7D2]  }
0x157: {  	[sflag:s14] =	ssyncset.done $0x0  }
0x158: {  	[sflag:s14] =	ssyncadd.s32 $0xFFFFE0C0  }
0x159: {  	[tilespmem:s18], [sflag:$0x1] =	stream.linear.gather [hbm4b:s19+s18], $0x1F40, $0x38;
	[tilespmem:$0x7070] =	vst v63  }
0x15a: {  	_ =	swait.ge [sflag:s14], $0x1F40  }
0x15b: {  	s19 =	sld [smem:$0x7D3]  }
0x15c: {  	[sflag:s14] =	ssyncset.done $0x0  }
0x15d: {  	[sflag:s14] =	ssyncadd.s32 $0xFFFFE0C0  }
0x15e: {  	[tilespmem:s15], [sflag:$0x1] =	stream.linear.gather [hbm4b:s19+s18], $0x1F40, $0x38;
	[tilespmem:$0x7070] =	vst v63  }
0x15f: {  	_ =	swait.ge [sflag:s14], $0x1F40  }
0x160: {  	[sflag:s14] =	ssyncset.done $0x0  }
0x161: {  	[sflag:s14] =	ssyncadd.s32 $0xFFFFE0C0  }
0x162: {  	[spmem:s5] =	stream.indirect.scatter.add.f32 [tilespmem:s15], [sflag:$0x1], $0x1, s18, s16, $0xb8;
	[tilespmem:$0x7070] =	vst v63  }
0x163: {  	_ =	swait.ge [sflag:s14], $0x1F40  }
0x164: {  	s19 =	sld [smem:$0x7D4]  }
0x165: {  	[sflag:s14] =	ssyncset.done $0x0  }
0x166: {  	[sflag:s14] =	ssyncadd.s32 $0xFFFFE0C0  }
0x167: {  	[tilespmem:s18], [sflag:$0x1] =	stream.linear.gather [hbm4b:s19+s18], $0x1F40, $0x38;
	[tilespmem:$0x7070] =	vst v63  }
0x168: {  	_ =	swait.ge [sflag:s14], $0x1F40  }
0x169: {  	s19 =	sld [smem:$0x7D5]  }
0x16a: {  	[sflag:s14] =	ssyncset.done $0x0  }
0x16b: {  	[sflag:s14] =	ssyncadd.s32 $0xFFFFE0C0  }
0x16c: {  	[tilespmem:s15], [sflag:$0x1] =	stream.linear.gather [hbm4b:s19+s18], $0x1F40, $0x38;
	[tilespmem:$0x7070] =	vst v63  }
0x16d: {  	_ =	swait.ge [sflag:s14], $0x1F40  }
0x16e: {  	[sflag:s14] =	ssyncset.done $0x0  }
0x16f: {  	[sflag:s14] =	ssyncadd.s32 $0xFFFFE0C0  }
0x170: {  	[spmem:s5] =	stream.indirect.scatter.add.f32 [tilespmem:s15], [sflag:$0x1], $0x1, s18, s16, $0xb8;
	[tilespmem:$0x7070] =	vst v63  }
0x171: {  	_ =	swait.ge [sflag:s14], $0x1F40  }
0x172: {  	s19 =	sld [smem:$0x7D6]  }
0x173: {  	[sflag:s14] =	ssyncset.done $0x0  }
0x174: {  	[sflag:s14] =	ssyncadd.s32 $0xFFFFE0C0  }
0x175: {  	[tilespmem:s18], [sflag:$0x1] =	stream.linear.gather [hbm4b:s19+s18], $0x1F40, $0x38;
	[tilespmem:$0x7070] =	vst v63  }
0x176: {  	_ =	swait.ge [sflag:s14], $0x1F40  }
0x177: {  	s19 =	sld [smem:$0x7D7]  }
0x178: {  	[sflag:s14] =	ssyncset.done $0x0  }
0x179: {  	[sflag:s14] =	ssyncadd.s32 $0xFFFFE0C0  }
0x17a: {  	[tilespmem:s15], [sflag:$0x1] =	stream.linear.gather [hbm4b:s19+s18], $0x1F40, $0x38;
	[tilespmem:$0x7070] =	vst v63  }
0x17b: {  	_ =	swait.ge [sflag:s14], $0x1F40  }
0x17c: {  	[sflag:s14] =	ssyncset.done $0x0  }
0x17d: {  	[sflag:s14] =	ssyncadd.s32 $0xFFFFE0C0  }
0x17e: {  	[spmem:s5] =	stream.indirect.scatter.add.f32 [tilespmem:s15], [sflag:$0x1], $0x1, s18, s16, $0xb8;
	[tilespmem:$0x7070] =	vst v63  }
0x17f: {  	_ =	swait.ge [sflag:s14], $0x1F40  }
0x180: {  	s19 =	sld [smem:$0x7D8]  }
0x181: {  	[sflag:s14] =	ssyncset.done $0x0  }
0x182: {  	[sflag:s14] =	ssyncadd.s32 $0xFFFFE0C0  }
0x183: {  	[tilespmem:s18], [sflag:$0x1] =	stream.linear.gather [hbm4b:s19+s18], $0x1F40, $0x38;
	[tilespmem:$0x7070] =	vst v63  }
0x184: {  	_ =	swait.ge [sflag:s14], $0x1F40  }
0x185: {  	s19 =	sld [smem:$0x7D9]  }
0x186: {  	[sflag:s14] =	ssyncset.done $0x0  }
0x187: {  	[sflag:s14] =	ssyncadd.s32 $0xFFFFE0C0  }
0x188: {  	[tilespmem:s15], [sflag:$0x1] =	stream.linear.gather [hbm4b:s19+s18], $0x1F40, $0x38;
	[tilespmem:$0x7070] =	vst v63  }
0x189: {  	_ =	swait.ge [sflag:s14], $0x1F40  }
0x18a: {  	[sflag:s14] =	ssyncset.done $0x0  }
0x18b: {  	[sflag:s14] =	ssyncadd.s32 $0xFFFFE0C0  }
0x18c: {  	[spmem:s5] =	stream.indirect.scatter.add.f32 [tilespmem:s15], [sflag:$0x1], $0x1, s18, s16, $0xb8;
	[tilespmem:$0x7070] =	vst v63  }
0x18d: {  	_ =	swait.ge [sflag:s14], $0x1F40  }
0x18e: {  	s19 =	sld [smem:$0x7DA]  }
0x18f: {  	[sflag:s14] =	ssyncset.done $0x0  }
0x190: {  	[sflag:s14] =	ssyncadd.s32 $0xFFFFE0C0  }
0x191: {  	[tilespmem:s18], [sflag:$0x1] =	stream.linear.gather [hbm4b:s19+s18], $0x1F40, $0x38;
	[tilespmem:$0x7070] =	vst v63  }
0x192: {  	_ =	swait.ge [sflag:s14], $0x1F40  }
0x193: {  	s19 =	sld [smem:$0x7DB]  }
0x194: {  	[sflag:s14] =	ssyncset.done $0x0  }
0x195: {  	[sflag:s14] =	ssyncadd.s32 $0xFFFFE0C0  }
0x196: {  	[tilespmem:s15], [sflag:$0x1] =	stream.linear.gather [hbm4b:s19+s18], $0x1F40, $0x38;
	[tilespmem:$0x7070] =	vst v63  }
0x197: {  	_ =	swait.ge [sflag:s14], $0x1F40  }
0x198: {  	[sflag:s14] =	ssyncset.done $0x0  }
0x199: {  	[sflag:s14] =	ssyncadd.s32 $0xFFFFE0C0  }
0x19a: {  	[spmem:s5] =	stream.indirect.scatter.add.f32 [tilespmem:s15], [sflag:$0x1], $0x1, s18, s16, $0xb8;
	[tilespmem:$0x7070] =	vst v63  }
0x19b: {  	_ =	swait.ge [sflag:s14], $0x1F40  }
0x19c: {  	s19 =	sld [smem:$0x7DC]  }
0x19d: {  	[sflag:s14] =	ssyncset.done $0x0  }
0x19e: {  	[sflag:s14] =	ssyncadd.s32 $0xFFFFE0C0  }
0x19f: {  	[tilespmem:s18], [sflag:$0x1] =	stream.linear.gather [hbm4b:s19+s18], $0x1F40, $0x38;
	[tilespmem:$0x7070] =	vst v63  }
0x1a0: {  	_ =	swait.ge [sflag:s14], $0x1F40  }
0x1a1: {  	s19 =	sld [smem:$0x7DD]  }
0x1a2: {  	[sflag:s14] =	ssyncset.done $0x0  }
0x1a3: {  	[sflag:s14] =	ssyncadd.s32 $0xFFFFE0C0  }
0x1a4: {  	[tilespmem:s15], [sflag:$0x1] =	stream.linear.gather [hbm4b:s19+s18], $0x1F40, $0x38;
	[tilespmem:$0x7070] =	vst v63  }
0x1a5: {  	_ =	swait.ge [sflag:s14], $0x1F40  }
0x1a6: {  	[sflag:s14] =	ssyncset.done $0x0  }
0x1a7: {  	[sflag:s14] =	ssyncadd.s32 $0xFFFFE0C0  }
0x1a8: {  	[spmem:s5] =	stream.indirect.scatter.add.f32 [tilespmem:s15], [sflag:$0x1], $0x1, s18, s16, $0xb8;
	[tilespmem:$0x7070] =	vst v63  }
0x1a9: {  	_ =	swait.ge [sflag:s14], $0x1F40  }
0x1aa: {  	s19 =	sld [smem:$0x7DE]  }
0x1ab: {  	[sflag:s14] =	ssyncset.done $0x0  }
0x1ac: {  	[sflag:s14] =	ssyncadd.s32 $0xFFFFE0C0  }
0x1ad: {  	[tilespmem:s18], [sflag:$0x1] =	stream.linear.gather [hbm4b:s19+s18], $0x1F40, $0x38;
	[tilespmem:$0x7070] =	vst v63  }
0x1ae: {  	_ =	swait.ge [sflag:s14], $0x1F40  }
0x1af: {  	s19 =	sld [smem:$0x7DF]  }
0x1b0: {  	[sflag:s14] =	ssyncset.done $0x0  }
0x1b1: {  	[sflag:s14] =	ssyncadd.s32 $0xFFFFE0C0  }
0x1b2: {  	[tilespmem:s15], [sflag:$0x1] =	stream.linear.gather [hbm4b:s19+s18], $0x1F40, $0x38;
	[tilespmem:$0x7070] =	vst v63  }
0x1b3: {  	_ =	swait.ge [sflag:s14], $0x1F40  }
0x1b4: {  	[sflag:s14] =	ssyncset.done $0x0  }
0x1b5: {  	[sflag:s14] =	ssyncadd.s32 $0xFFFFE0C0  }
0x1b6: {  	[spmem:s5] =	stream.indirect.scatter.add.f32 [tilespmem:s15], [sflag:$0x1], $0x1, s18, s16, $0xb8;
	[tilespmem:$0x7070] =	vst v63  }
0x1b7: {  	_ =	swait.ge [sflag:s14], $0x1F40  }
0x1b8: {  	s19 =	sld [smem:$0x7E0]  }
0x1b9: {  	[sflag:s14] =	ssyncset.done $0x0  }
0x1ba: {  	[sflag:s14] =	ssyncadd.s32 $0xFFFFE0C0  }
0x1bb: {  	[tilespmem:s18], [sflag:$0x1] =	stream.linear.gather [hbm4b:s19+s18], $0x1F40, $0x38;
	[tilespmem:$0x7070] =	vst v63  }
0x1bc: {  	_ =	swait.ge [sflag:s14], $0x1F40  }
0x1bd: {  	s19 =	sld [smem:$0x7E1]  }
0x1be: {  	[sflag:s14] =	ssyncset.done $0x0  }
0x1bf: {  	[sflag:s14] =	ssyncadd.s32 $0xFFFFE0C0  }
0x1c0: {  	[tilespmem:s15], [sflag:$0x1] =	stream.linear.gather [hbm4b:s19+s18], $0x1F40, $0x38;
	[tilespmem:$0x7070] =	vst v63  }
0x1c1: {  	_ =	swait.ge [sflag:s14], $0x1F40  }
0x1c2: {  	[sflag:s14] =	ssyncset.done $0x0  }
0x1c3: {  	[sflag:s14] =	ssyncadd.s32 $0xFFFFE0C0  }
0x1c4: {  	[spmem:s5] =	stream.indirect.scatter.add.f32 [tilespmem:s15], [sflag:$0x1], $0x1, s18, s16, $0xb8;
	[tilespmem:$0x7070] =	vst v63  }
0x1c5: {  	_ =	swait.ge [sflag:s14], $0x1F40  }
0x1c6: {  	s19 =	sld [smem:$0x7E2]  }
0x1c7: {  	[sflag:s14] =	ssyncset.done $0x0  }
0x1c8: {  	[sflag:s14] =	ssyncadd.s32 $0xFFFFE0C0  }
0x1c9: {  	[tilespmem:s18], [sflag:$0x1] =	stream.linear.gather [hbm4b:s19+s18], $0x1F40, $0x38;
	[tilespmem:$0x7070] =	vst v63  }
0x1ca: {  	_ =	swait.ge [sflag:s14], $0x1F40  }
0x1cb: {  	s19 =	sld [smem:$0x7E3]  }
0x1cc: {  	[sflag:s14] =	ssyncset.done $0x0  }
0x1cd: {  	[sflag:s14] =	ssyncadd.s32 $0xFFFFE0C0  }
0x1ce: {  	[tilespmem:s15], [sflag:$0x1] =	stream.linear.gather [hbm4b:s19+s18], $0x1F40, $0x38;
	[tilespmem:$0x7070] =	vst v63  }
0x1cf: {  	_ =	swait.ge [sflag:s14], $0x1F40  }
0x1d0: {  	[sflag:s14] =	ssyncset.done $0x0  }
0x1d1: {  	[sflag:s14] =	ssyncadd.s32 $0xFFFFE0C0  }
0x1d2: {  	[spmem:s5] =	stream.indirect.scatter.add.f32 [tilespmem:s15], [sflag:$0x1], $0x1, s18, s16, $0xb8;
	[tilespmem:$0x7070] =	vst v63  }
0x1d3: {  	_ =	swait.ge [sflag:s14], $0x1F40  }
0x1d4: {  	s19 =	sld [smem:$0x7E4]  }
0x1d5: {  	[sflag:s14] =	ssyncset.done $0x0  }
0x1d6: {  	[sflag:s14] =	ssyncadd.s32 $0xFFFFE0C0  }
0x1d7: {  	[tilespmem:s18], [sflag:$0x1] =	stream.linear.gather [hbm4b:s19+s18], $0x1F40, $0x38;
	[tilespmem:$0x7070] =	vst v63  }
0x1d8: {  	_ =	swait.ge [sflag:s14], $0x1F40  }
0x1d9: {  	s19 =	sld [smem:$0x7E5]  }
0x1da: {  	[sflag:s14] =	ssyncset.done $0x0  }
0x1db: {  	[sflag:s14] =	ssyncadd.s32 $0xFFFFE0C0  }
0x1dc: {  	[tilespmem:s15], [sflag:$0x1] =	stream.linear.gather [hbm4b:s19+s18], $0x1F40, $0x38;
	[tilespmem:$0x7070] =	vst v63  }
0x1dd: {  	_ =	swait.ge [sflag:s14], $0x1F40  }
0x1de: {  	[sflag:s14] =	ssyncset.done $0x0  }
0x1df: {  	[sflag:s14] =	ssyncadd.s32 $0xFFFFE0C0  }
0x1e0: {  	[spmem:s5] =	stream.indirect.scatter.add.f32 [tilespmem:s15], [sflag:$0x1], $0x1, s18, s16, $0xb8;
	[tilespmem:$0x7070] =	vst v63  }
0x1e1: {  	_ =	swait.ge [sflag:s14], $0x1F40  }
0x1e2: {  	s19 =	sld [smem:$0x7E6]  }
0x1e3: {  	[sflag:s14] =	ssyncset.done $0x0  }
0x1e4: {  	[sflag:s14] =	ssyncadd.s32 $0xFFFFE0C0  }
0x1e5: {  	[tilespmem:s18], [sflag:$0x1] =	stream.linear.gather [hbm4b:s19+s18], $0x1F40, $0x38;
	[tilespmem:$0x7070] =	vst v63  }
0x1e6: {  	_ =	swait.ge [sflag:s14], $0x1F40  }
0x1e7: {  	s19 =	sld [smem:$0x7E7]  }
0x1e8: {  	[sflag:s14] =	ssyncset.done $0x0  }
0x1e9: {  	[sflag:s14] =	ssyncadd.s32 $0xFFFFE0C0  }
0x1ea: {  	[tilespmem:s15], [sflag:$0x1] =	stream.linear.gather [hbm4b:s19+s18], $0x1F40, $0x38;
	[tilespmem:$0x7070] =	vst v63  }
0x1eb: {  	_ =	swait.ge [sflag:s14], $0x1F40  }
0x1ec: {  	[sflag:s14] =	ssyncset.done $0x0  }
0x1ed: {  	[sflag:s14] =	ssyncadd.s32 $0xFFFFE0C0  }
0x1ee: {  	[spmem:s5] =	stream.indirect.scatter.add.f32 [tilespmem:s15], [sflag:$0x1], $0x1, s18, s16, $0xb8;
	[tilespmem:$0x7070] =	vst v63  }
0x1ef: {  	_ =	swait.ge [sflag:s14], $0x1F40  }
0x1f0: {  	s19 =	sld [smem:$0x7E8]  }
0x1f1: {  	[sflag:s14] =	ssyncset.done $0x0  }
0x1f2: {  	[sflag:s14] =	ssyncadd.s32 $0xFFFFE0C0  }
0x1f3: {  	[tilespmem:s18], [sflag:$0x1] =	stream.linear.gather [hbm4b:s19+s18], $0x1F40, $0x38;
	[tilespmem:$0x7070] =	vst v63  }
0x1f4: {  	_ =	swait.ge [sflag:s14], $0x1F40  }
0x1f5: {  	s19 =	sld [smem:$0x7E9]  }
0x1f6: {  	[sflag:s14] =	ssyncset.done $0x0  }
0x1f7: {  	[sflag:s14] =	ssyncadd.s32 $0xFFFFE0C0  }
0x1f8: {  	[tilespmem:s15], [sflag:$0x1] =	stream.linear.gather [hbm4b:s19+s18], $0x1F40, $0x38;
	[tilespmem:$0x7070] =	vst v63  }
0x1f9: {  	_ =	swait.ge [sflag:s14], $0x1F40  }
0x1fa: {  	[sflag:s14] =	ssyncset.done $0x0  }
0x1fb: {  	[sflag:s14] =	ssyncadd.s32 $0xFFFFE0C0  }
0x1fc: {  	[spmem:s5] =	stream.indirect.scatter.add.f32 [tilespmem:s15], [sflag:$0x1], $0x1, s18, s16, $0xb8;
	[tilespmem:$0x7070] =	vst v63  }
0x1fd: {  	_ =	swait.ge [sflag:s14], $0x1F40  }
0x1fe: {  	s19 =	sld [smem:$0x7EA]  }
0x1ff: {  	[sflag:s14] =	ssyncset.done $0x0  }
0x200: {  	[sflag:s14] =	ssyncadd.s32 $0xFFFFE0C0  }
0x201: {  	[tilespmem:s18], [sflag:$0x1] =	stream.linear.gather [hbm4b:s19+s18], $0x1F40, $0x38;
	[tilespmem:$0x7070] =	vst v63  }
0x202: {  	_ =	swait.ge [sflag:s14], $0x1F40  }
0x203: {  	s19 =	sld [smem:$0x7EB]  }
0x204: {  	[sflag:s14] =	ssyncset.done $0x0  }
0x205: {  	[sflag:s14] =	ssyncadd.s32 $0xFFFFE0C0  }
0x206: {  	[tilespmem:s15], [sflag:$0x1] =	stream.linear.gather [hbm4b:s19+s18], $0x1F40, $0x38;
	[tilespmem:$0x7070] =	vst v63  }
0x207: {  	_ =	swait.ge [sflag:s14], $0x1F40  }
0x208: {  	[sflag:s14] =	ssyncset.done $0x0  }
0x209: {  	[sflag:s14] =	ssyncadd.s32 $0xFFFFE0C0  }
0x20a: {  	[spmem:s5] =	stream.indirect.scatter.add.f32 [tilespmem:s15], [sflag:$0x1], $0x1, s18, s16, $0xb8;
	[tilespmem:$0x7070] =	vst v63  }
0x20b: {  	_ =	swait.ge [sflag:s14], $0x1F40  }
0x20c: {  	s19 =	sld [smem:$0x7EC]  }
0x20d: {  	[sflag:s14] =	ssyncset.done $0x0  }
0x20e: {  	[sflag:s14] =	ssyncadd.s32 $0xFFFFE0C0  }
0x20f: {  	[tilespmem:s18], [sflag:$0x1] =	stream.linear.gather [hbm4b:s19+s18], $0x1F40, $0x38;
	[tilespmem:$0x7070] =	vst v63  }
0x210: {  	_ =	swait.ge [sflag:s14], $0x1F40  }
0x211: {  	s19 =	sld [smem:$0x7ED]  }
0x212: {  	[sflag:s14] =	ssyncset.done $0x0  }
0x213: {  	[sflag:s14] =	ssyncadd.s32 $0xFFFFE0C0  }
0x214: {  	[tilespmem:s15], [sflag:$0x1] =	stream.linear.gather [hbm4b:s19+s18], $0x1F40, $0x38;
	[tilespmem:$0x7070] =	vst v63  }
0x215: {  	_ =	swait.ge [sflag:s14], $0x1F40  }
0x216: {  	[sflag:s14] =	ssyncset.done $0x0  }
0x217: {  	[sflag:s14] =	ssyncadd.s32 $0xFFFFE0C0  }
0x218: {  	[spmem:s5] =	stream.indirect.scatter.add.f32 [tilespmem:s15], [sflag:$0x1], $0x1, s18, s16, $0xb8;
	[tilespmem:$0x7070] =	vst v63  }
0x219: {  	_ =	swait.ge [sflag:s14], $0x1F40  }
0x21a: {  	s19 =	sld [smem:$0x7EE]  }
0x21b: {  	[sflag:s14] =	ssyncset.done $0x0  }
0x21c: {  	[sflag:s14] =	ssyncadd.s32 $0xFFFFE0C0  }
0x21d: {  	[tilespmem:s18], [sflag:$0x1] =	stream.linear.gather [hbm4b:s19+s18], $0x1F40, $0x38;
	[tilespmem:$0x7070] =	vst v63  }
0x21e: {  	_ =	swait.ge [sflag:s14], $0x1F40  }
0x21f: {  	s19 =	sld [smem:$0x7EF]  }
0x220: {  	[sflag:s14] =	ssyncset.done $0x0  }
0x221: {  	[sflag:s14] =	ssyncadd.s32 $0xFFFFE0C0  }
0x222: {  	[tilespmem:s15], [sflag:$0x1] =	stream.linear.gather [hbm4b:s19+s18], $0x1F40, $0x38;
	[tilespmem:$0x7070] =	vst v63  }
0x223: {  	_ =	swait.ge [sflag:s14], $0x1F40  }
0x224: {  	[sflag:s14] =	ssyncset.done $0x0  }
0x225: {  	[sflag:s14] =	ssyncadd.s32 $0xFFFFE0C0  }
0x226: {  	[spmem:s5] =	stream.indirect.scatter.add.f32 [tilespmem:s15], [sflag:$0x1], $0x1, s18, s16, $0xb8;
	[tilespmem:$0x7070] =	vst v63  }
0x227: {  	_ =	swait.ge [sflag:s14], $0x1F40  }
0x228: {  	s19 =	sld [smem:$0x7F0]  }
0x229: {  	[sflag:s14] =	ssyncset.done $0x0  }
0x22a: {  	[sflag:s14] =	ssyncadd.s32 $0xFFFFE0C0  }
0x22b: {  	[tilespmem:s18], [sflag:$0x1] =	stream.linear.gather [hbm4b:s19+s18], $0x1F40, $0x38;
	[tilespmem:$0x7070] =	vst v63  }
0x22c: {  	_ =	swait.ge [sflag:s14], $0x1F40  }
0x22d: {  	s19 =	sld [smem:$0x7F1]  }
0x22e: {  	[sflag:s14] =	ssyncset.done $0x0  }
0x22f: {  	[sflag:s14] =	ssyncadd.s32 $0xFFFFE0C0  }
0x230: {  	[tilespmem:s15], [sflag:$0x1] =	stream.linear.gather [hbm4b:s19+s18], $0x1F40, $0x38;
	[tilespmem:$0x7070] =	vst v63  }
0x231: {  	_ =	swait.ge [sflag:s14], $0x1F40  }
0x232: {  	[sflag:s14] =	ssyncset.done $0x0  }
0x233: {  	[sflag:s14] =	ssyncadd.s32 $0xFFFFE0C0  }
0x234: {  	[spmem:s5] =	stream.indirect.scatter.add.f32 [tilespmem:s15], [sflag:$0x1], $0x1, s18, s16, $0xb8;
	[tilespmem:$0x7070] =	vst v63  }
0x235: {  	_ =	swait.ge [sflag:s14], $0x1F40  }
0x236: {  	s19 =	sld [smem:$0x7F2]  }
0x237: {  	[sflag:s14] =	ssyncset.done $0x0  }
0x238: {  	[sflag:s14] =	ssyncadd.s32 $0xFFFFE0C0  }
0x239: {  	[tilespmem:s18], [sflag:$0x1] =	stream.linear.gather [hbm4b:s19+s18], $0x1F40, $0x38;
	[tilespmem:$0x7070] =	vst v63  }
0x23a: {  	_ =	swait.ge [sflag:s14], $0x1F40  }
0x23b: {  	s19 =	sld [smem:$0x7F3]  }
0x23c: {  	[sflag:s14] =	ssyncset.done $0x0  }
0x23d: {  	[sflag:s14] =	ssyncadd.s32 $0xFFFFE0C0  }
0x23e: {  	[tilespmem:s15], [sflag:$0x1] =	stream.linear.gather [hbm4b:s19+s18], $0x1F40, $0x38;
	[tilespmem:$0x7070] =	vst v63  }
0x23f: {  	_ =	swait.ge [sflag:s14], $0x1F40  }
0x240: {  	[sflag:s14] =	ssyncset.done $0x0  }
0x241: {  	[sflag:s14] =	ssyncadd.s32 $0xFFFFE0C0  }
0x242: {  	[spmem:s5] =	stream.indirect.scatter.add.f32 [tilespmem:s15], [sflag:$0x1], $0x1, s18, s16, $0xb8;
	[tilespmem:$0x7070] =	vst v63  }
0x243: {  	_ =	swait.ge [sflag:s14], $0x1F40  }
0x244: {  	s19 =	sld [smem:$0x7F4]  }
0x245: {  	[sflag:s14] =	ssyncset.done $0x0  }
0x246: {  	[sflag:s14] =	ssyncadd.s32 $0xFFFFE0C0  }
0x247: {  	[tilespmem:s18], [sflag:$0x1] =	stream.linear.gather [hbm4b:s19+s18], $0x1F40, $0x38;
	[tilespmem:$0x7070] =	vst v63  }
0x248: {  	_ =	swait.ge [sflag:s14], $0x1F40  }
0x249: {  	s19 =	sld [smem:$0x7F5]  }
0x24a: {  	[sflag:s14] =	ssyncset.done $0x0  }
0x24b: {  	[sflag:s14] =	ssyncadd.s32 $0xFFFFE0C0  }
0x24c: {  	[tilespmem:s15], [sflag:$0x1] =	stream.linear.gather [hbm4b:s19+s18], $0x1F40, $0x38;
	[tilespmem:$0x7070] =	vst v63  }
0x24d: {  	_ =	swait.ge [sflag:s14], $0x1F40  }
0x24e: {  	[sflag:s14] =	ssyncset.done $0x0  }
0x24f: {  	[sflag:s14] =	ssyncadd.s32 $0xFFFFE0C0  }
0x250: {  	[spmem:s5] =	stream.indirect.scatter.add.f32 [tilespmem:s15], [sflag:$0x1], $0x1, s18, s16, $0xb8;
	[tilespmem:$0x7070] =	vst v63  }
0x251: {  	_ =	swait.ge [sflag:s14], $0x1F40  }
0x252: {  	s19 =	sld [smem:$0x7F6]  }
0x253: {  	[sflag:s14] =	ssyncset.done $0x0  }
0x254: {  	[sflag:s14] =	ssyncadd.s32 $0xFFFFE0C0  }
0x255: {  	[tilespmem:s18], [sflag:$0x1] =	stream.linear.gather [hbm4b:s19+s18], $0x1F40, $0x38;
	[tilespmem:$0x7070] =	vst v63  }
0x256: {  	_ =	swait.ge [sflag:s14], $0x1F40  }
0x257: {  	s19 =	sld [smem:$0x7F7]  }
0x258: {  	[sflag:s14] =	ssyncset.done $0x0  }
0x259: {  	[sflag:s14] =	ssyncadd.s32 $0xFFFFE0C0  }
0x25a: {  	[tilespmem:s15], [sflag:$0x1] =	stream.linear.gather [hbm4b:s19+s18], $0x1F40, $0x38;
	[tilespmem:$0x7070] =	vst v63  }
0x25b: {  	_ =	swait.ge [sflag:s14], $0x1F40  }
0x25c: {  	[sflag:s14] =	ssyncset.done $0x0  }
0x25d: {  	[sflag:s14] =	ssyncadd.s32 $0xFFFFE0C0  }
0x25e: {  	[spmem:s5] =	stream.indirect.scatter.add.f32 [tilespmem:s15], [sflag:$0x1], $0x1, s18, s16, $0xb8;
	[tilespmem:$0x7070] =	vst v63  }
0x25f: {  	_ =	swait.ge [sflag:s14], $0x1F40  }
0x260: {  	s19 =	sld [smem:$0x7F8]  }
0x261: {  	[sflag:s14] =	ssyncset.done $0x0  }
0x262: {  	[sflag:s14] =	ssyncadd.s32 $0xFFFFE0C0  }
0x263: {  	[tilespmem:s18], [sflag:$0x1] =	stream.linear.gather [hbm4b:s19+s18], $0x1F40, $0x38;
	[tilespmem:$0x7070] =	vst v63  }
0x264: {  	_ =	swait.ge [sflag:s14], $0x1F40  }
0x265: {  	s19 =	sld [smem:$0x7F9]  }
0x266: {  	[sflag:s14] =	ssyncset.done $0x0  }
0x267: {  	[sflag:s14] =	ssyncadd.s32 $0xFFFFE0C0  }
0x268: {  	[tilespmem:s15], [sflag:$0x1] =	stream.linear.gather [hbm4b:s19+s18], $0x1F40, $0x38;
	[tilespmem:$0x7070] =	vst v63  }
0x269: {  	_ =	swait.ge [sflag:s14], $0x1F40  }
0x26a: {  	[sflag:s14] =	ssyncset.done $0x0  }
0x26b: {  	[sflag:s14] =	ssyncadd.s32 $0xFFFFE0C0  }
0x26c: {  	[spmem:s5] =	stream.indirect.scatter.add.f32 [tilespmem:s15], [sflag:$0x1], $0x1, s18, s16, $0xb8;
	[tilespmem:$0x7070] =	vst v63  }
0x26d: {  	_ =	swait.ge [sflag:s14], $0x1F40  }
0x26e: {  	s19 =	sld [smem:$0x7FA]  }
0x26f: {  	[sflag:s14] =	ssyncset.done $0x0  }
0x270: {  	[sflag:s14] =	ssyncadd.s32 $0xFFFFE0C0  }
0x271: {  	[tilespmem:s18], [sflag:$0x1] =	stream.linear.gather [hbm4b:s19+s18], $0x1F40, $0x38;
	[tilespmem:$0x7070] =	vst v63  }
0x272: {  	_ =	swait.ge [sflag:s14], $0x1F40  }
0x273: {  	s19 =	sld [smem:$0x7FB]  }
0x274: {  	[sflag:s14] =	ssyncset.done $0x0  }
0x275: {  	[sflag:s14] =	ssyncadd.s32 $0xFFFFE0C0  }
0x276: {  	[tilespmem:s15], [sflag:$0x1] =	stream.linear.gather [hbm4b:s19+s18], $0x1F40, $0x38;
	[tilespmem:$0x7070] =	vst v63  }
0x277: {  	_ =	swait.ge [sflag:s14], $0x1F40  }
0x278: {  	[sflag:s14] =	ssyncset.done $0x0  }
0x279: {  	[sflag:s14] =	ssyncadd.s32 $0xFFFFE0C0  }
0x27a: {  	[spmem:s5] =	stream.indirect.scatter.add.f32 [tilespmem:s15], [sflag:$0x1], $0x1, s18, s16, $0xb8;
	[tilespmem:$0x7070] =	vst v63  }
0x27b: {  	_ =	swait.ge [sflag:s14], $0x1F40  }
0x27c: {  	s19 =	sld [smem:$0x7FC]  }
0x27d: {  	[sflag:s14] =	ssyncset.done $0x0  }
0x27e: {  	[sflag:s14] =	ssyncadd.s32 $0xFFFFE0C0  }
0x27f: {  	[tilespmem:s18], [sflag:$0x1] =	stream.linear.gather [hbm4b:s19+s18], $0x1F40, $0x38;
	[tilespmem:$0x7070] =	vst v63  }
0x280: {  	_ =	swait.ge [sflag:s14], $0x1F40  }
0x281: {  	s19 =	sld [smem:$0x7FD]  }
0x282: {  	[sflag:s14] =	ssyncset.done $0x0  }
0x283: {  	[sflag:s14] =	ssyncadd.s32 $0xFFFFE0C0  }
0x284: {  	[tilespmem:s15], [sflag:$0x1] =	stream.linear.gather [hbm4b:s19+s18], $0x1F40, $0x38;
	[tilespmem:$0x7070] =	vst v63  }
0x285: {  	_ =	swait.ge [sflag:s14], $0x1F40  }
0x286: {  	[sflag:s14] =	ssyncset.done $0x0  }
0x287: {  	[sflag:s14] =	ssyncadd.s32 $0xFFFFE0C0  }
0x288: {  	[spmem:s5] =	stream.indirect.scatter.add.f32 [tilespmem:s15], [sflag:$0x1], $0x1, s18, s16, $0xb8;
	[tilespmem:$0x7070] =	vst v63  }
0x289: {  	_ =	swait.ge [sflag:s14], $0x1F40  }
0x28a: {  	[sflag:s14] =	ssyncset.done $0x0  }
0x28b: {  	[sflag:s14] =	ssyncadd.s32 $0xFFFFE0C0  }
0x28c: {  	[tilespmem:s18], [sflag:$0x1] =	stream.linear.gather [hbm4b:s20+s18], $0x1F40, $0x38;
	[tilespmem:$0x7070] =	vst v63  }
0x28d: {  	_ =	swait.ge [sflag:s14], $0x1F40  }
0x28e: {  	[sflag:s14] =	ssyncset.done $0x0  }
0x28f: {  	[sflag:s14] =	ssyncadd.s32 $0xFFFFE0C0  }
0x290: {  	[tilespmem:s15], [sflag:$0x1] =	stream.linear.gather [hbm4b:s21+s18], $0x1F40, $0x38;
	[tilespmem:$0x7070] =	vst v63  }
0x291: {  	_ =	swait.ge [sflag:s14], $0x1F40  }
0x292: {  	[sflag:s14] =	ssyncset.done $0x0  }
0x293: {  	[sflag:s14] =	ssyncadd.s32 $0xFFFFE0C0  }
0x294: {  	[spmem:s5] =	stream.indirect.scatter.add.f32 [tilespmem:s15], [sflag:$0x1], $0x1, s18, s16, $0xb8;
	[tilespmem:$0x7070] =	vst v63  }
0x295: {  	_ =	swait.ge [sflag:s14], $0x1F40  }
0x296: {  	[sflag:s14] =	ssyncset.done $0x0  }
0x297: {  	[sflag:s14] =	ssyncadd.s32 $0xFFFFE0C0  }
0x298: {  	[tilespmem:s18], [sflag:$0x1] =	stream.linear.gather [hbm4b:s22+s18], $0x1F40, $0x38;
	[tilespmem:$0x7070] =	vst v63  }
0x299: {  	_ =	swait.ge [sflag:s14], $0x1F40  }
0x29a: {  	[sflag:s14] =	ssyncset.done $0x0  }
0x29b: {  	[sflag:s14] =	ssyncadd.s32 $0xFFFFE0C0  }
0x29c: {  	[tilespmem:s15], [sflag:$0x1] =	stream.linear.gather [hbm4b:s23+s18], $0x1F40, $0x38;
	[tilespmem:$0x7070] =	vst v63  }
0x29d: {  	_ =	swait.ge [sflag:s14], $0x1F40  }
0x29e: {  	[sflag:s14] =	ssyncset.done $0x0  }
0x29f: {  	[sflag:s14] =	ssyncadd.s32 $0xFFFFE0C0  }
0x2a0: {  	[spmem:s5] =	stream.indirect.scatter.add.f32 [tilespmem:s15], [sflag:$0x1], $0x1, s18, s16, $0xb8;
	[tilespmem:$0x7070] =	vst v63  }
0x2a1: {  	_ =	swait.ge [sflag:s14], $0x1F40  }
0x2a2: {  	[sflag:s14] =	ssyncset.done $0x0  }
0x2a3: {  	[sflag:s14] =	ssyncadd.s32 $0xFFFFE0C0  }
0x2a4: {  	[tilespmem:s18], [sflag:$0x1] =	stream.linear.gather [hbm4b:s24+s18], $0x1F40, $0x38;
	[tilespmem:$0x7070] =	vst v63  }
0x2a5: {  	_ =	swait.ge [sflag:s14], $0x1F40  }
0x2a6: {  	[sflag:s14] =	ssyncset.done $0x0  }
0x2a7: {  	[sflag:s14] =	ssyncadd.s32 $0xFFFFE0C0  }
0x2a8: {  	[tilespmem:s15], [sflag:$0x1] =	stream.linear.gather [hbm4b:s25+s18], $0x1F40, $0x38;
	[tilespmem:$0x7070] =	vst v63  }
0x2a9: {  	_ =	swait.ge [sflag:s14], $0x1F40  }
0x2aa: {  	[sflag:s14] =	ssyncset.done $0x0  }
0x2ab: {  	[sflag:s14] =	ssyncadd.s32 $0xFFFFE0C0  }
0x2ac: {  	[spmem:s5] =	stream.indirect.scatter.add.f32 [tilespmem:s15], [sflag:$0x1], $0x1, s18, s16, $0xb8;
	[tilespmem:$0x7070] =	vst v63  }
0x2ad: {  	_ =	swait.ge [sflag:s14], $0x1F40  }
0x2ae: {  	[sflag:s14] =	ssyncset.done $0x0  }
0x2af: {  	[sflag:s14] =	ssyncadd.s32 $0xFFFFE0C0  }
0x2b0: {  	[tilespmem:s18], [sflag:$0x1] =	stream.linear.gather [hbm4b:s26+s18], $0x1F40, $0x38;
	[tilespmem:$0x7070] =	vst v63  }
0x2b1: {  	_ =	swait.ge [sflag:s14], $0x1F40  }
0x2b2: {  	[sflag:s14] =	ssyncset.done $0x0  }
0x2b3: {  	[sflag:s14] =	ssyncadd.s32 $0xFFFFE0C0  }
0x2b4: {  	[tilespmem:s15], [sflag:$0x1] =	stream.linear.gather [hbm4b:s28+s18], $0x1F40, $0x38;
	[tilespmem:$0x7070] =	vst v63  }
0x2b5: {  	_ =	swait.ge [sflag:s14], $0x1F40  }
0x2b6: {  	[sflag:s14] =	ssyncset.done $0x0  }
0x2b7: {  	[sflag:s14] =	ssyncadd.s32 $0xFFFFE0C0  }
0x2b8: {  	[spmem:s5] =	stream.indirect.scatter.add.f32 [tilespmem:s15], [sflag:$0x1], $0x1, s18, s16, $0xb8;
	[tilespmem:$0x7070] =	vst v63  }
0x2b9: {  	_ =	swait.ge [sflag:s14], $0x1F40  }
0x2ba: {  	[sflag:s14] =	ssyncset.done $0x0  }
0x2bb: {  	[sflag:s14] =	ssyncadd.s32 $0xFFFFE0C0  }
0x2bc: {  	[tilespmem:s18], [sflag:$0x1] =	stream.linear.gather [hbm4b:s29+s18], $0x1F40, $0x38;
	[tilespmem:$0x7070] =	vst v63  }
0x2bd: {  	_ =	swait.ge [sflag:s14], $0x1F40  }
0x2be: {  	[sflag:s14] =	ssyncset.done $0x0  }
0x2bf: {  	[sflag:s14] =	ssyncadd.s32 $0xFFFFE0C0  }
0x2c0: {  	[tilespmem:s15], [sflag:$0x1] =	stream.linear.gather [hbm4b:s30+s18], $0x1F40, $0x38;
	[tilespmem:$0x7070] =	vst v63  }
0x2c1: {  	_ =	swait.ge [sflag:s14], $0x1F40  }
0x2c2: {  	[sflag:s14] =	ssyncset.done $0x0  }
0x2c3: {  	[sflag:s14] =	ssyncadd.s32 $0xFFFFE0C0  }
0x2c4: {  	[spmem:s5] =	stream.indirect.scatter.add.f32 [tilespmem:s15], [sflag:$0x1], $0x1, s18, s16, $0xb8;
	[tilespmem:$0x7070] =	vst v63  }
0x2c5: {  	_ =	swait.ge [sflag:s14], $0x1F40  }
0x2c6: {  	[sflag:s14] =	ssyncset.done $0x0  }
0x2c7: {  	[sflag:s14] =	ssyncadd.s32 $0xFFFFE0C0  }
0x2c8: {  	[tilespmem:s18], [sflag:$0x1] =	stream.linear.gather [hbm4b:s31+s18], $0x1F40, $0x38;
	[tilespmem:$0x7070] =	vst v63  }
0x2c9: {  	_ =	swait.ge [sflag:s14], $0x1F40  }
0x2ca: {  	[sflag:s14] =	ssyncset.done $0x0  }
0x2cb: {  	[sflag:s14] =	ssyncadd.s32 $0xFFFFE0C0  }
0x2cc: {  	[tilespmem:s15], [sflag:$0x1] =	stream.linear.gather [hbm4b:s0+s18], $0x1F40, $0x38;
	[tilespmem:$0x7070] =	vst v63  }
0x2cd: {  	_ =	swait.ge [sflag:s14], $0x1F40  }
0x2ce: {  	[sflag:s14] =	ssyncset.done $0x0  }
0x2cf: {  	[sflag:s14] =	ssyncadd.s32 $0xFFFFE0C0  }
0x2d0: {  	[spmem:s5] =	stream.indirect.scatter.add.f32 [tilespmem:s15], [sflag:$0x1], $0x1, s18, s16, $0xb8;
	[tilespmem:$0x7070] =	vst v63  }
0x2d1: {  	_ =	swait.ge [sflag:s14], $0x1F40  }
0x2d2: {  	[sflag:s14] =	ssyncset.done $0x0  }
0x2d3: {  	[sflag:s14] =	ssyncadd.s32 $0xFFFFE0C0  }
0x2d4: {  	[tilespmem:s18], [sflag:$0x1] =	stream.linear.gather [hbm4b:s1+s18], $0x1F40, $0x38;
	[tilespmem:$0x7070] =	vst v63  }
0x2d5: {  	_ =	swait.ge [sflag:s14], $0x1F40  }
0x2d6: {  	[sflag:s14] =	ssyncset.done $0x0  }
0x2d7: {  	[sflag:s14] =	ssyncadd.s32 $0xFFFFE0C0  }
0x2d8: {  	[tilespmem:s15], [sflag:$0x1] =	stream.linear.gather [hbm4b:s2+s18], $0x1F40, $0x38;
	[tilespmem:$0x7070] =	vst v63  }
0x2d9: {  	_ =	swait.ge [sflag:s14], $0x1F40  }
0x2da: {  	[sflag:s14] =	ssyncset.done $0x0  }
0x2db: {  	[sflag:s14] =	ssyncadd.s32 $0xFFFFE0C0  }
0x2dc: {  	[spmem:s5] =	stream.indirect.scatter.add.f32 [tilespmem:s15], [sflag:$0x1], $0x1, s18, s16, $0xb8;
	[tilespmem:$0x7070] =	vst v63  }
0x2dd: {  	_ =	swait.ge [sflag:s14], $0x1F40  }
0x2de: {  	[sflag:s14] =	ssyncset.done $0x0  }
0x2df: {  	[sflag:s14] =	ssyncadd.s32 $0xFFFFE0C0  }
0x2e0: {  	[tilespmem:s18], [sflag:$0x1] =	stream.linear.gather [hbm4b:s6+s18], $0x1F40, $0x38;
	[tilespmem:$0x7070] =	vst v63  }
0x2e1: {  	_ =	swait.ge [sflag:s14], $0x1F40  }
0x2e2: {  	[sflag:s14] =	ssyncset.done $0x0  }
0x2e3: {  	[sflag:s14] =	ssyncadd.s32 $0xFFFFE0C0  }
0x2e4: {  	[tilespmem:s15], [sflag:$0x1] =	stream.linear.gather [hbm4b:s7+s18], $0x1F40, $0x38;
	[tilespmem:$0x7070] =	vst v63  }
0x2e5: {  	_ =	swait.ge [sflag:s14], $0x1F40  }
0x2e6: {  	[sflag:s14] =	ssyncset.done $0x0  }
0x2e7: {  	[sflag:s14] =	ssyncadd.s32 $0xFFFFE0C0  }
0x2e8: {  	[spmem:s5] =	stream.indirect.scatter.add.f32 [tilespmem:s15], [sflag:$0x1], $0x1, s18, s16, $0xb8;
	[tilespmem:$0x7070] =	vst v63  }
0x2e9: {  	_ =	swait.ge [sflag:s14], $0x1F40  }
0x2ea: {  	[sflag:s14] =	ssyncset.done $0x0  }
0x2eb: {  	[sflag:s14] =	ssyncadd.s32 $0xFFFFE0C0  }
0x2ec: {  	[tilespmem:s18], [sflag:$0x1] =	stream.linear.gather [hbm4b:s8+s18], $0x1F40, $0x38;
	[tilespmem:$0x7070] =	vst v63  }
0x2ed: {  	_ =	swait.ge [sflag:s14], $0x1F40  }
0x2ee: {  	[sflag:s14] =	ssyncset.done $0x0  }
0x2ef: {  	[sflag:s14] =	ssyncadd.s32 $0xFFFFE0C0  }
0x2f0: {  	[tilespmem:s15], [sflag:$0x1] =	stream.linear.gather [hbm4b:s9+s18], $0x1F40, $0x38;
	[tilespmem:$0x7070] =	vst v63  }
0x2f1: {  	_ =	swait.ge [sflag:s14], $0x1F40  }
0x2f2: {  	[sflag:s14] =	ssyncset.done $0x0  }
0x2f3: {  	[sflag:s14] =	ssyncadd.s32 $0xFFFFE0C0  }
0x2f4: {  	[spmem:s5] =	stream.indirect.scatter.add.f32 [tilespmem:s15], [sflag:$0x1], $0x1, s18, s16, $0xb8;
	[tilespmem:$0x7070] =	vst v63  }
0x2f5: {  	_ =	swait.ge [sflag:s14], $0x1F40  }
0x2f6: {  	[sflag:s14] =	ssyncset.done $0x0  }
0x2f7: {  	[sflag:s14] =	ssyncadd.s32 $0xFFFFE0C0  }
0x2f8: {  	[bflag:$0x0] =	sbarrier.arrive $0xFFFF  }
0x2f9: {  	[tilespmem:s13], [sflag:$0x1] =	stream.linear.gather [spmem:s10], $0x1870, $0x38;
	[tilespmem:$0x7070] =	vst v63  }
0x2fa: {  	_ =	swait.ge [sflag:s14], $0x1870  }
0x2fb: {  	[sflag:s14] =	ssyncset.done $0x0  }
0x2fc: {  	s19 =	simm.s32 $0x0;
	[sflag:s14] =	ssyncadd.s32 $0xFFFFE790  }
0x2fd: {  	v1 =	vimm.f32 $0.0e+00;
	s18 =	simm.s32 $0x40;
	v2 =	vld [tilespmem:s19+$0x3F00]  }
.LBB2_4:
0x2fe: {  	p0 =	sne.s32 s18, $0x6180  }
.Ltmp1:
0x2ff: {  	_ = 	snop;
	(pc) =	sbr.rel @p0 .LBB2_4-.Ltmp1, $3  }
0x300: {  	_ =	sdelay $0x1  }
0x301: {  	s19 =	sshra.s32 s18, $0x2;
	s18 =	sadd.s32 $0x40, s18;
	v1 =	vadd.f32 v2, v1  }
0x302: {  	v2 =	vld [tilespmem:s19+$0x3F00]  }
0x303: {  	_ =	sdelay $0x3  }
0x304: {  	s17 =	sadd.s32 $0x1, s17;
	v1 =	vadd.f32 v2, v1  }
0x305: {  	p0 =	sne.s32 s17, s12  }
.Ltmp2:
0x306: {  	s18 =	simm.s32 $0x0;
	s19 =	simm.s32 $0x5780;
	[tilespmem:$0x5780] =	vst v1;
	(pc) =	sbr.rel @p0 .LBB2_1-.Ltmp2, $4  }
0x307: {  	[hbm4b:s11+s18] =	stream.linear.scatter [tilespmem:s19], [sflag:$0x1], $0x80, $0x38;
	[tilespmem:$0x7070] =	vst v63  }
0x308: {  	_ =	swait.ge [sflag:s14], $0x80  }
0x309: {  	[sflag:s14] =	ssyncset.done $0x0  }
0x30a: {  	[sflag:s14] =	ssyncadd.s32 $0xFFFFFF80  }
0x30b: {  	_ =	sfence.sel $0x180000  }
0x30c: {  	[bflag:$0x0] =	sbarrier.arrive $0xFFFF  }
0x30d: {  	_ =	strace $0x90000047  }
0x30e: {  	s0 =	stileid.u32;
	[bflag:$0x2] =	sbarrier.arrive $0xFFFF  }
0x30f: {  	p0 =	sne.s32 s0, $0x0;
	s0 =	rddreg [dreg:$0x4]  }
0x310: {  	s0 =	sadd.s32 @!p0 $0x100000, s0  }
0x311: {  	[sflag:s0] =	ssyncadd.tile.s32 @!p0 $0x1;
	_ =	shalt  }
.Lfunc_end2:
_tile_overlayer_lowered:
.L_overlay_start_2:
0x312: {  	(tag) =	ssettag $0x2  }
0x313: {  	s0 =	rddreg [dreg:$0x0];
	s2 =	stileid.u32  }
0x314: {  	s1 =	rddreg [dreg:$0x1];
	p0 =	sne.s32 s2, $0x0  }
0x315: {  	s3 =	rddreg [dreg:$0x2];
	[bflag:$0x3] =	sbarrier.arrive $0xFFFF;
	s2 =	simm.s32 @!p0 $0x1C01  }
0x316: {  	[timem:s3], [sflag:s2] =	dma.local @!p0 [hbm:s0], s1  }
0x317: {  	s0 =	simm.s32 @!p0 $0x1  }
0x318: {  	_ =	swait.ge @!p0 [sflag:s0], s1  }
0x319: {  	s1 =	ssub.s32 @!p0 $0x0, s1;
	[sflag:s0] =	ssyncset.done @!p0 $0x0  }
0x31a: {  	[sflag:s0] =	ssyncadd.s32 @!p0 s1  }
0x31b: {  	[bflag:$0x3] =	sbarrier.arrive $0xFFFF  }
0x31c: {  	_ =	shalt  }

</sc_bundles>
